<compile_context>
chip_gen: v7x
topology: tpu7x:2x2x1
jax: 0.10.2.dev20260603
libtpu: 0.0.44.dev20260713+nightly
codegen_flags: <defaults>
</compile_context>

<pallas_src>
import functools

import jax
import jax.numpy as jnp
from jax import lax
from jax.experimental import pallas as pl
from jax.experimental.pallas import tpu as pltpu
from jax.experimental.pallas import tpu_sc as plsc

NUM_CORES = 2
NUM_SUBCORES = 16
NUM_WORKERS = NUM_CORES * NUM_SUBCORES
LANES = 16

CHUNK = 80
ZROWS = 40
OWN_ROWS = 640
NBUF = 4
ACC_PAD = 40


def _sc_aggregate(x, edge5):
    n_nodes, d = x.shape
    n_rounds = edge5.shape[2]
    n_acc = n_nodes + ACC_PAD
    tail_rows = n_acc - (NUM_SUBCORES - 1) * OWN_ROWS
    full_blocks = OWN_ROWS // ZROWS
    tail_blocks = tail_rows // ZROWS
    out_tail_blocks = (n_nodes - (NUM_SUBCORES - 1) * OWN_ROWS) // ZROWS
    assert n_rounds % 2 == 0 and n_rounds >= 4

    mesh = plsc.VectorSubcoreMesh(core_axis_name="c", subcore_axis_name="s")

    @functools.partial(
        pl.kernel,
        out_type=jax.ShapeDtypeStruct((NUM_CORES * n_nodes, d), jnp.float32),
        mesh=mesh,
        scratch_types=[
            pltpu.VMEM((2, NBUF, CHUNK), jnp.int32),
            pltpu.VMEM((2, NBUF, CHUNK), jnp.int32),
            pltpu.VMEM((NBUF, CHUNK, d), jnp.float32),
            pltpu.VMEM((ZROWS, d), jnp.float32),
            pltpu.VMEM_SHARED((n_acc, d), jnp.float32),
            [pltpu.SemaphoreType.DMA] * NBUF,
            [pltpu.SemaphoreType.DMA] * 2,
            [pltpu.SemaphoreType.DMA] * NBUF,
            pltpu.SemaphoreType.DMA,
        ],
    )
    def agg_kernel(x_hbm, e_hbm, out_hbm,
                   sidx_v, didx_v, rows_v, buf_v, acc_sh, gsems, isems, ssems,
                   zsem):
        cid = lax.axis_index("c")
        sid = lax.axis_index("s")
        w = cid * NUM_SUBCORES + sid
        my_row0 = sid * OWN_ROWS
        my_blocks = jnp.where(sid == NUM_SUBCORES - 1, tail_blocks, full_blocks)

        def fire_idx(r, s):
            pltpu.async_copy(e_hbm.at[0, w, r], sidx_v.at[s], isems[s])
            pltpu.async_copy(e_hbm.at[1, w, r], didx_v.at[s], isems[s])

        def wait_idx(r, s):
            pltpu.make_async_copy(e_hbm.at[0, w, r], sidx_v.at[s],
                                  isems[s]).wait()
            pltpu.make_async_copy(e_hbm.at[1, w, r], didx_v.at[s],
                                  isems[s]).wait()

        def fire(s, b):
            pltpu.async_copy(x_hbm.at[sidx_v.at[s, b]], rows_v.at[b], gsems[b])

        def drain(s, b):
            pltpu.make_async_copy(
                x_hbm.at[sidx_v.at[s, b]], rows_v.at[b], gsems[b]).wait()

        def scat_fire(s, b):
            pltpu.async_copy(rows_v.at[b], acc_sh.at[didx_v.at[s, b]],
                             ssems[b], add=True)

        def scat_wait(s, b):
            pltpu.make_async_copy(rows_v.at[b], acc_sh.at[didx_v.at[s, b]],
                                  ssems[b]).wait()

        with jax.named_scope("sc_zero"):
            fire_idx(0, 0)
            fire_idx(1, 1)
            wait_idx(0, 0)
            for b in range(NBUF):
                fire(0, b)

            zero = jnp.zeros((LANES,), jnp.float32)

            def zrow(rr, _):
                for j in range(d // LANES):
                    buf_v[rr, pl.ds(j * LANES, LANES)] = zero
                return ()

            lax.fori_loop(0, ZROWS, zrow, ())

            def zblk(k, _):
                pltpu.async_copy(
                    buf_v, acc_sh.at[pl.ds(my_row0 + k * ZROWS, ZROWS)], zsem)
                return ()

            lax.fori_loop(0, my_blocks, zblk, ())

            def zwait(k, _):
                pltpu.make_async_copy(
                    buf_v, acc_sh.at[pl.ds(my_row0 + k * ZROWS, ZROWS)],
                    zsem).wait()
                return ()

            lax.fori_loop(0, my_blocks, zwait, ())
            plsc.subcore_barrier()

        def round_body(r, s, prefetch):
            wait_idx(r + 1, 1 - s)
            for b in range(NBUF):
                drain(s, b)
                scat_fire(s, b)
                if b > 0:
                    scat_wait(s, b - 1)
                    fire(1 - s, b - 1)
            scat_wait(s, NBUF - 1)
            fire(1 - s, NBUF - 1)
            if prefetch:
                fire_idx(r + 2, s)

        def body(t, _):
            round_body(2 * t, 0, True)
            round_body(2 * t + 1, 1, True)
            return ()

        with jax.named_scope("sc_mainloop"):
            lax.fori_loop(0, n_rounds // 2 - 1, body, ())
            round_body(n_rounds - 2, 0, False)
            for b in range(NBUF):
                drain(1, b)
                scat_fire(1, b)
            for b in range(NBUF):
                scat_wait(1, b)
            plsc.subcore_barrier()

        with jax.named_scope("sc_copyout"):
            out_blocks = jnp.where(sid == NUM_SUBCORES - 1,
                                   out_tail_blocks, full_blocks)

            def oblk(k, _):
                row0 = my_row0 + k * ZROWS
                pltpu.async_copy(
                    acc_sh.at[pl.ds(row0, ZROWS)],
                    out_hbm.at[pl.ds(cid * n_nodes + row0, ZROWS)], zsem)
                return ()

            lax.fori_loop(0, out_blocks, oblk, ())

            def owait(k, _):
                row0 = my_row0 + k * ZROWS
                pltpu.make_async_copy(
                    acc_sh.at[pl.ds(row0, ZROWS)],
                    out_hbm.at[pl.ds(cid * n_nodes + row0, ZROWS)], zsem).wait()
                return ()

            lax.fori_loop(0, out_blocks, owait, ())

    return agg_kernel(x, edge5)


def _tc_head(partials, batch3d, w_enc, b_enc, w_proj, b_proj, n_graphs):
    n_nodes = partials.shape[0] // 2
    d = partials.shape[1]
    c = w_proj.shape[1]
    bn = 5000
    n_steps = n_nodes // bn

    def body(p0_ref, p1_ref, b_ref, we_ref, be_ref, wp_ref, bp_ref,
             out_ref, g_acc):
        i = pl.program_id(0)
        agg = p0_ref[...] + p1_ref[...]
        h = jnp.dot(agg, we_ref[...], preferred_element_type=jnp.float32)
        h = jnp.maximum(h + be_ref[...], 0.0)
        seg = b_ref[0, 0, :]
        rows = lax.broadcasted_iota(jnp.int32, (n_graphs, bn), 0)
        onehot = (seg[None, :] == rows).astype(jnp.float32)
        contrib = jnp.dot(onehot, h, preferred_element_type=jnp.float32)

        @pl.when(i == 0)
        def _():
            g_acc[...] = contrib

        @pl.when(i > 0)
        def _():
            g_acc[...] = g_acc[...] + contrib

        @pl.when(i == n_steps - 1)
        def _():
            g = g_acc[...]
            nrm = jnp.sqrt(jnp.sum(g * g, axis=1, keepdims=True))
            g = g / jnp.maximum(nrm, 1e-12)
            o = jnp.dot(g, wp_ref[...], preferred_element_type=jnp.float32)
            o = o + bp_ref[...]
            nrm2 = jnp.sqrt(jnp.sum(o * o, axis=1, keepdims=True))
            out_ref[...] = o / jnp.maximum(nrm2, 1e-12)

    return pl.pallas_call(
        body,
        grid=(n_steps,),
        in_specs=[
            pl.BlockSpec((bn, d), lambda i: (i, 0)),
            pl.BlockSpec((bn, d), lambda i: (n_steps + i, 0)),
            pl.BlockSpec((1, 1, bn), lambda i: (i, 0, 0)),
            pl.BlockSpec((d, d), lambda i: (0, 0)),
            pl.BlockSpec((1, d), lambda i: (0, 0)),
            pl.BlockSpec((d, c), lambda i: (0, 0)),
            pl.BlockSpec((1, c), lambda i: (0, 0)),
        ],
        out_specs=pl.BlockSpec((n_graphs, c), lambda i: (0, 0)),
        out_shape=jax.ShapeDtypeStruct((n_graphs, c), jnp.float32),
        scratch_shapes=[pltpu.VMEM((n_graphs, d), jnp.float32)],
    )(partials, partials, batch3d, w_enc, b_enc, w_proj, b_proj)


def kernel(x, edge_index, batch, W_enc, b_enc, W_proj, b_proj):
    n_nodes, d = x.shape
    n_graphs = 64
    n_edges = edge_index.shape[1]
    round_edges = NUM_WORKERS * NBUF * CHUNK
    n_rounds = -(-n_edges // round_edges)
    if n_rounds % 2:
        n_rounds += 1
    n_pad = n_rounds * round_edges - n_edges
    if n_pad:
        lane = jnp.arange(n_pad, dtype=jnp.int32)
        pad = jnp.stack([lane % n_nodes,
                         n_nodes + lane % ACC_PAD])
        edge_index = jnp.concatenate([edge_index, pad], axis=1)
    edge5 = edge_index.reshape(2, NUM_WORKERS, n_rounds, NBUF, CHUNK)
    partials = _sc_aggregate(x, edge5)
    batch3d = batch.reshape(2, 1, n_nodes // 2)
    return _tc_head(partials, batch3d,
                    W_enc, b_enc.reshape(1, d), W_proj,
                    b_proj.reshape(1, W_proj.shape[1]), n_graphs)

# --- scband reference (transcript-rebuilt; emitter-appended) ---
"""Pipeline reference for scband-graph-fiber-net-89996744720774 (READ-ONLY COPY).

The authoritative reference and input builder live on the scoring server;
editing this copy changes nothing except your own understanding.
"""

import jax, jax.numpy as jnp
import numpy as np

N, E, D, C, G = 10000, 320000, 128, 128, 64

def setup_inputs(seed: int = 0) -> dict:
    key = jax.random.key(seed)
    ks = jax.random.split(key, 8)
    x = jax.random.normal(ks[0], (N, D), dtype=jnp.float32)
    edge_index = jax.random.randint(ks[1], (2, E), 0, N, dtype=jnp.int32)
    batch = jnp.sort(jax.random.randint(ks[2], (N,), 0, G, dtype=jnp.int32))
    W_enc = jax.random.normal(ks[3], (D, D), dtype=jnp.float32) * 0.05
    b_enc = jnp.zeros((D,), dtype=jnp.float32)
    W_proj = jax.random.normal(ks[4], (D, C), dtype=jnp.float32) * 0.05
    b_proj = jnp.zeros((C,), dtype=jnp.float32)
    return {"x": x, "edge_index": edge_index, "batch": batch, "W_enc": W_enc, "b_enc": b_enc, "W_proj": W_proj, "b_proj": b_proj}

def _normalize(v, eps=1e-12):
    # F.normalize(p=2): v / max(||v||_2, eps)
    n = jnp.sqrt(jnp.sum(v * v, axis=-1, keepdims=True))
    return v / jnp.maximum(n, eps)

def reference(x, edge_index, batch, W_enc, b_enc, W_proj, b_proj):
    # Encoder (simple message-passing GNN layer): scatter-add neighbor aggregation + linear + relu
    src = edge_index[0]
    dst = edge_index[1]
    agg = jax.ops.segment_sum(jnp.take(x, src, axis=0), dst, num_segments=N)
    h = jax.nn.relu(agg @ W_enc + b_enc)
    # global_add_pool over graph ids
    g = jax.ops.segment_sum(h, batch, num_segments=G)
    g = _normalize(g)
    out = g @ W_proj + b_proj
    out = _normalize(out)
    return out

if __name__ == "__main__":
    import jax
    _d = setup_inputs()
    print(jax.jit(kernel)(*tuple(_d.values())))

</pallas_src>

<mosaic_0001>
#map = affine_map<(d0, d1) -> (0, 0)>
#map1 = affine_map<(d0, d1) -> (0, 0, 0, 0, 0)>
module attributes {stable_mosaic.version = 14 : i64} {
  func.func @agg_kernel(%arg0: i32, %arg1: i32, %arg2: memref<10000x128xf32, #tpu.memory_space<hbm>>, %arg3: memref<2x32x32x4x80xi32, #tpu.memory_space<hbm>>, %arg4: memref<20000x128xf32, #tpu.memory_space<hbm>>, %arg5: memref<2x4x80xi32, #tpu.memory_space<vmem>>, %arg6: memref<2x4x80xi32, #tpu.memory_space<vmem>>, %arg7: memref<4x80x128xf32, #tpu.memory_space<vmem>>, %arg8: memref<40x128xf32, #tpu.memory_space<vmem>>, %arg9: memref<10040x128xf32, #tpu.memory_space<vmem_shared>>, %arg10: memref<!tpu.dma_semaphore, #tpu.memory_space<semaphore_mem>>, %arg11: memref<!tpu.dma_semaphore, #tpu.memory_space<semaphore_mem>>, %arg12: memref<!tpu.dma_semaphore, #tpu.memory_space<semaphore_mem>>, %arg13: memref<!tpu.dma_semaphore, #tpu.memory_space<semaphore_mem>>, %arg14: memref<!tpu.dma_semaphore, #tpu.memory_space<semaphore_mem>>, %arg15: memref<!tpu.dma_semaphore, #tpu.memory_space<semaphore_mem>>, %arg16: memref<!tpu.dma_semaphore, #tpu.memory_space<semaphore_mem>>, %arg17: memref<!tpu.dma_semaphore, #tpu.memory_space<semaphore_mem>>, %arg18: memref<!tpu.dma_semaphore, #tpu.memory_space<semaphore_mem>>, %arg19: memref<!tpu.dma_semaphore, #tpu.memory_space<semaphore_mem>>, %arg20: memref<!tpu.dma_semaphore, #tpu.memory_space<semaphore_mem>>) attributes {dimension_semantics = [#tpu.dimension_semantics<core_parallel>, #tpu.dimension_semantics<subcore_parallel>], iteration_bounds = array<i64: 2, 16>, scalar_prefetch = 0 : i64, scratch_operands = 16 : i64, tpu.core_type = #tpu.core_type<sc_vector_subcore>, window_params = [{transform_indices = #map}, {transform_indices = #map1}, {transform_indices = #map}]} {
    %mul3A = arith.constant 16 : i32
    %mul3A_0 = arith.muli %arg0, %mul3A : i32
    %add3A = arith.addi %mul3A_0, %arg1 : i32
    %mul3A_1 = arith.constant 640 : i32
    %mul3A_2 = arith.muli %arg1, %mul3A_1 : i32
    %eq3A = arith.constant 15 : i32
    %eq3A_3 = arith.cmpi eq, %arg1, %eq3A : i32
    %jit3A = arith.constant 11 : i32
    %jit3A_4 = arith.constant 16 : i32
    %select_n3A = arith.select %eq3A_3, %jit3A, %jit3A_4 : i32
    %dma_start3A = arith.constant 0 : i32
    %dma_start3A_5 = arith.constant 0 : i32
    %dma_start3A_6 = arith.constant 0 : i32
    "tpu.trace_start"() <{level = 10 : i32, message = "sc_zero"}> : () -> ()
    %dma_start3A_7 = arith.constant 0 : i32
    %dma_start3A_8 = arith.constant 0 : i32
    %dma_start3A_9 = tpu.memref_slice %arg5[%dma_start3A_6, %dma_start3A_7, %dma_start3A_8] : memref<2x4x80xi32, #tpu.memory_space<vmem>> -> memref<1x4x80xi32, #tpu.memory_space<vmem>>
    %dma_start3A_10 = tpu.memref_squeeze %dma_start3A_9 : memref<1x4x80xi32, #tpu.memory_space<vmem>> -> memref<4x80xi32, #tpu.memory_space<vmem>>
    %dma_start3A_11 = arith.constant 0 : i32
    %dma_start3A_12 = arith.constant 0 : i32
    %dma_start3A_13 = tpu.memref_slice %arg3[%dma_start3A, %add3A, %dma_start3A_5, %dma_start3A_11, %dma_start3A_12] : memref<2x32x32x4x80xi32, #tpu.memory_space<hbm>> -> memref<1x1x1x4x80xi32, #tpu.memory_space<hbm>>
    %dma_start3A_14 = tpu.memref_squeeze %dma_start3A_13 : memref<1x1x1x4x80xi32, #tpu.memory_space<hbm>> -> memref<4x80xi32, #tpu.memory_space<hbm>>
    %dma_start3A_15 = arith.constant 0 : i32
    %dma_start3A_16 = arith.constant 0 : i32
    %dma_start3A_17 = tpu.memref_slice %arg5[%dma_start3A_6, %dma_start3A_15, %dma_start3A_16] : memref<2x4x80xi32, #tpu.memory_space<vmem>> -> memref<1x4x80xi32, #tpu.memory_space<vmem>>
    %dma_start3A_18 = tpu.memref_squeeze %dma_start3A_17 : memref<1x4x80xi32, #tpu.memory_space<vmem>> -> memref<4x80xi32, #tpu.memory_space<vmem>>
    %dma_start3A_19 = arith.constant 0 : i32
    %dma_start3A_20 = arith.constant 0 : i32
    %dma_start3A_21 = tpu.memref_slice %arg3[%dma_start3A, %add3A, %dma_start3A_5, %dma_start3A_19, %dma_start3A_20] : memref<2x32x32x4x80xi32, #tpu.memory_space<hbm>> -> memref<1x1x1x4x80xi32, #tpu.memory_space<hbm>>
    %dma_start3A_22 = tpu.memref_squeeze %dma_start3A_21 : memref<1x1x1x4x80xi32, #tpu.memory_space<hbm>> -> memref<4x80xi32, #tpu.memory_space<hbm>>
    tpu.enqueue_dma source(%dma_start3A_22 : memref<4x80xi32, #tpu.memory_space<hbm>>) target(%dma_start3A_18 : memref<4x80xi32, #tpu.memory_space<vmem>>) target_semaphore(%arg14 : memref<!tpu.dma_semaphore, #tpu.memory_space<semaphore_mem>>)
    %dma_start3A_23 = arith.constant 1 : i32
    %dma_start3A_24 = arith.constant 0 : i32
    %dma_start3A_25 = arith.constant 0 : i32
    %dma_start3A_26 = arith.constant 0 : i32
    %dma_start3A_27 = arith.constant 0 : i32
    %dma_start3A_28 = tpu.memref_slice %arg6[%dma_start3A_25, %dma_start3A_26, %dma_start3A_27] : memref<2x4x80xi32, #tpu.memory_space<vmem>> -> memref<1x4x80xi32, #tpu.memory_space<vmem>>
    %dma_start3A_29 = tpu.memref_squeeze %dma_start3A_28 : memref<1x4x80xi32, #tpu.memory_space<vmem>> -> memref<4x80xi32, #tpu.memory_space<vmem>>
    %dma_start3A_30 = arith.constant 0 : i32
    %dma_start3A_31 = arith.constant 0 : i32
    %dma_start3A_32 = tpu.memref_slice %arg3[%dma_start3A_23, %add3A, %dma_start3A_24, %dma_start3A_30, %dma_start3A_31] : memref<2x32x32x4x80xi32, #tpu.memory_space<hbm>> -> memref<1x1x1x4x80xi32, #tpu.memory_space<hbm>>
    %dma_start3A_33 = tpu.memref_squeeze %dma_start3A_32 : memref<1x1x1x4x80xi32, #tpu.memory_space<hbm>> -> memref<4x80xi32, #tpu.memory_space<hbm>>
    %dma_start3A_34 = arith.constant 0 : i32
    %dma_start3A_35 = arith.constant 0 : i32
    %dma_start3A_36 = tpu.memref_slice %arg6[%dma_start3A_25, %dma_start3A_34, %dma_start3A_35] : memref<2x4x80xi32, #tpu.memory_space<vmem>> -> memref<1x4x80xi32, #tpu.memory_space<vmem>>
    %dma_start3A_37 = tpu.memref_squeeze %dma_start3A_36 : memref<1x4x80xi32, #tpu.memory_space<vmem>> -> memref<4x80xi32, #tpu.memory_space<vmem>>
    %dma_start3A_38 = arith.constant 0 : i32
    %dma_start3A_39 = arith.constant 0 : i32
    %dma_start3A_40 = tpu.memref_slice %arg3[%dma_start3A_23, %add3A, %dma_start3A_24, %dma_start3A_38, %dma_start3A_39] : memref<2x32x32x4x80xi32, #tpu.memory_space<hbm>> -> memref<1x1x1x4x80xi32, #tpu.memory_space<hbm>>
    %dma_start3A_41 = tpu.memref_squeeze %dma_start3A_40 : memref<1x1x1x4x80xi32, #tpu.memory_space<hbm>> -> memref<4x80xi32, #tpu.memory_space<hbm>>
    tpu.enqueue_dma source(%dma_start3A_41 : memref<4x80xi32, #tpu.memory_space<hbm>>) target(%dma_start3A_37 : memref<4x80xi32, #tpu.memory_space<vmem>>) target_semaphore(%arg14 : memref<!tpu.dma_semaphore, #tpu.memory_space<semaphore_mem>>)
    %dma_start3A_42 = arith.constant 0 : i32
    %dma_start3A_43 = arith.constant 1 : i32
    %dma_start3A_44 = arith.constant 1 : i32
    %dma_start3A_45 = arith.constant 0 : i32
    %dma_start3A_46 = arith.constant 0 : i32
    %dma_start3A_47 = tpu.memref_slice %arg5[%dma_start3A_44, %dma_start3A_45, %dma_start3A_46] : memref<2x4x80xi32, #tpu.memory_space<vmem>> -> memref<1x4x80xi32, #tpu.memory_space<vmem>>
    %dma_start3A_48 = tpu.memref_squeeze %dma_start3A_47 : memref<1x4x80xi32, #tpu.memory_space<vmem>> -> memref<4x80xi32, #tpu.memory_space<vmem>>
    %dma_start3A_49 = arith.constant 0 : i32
    %dma_start3A_50 = arith.constant 0 : i32
    %dma_start3A_51 = tpu.memref_slice %arg3[%dma_start3A_42, %add3A, %dma_start3A_43, %dma_start3A_49, %dma_start3A_50] : memref<2x32x32x4x80xi32, #tpu.memory_space<hbm>> -> memref<1x1x1x4x80xi32, #tpu.memory_space<hbm>>
    %dma_start3A_52 = tpu.memref_squeeze %dma_start3A_51 : memref<1x1x1x4x80xi32, #tpu.memory_space<hbm>> -> memref<4x80xi32, #tpu.memory_space<hbm>>
    %dma_start3A_53 = arith.constant 0 : i32
    %dma_start3A_54 = arith.constant 0 : i32
    %dma_start3A_55 = tpu.memref_slice %arg5[%dma_start3A_44, %dma_start3A_53, %dma_start3A_54] : memref<2x4x80xi32, #tpu.memory_space<vmem>> -> memref<1x4x80xi32, #tpu.memory_space<vmem>>
    %dma_start3A_56 = tpu.memref_squeeze %dma_start3A_55 : memref<1x4x80xi32, #tpu.memory_space<vmem>> -> memref<4x80xi32, #tpu.memory_space<vmem>>
    %dma_start3A_57 = arith.constant 0 : i32
    %dma_start3A_58 = arith.constant 0 : i32
    %dma_start3A_59 = tpu.memref_slice %arg3[%dma_start3A_42, %add3A, %dma_start3A_43, %dma_start3A_57, %dma_start3A_58] : memref<2x32x32x4x80xi32, #tpu.memory_space<hbm>> -> memref<1x1x1x4x80xi32, #tpu.memory_space<hbm>>
    %dma_start3A_60 = tpu.memref_squeeze %dma_start3A_59 : memref<1x1x1x4x80xi32, #tpu.memory_space<hbm>> -> memref<4x80xi32, #tpu.memory_space<hbm>>
    tpu.enqueue_dma source(%dma_start3A_60 : memref<4x80xi32, #tpu.memory_space<hbm>>) target(%dma_start3A_56 : memref<4x80xi32, #tpu.memory_space<vmem>>) target_semaphore(%arg15 : memref<!tpu.dma_semaphore, #tpu.memory_space<semaphore_mem>>)
    %dma_start3A_61 = arith.constant 1 : i32
    %dma_start3A_62 = arith.constant 1 : i32
    %dma_start3A_63 = arith.constant 1 : i32
    %dma_start3A_64 = arith.constant 0 : i32
    %dma_start3A_65 = arith.constant 0 : i32
    %dma_start3A_66 = tpu.memref_slice %arg6[%dma_start3A_63, %dma_start3A_64, %dma_start3A_65] : memref<2x4x80xi32, #tpu.memory_space<vmem>> -> memref<1x4x80xi32, #tpu.memory_space<vmem>>
    %dma_start3A_67 = tpu.memref_squeeze %dma_start3A_66 : memref<1x4x80xi32, #tpu.memory_space<vmem>> -> memref<4x80xi32, #tpu.memory_space<vmem>>
    %dma_start3A_68 = arith.constant 0 : i32
    %dma_start3A_69 = arith.constant 0 : i32
    %dma_start3A_70 = tpu.memref_slice %arg3[%dma_start3A_61, %add3A, %dma_start3A_62, %dma_start3A_68, %dma_start3A_69] : memref<2x32x32x4x80xi32, #tpu.memory_space<hbm>> -> memref<1x1x1x4x80xi32, #tpu.memory_space<hbm>>
    %dma_start3A_71 = tpu.memref_squeeze %dma_start3A_70 : memref<1x1x1x4x80xi32, #tpu.memory_space<hbm>> -> memref<4x80xi32, #tpu.memory_space<hbm>>
    %dma_start3A_72 = arith.constant 0 : i32
    %dma_start3A_73 = arith.constant 0 : i32
    %dma_start3A_74 = tpu.memref_slice %arg6[%dma_start3A_63, %dma_start3A_72, %dma_start3A_73] : memref<2x4x80xi32, #tpu.memory_space<vmem>> -> memref<1x4x80xi32, #tpu.memory_space<vmem>>
    %dma_start3A_75 = tpu.memref_squeeze %dma_start3A_74 : memref<1x4x80xi32, #tpu.memory_space<vmem>> -> memref<4x80xi32, #tpu.memory_space<vmem>>
    %dma_start3A_76 = arith.constant 0 : i32
    %dma_start3A_77 = arith.constant 0 : i32
    %dma_start3A_78 = tpu.memref_slice %arg3[%dma_start3A_61, %add3A, %dma_start3A_62, %dma_start3A_76, %dma_start3A_77] : memref<2x32x32x4x80xi32, #tpu.memory_space<hbm>> -> memref<1x1x1x4x80xi32, #tpu.memory_space<hbm>>
    %dma_start3A_79 = tpu.memref_squeeze %dma_start3A_78 : memref<1x1x1x4x80xi32, #tpu.memory_space<hbm>> -> memref<4x80xi32, #tpu.memory_space<hbm>>
    tpu.enqueue_dma source(%dma_start3A_79 : memref<4x80xi32, #tpu.memory_space<hbm>>) target(%dma_start3A_75 : memref<4x80xi32, #tpu.memory_space<vmem>>) target_semaphore(%arg15 : memref<!tpu.dma_semaphore, #tpu.memory_space<semaphore_mem>>)
    %dma_wait3A = arith.constant 0 : i32
    %dma_wait3A_80 = arith.constant 0 : i32
    %dma_wait3A_81 = arith.constant 0 : i32
    %dma_wait3A_82 = arith.constant 0 : i32
    %dma_wait3A_83 = arith.constant 0 : i32
    %dma_wait3A_84 = tpu.memref_slice %arg5[%dma_wait3A_81, %dma_wait3A_82, %dma_wait3A_83] : memref<2x4x80xi32, #tpu.memory_space<vmem>> -> memref<1x4x80xi32, #tpu.memory_space<vmem>>
    %dma_wait3A_85 = tpu.memref_squeeze %dma_wait3A_84 : memref<1x4x80xi32, #tpu.memory_space<vmem>> -> memref<4x80xi32, #tpu.memory_space<vmem>>
    %dma_wait3A_86 = arith.constant 0 : i32
    %dma_wait3A_87 = arith.constant 0 : i32
    %dma_wait3A_88 = tpu.memref_slice %arg3[%dma_wait3A, %add3A, %dma_wait3A_80, %dma_wait3A_86, %dma_wait3A_87] : memref<2x32x32x4x80xi32, #tpu.memory_space<hbm>> -> memref<1x1x1x4x80xi32, #tpu.memory_space<hbm>>
    %dma_wait3A_89 = tpu.memref_squeeze %dma_wait3A_88 : memref<1x1x1x4x80xi32, #tpu.memory_space<hbm>> -> memref<4x80xi32, #tpu.memory_space<hbm>>
    %dma_wait3A_90 = arith.constant 0 : i32
    %dma_wait3A_91 = arith.constant 0 : i32
    %dma_wait3A_92 = tpu.memref_slice %arg5[%dma_wait3A_81, %dma_wait3A_90, %dma_wait3A_91] : memref<2x4x80xi32, #tpu.memory_space<vmem>> -> memref<1x4x80xi32, #tpu.memory_space<vmem>>
    %dma_wait3A_93 = tpu.memref_squeeze %dma_wait3A_92 : memref<1x4x80xi32, #tpu.memory_space<vmem>> -> memref<4x80xi32, #tpu.memory_space<vmem>>
    %dma_wait3A_94 = arith.constant 0 : i32
    %dma_wait3A_95 = arith.constant 0 : i32
    %dma_wait3A_96 = tpu.memref_slice %arg3[%dma_wait3A, %add3A, %dma_wait3A_80, %dma_wait3A_94, %dma_wait3A_95] : memref<2x32x32x4x80xi32, #tpu.memory_space<hbm>> -> memref<1x1x1x4x80xi32, #tpu.memory_space<hbm>>
    %dma_wait3A_97 = tpu.memref_squeeze %dma_wait3A_96 : memref<1x1x1x4x80xi32, #tpu.memory_space<hbm>> -> memref<4x80xi32, #tpu.memory_space<hbm>>
    tpu.wait_dma2 semaphore(%arg14 : memref<!tpu.dma_semaphore, #tpu.memory_space<semaphore_mem>>) src(%dma_wait3A_97 : memref<4x80xi32, #tpu.memory_space<hbm>>) dst(%dma_wait3A_93 : memref<4x80xi32, #tpu.memory_space<vmem>>)
    %dma_wait3A_98 = arith.constant 1 : i32
    %dma_wait3A_99 = arith.constant 0 : i32
    %dma_wait3A_100 = arith.constant 0 : i32
    %dma_wait3A_101 = arith.constant 0 : i32
    %dma_wait3A_102 = arith.constant 0 : i32
    %dma_wait3A_103 = tpu.memref_slice %arg6[%dma_wait3A_100, %dma_wait3A_101, %dma_wait3A_102] : memref<2x4x80xi32, #tpu.memory_space<vmem>> -> memref<1x4x80xi32, #tpu.memory_space<vmem>>
    %dma_wait3A_104 = tpu.memref_squeeze %dma_wait3A_103 : memref<1x4x80xi32, #tpu.memory_space<vmem>> -> memref<4x80xi32, #tpu.memory_space<vmem>>
    %dma_wait3A_105 = arith.constant 0 : i32
    %dma_wait3A_106 = arith.constant 0 : i32
    %dma_wait3A_107 = tpu.memref_slice %arg3[%dma_wait3A_98, %add3A, %dma_wait3A_99, %dma_wait3A_105, %dma_wait3A_106] : memref<2x32x32x4x80xi32, #tpu.memory_space<hbm>> -> memref<1x1x1x4x80xi32, #tpu.memory_space<hbm>>
    %dma_wait3A_108 = tpu.memref_squeeze %dma_wait3A_107 : memref<1x1x1x4x80xi32, #tpu.memory_space<hbm>> -> memref<4x80xi32, #tpu.memory_space<hbm>>
    %dma_wait3A_109 = arith.constant 0 : i32
    %dma_wait3A_110 = arith.constant 0 : i32
    %dma_wait3A_111 = tpu.memref_slice %arg6[%dma_wait3A_100, %dma_wait3A_109, %dma_wait3A_110] : memref<2x4x80xi32, #tpu.memory_space<vmem>> -> memref<1x4x80xi32, #tpu.memory_space<vmem>>
    %dma_wait3A_112 = tpu.memref_squeeze %dma_wait3A_111 : memref<1x4x80xi32, #tpu.memory_space<vmem>> -> memref<4x80xi32, #tpu.memory_space<vmem>>
    %dma_wait3A_113 = arith.constant 0 : i32
    %dma_wait3A_114 = arith.constant 0 : i32
    %dma_wait3A_115 = tpu.memref_slice %arg3[%dma_wait3A_98, %add3A, %dma_wait3A_99, %dma_wait3A_113, %dma_wait3A_114] : memref<2x32x32x4x80xi32, #tpu.memory_space<hbm>> -> memref<1x1x1x4x80xi32, #tpu.memory_space<hbm>>
    %dma_wait3A_116 = tpu.memref_squeeze %dma_wait3A_115 : memref<1x1x1x4x80xi32, #tpu.memory_space<hbm>> -> memref<4x80xi32, #tpu.memory_space<hbm>>
    tpu.wait_dma2 semaphore(%arg14 : memref<!tpu.dma_semaphore, #tpu.memory_space<semaphore_mem>>) src(%dma_wait3A_116 : memref<4x80xi32, #tpu.memory_space<hbm>>) dst(%dma_wait3A_112 : memref<4x80xi32, #tpu.memory_space<vmem>>)
    %dma_start3A_117 = arith.constant 0 : i32
    %dma_start3A_118 = arith.constant 0 : i32
    %dma_start3A_119 = arith.constant 0 : i32
    %dma_start3A_120 = arith.constant 0 : i32
    %dma_start3A_121 = arith.constant 0 : i32
    %dma_start3A_122 = tpu.memref_slice %arg7[%dma_start3A_119, %dma_start3A_120, %dma_start3A_121] : memref<4x80x128xf32, #tpu.memory_space<vmem>> -> memref<1x80x128xf32, #tpu.memory_space<vmem>>
    %dma_start3A_123 = tpu.memref_squeeze %dma_start3A_122 : memref<1x80x128xf32, #tpu.memory_space<vmem>> -> memref<80x128xf32, #tpu.memory_space<vmem>>
    %dma_start3A_124 = arith.constant 0 : i32
    %dma_start3A_125 = tpu.memref_slice %arg5[%dma_start3A_117, %dma_start3A_118, %dma_start3A_124] : memref<2x4x80xi32, #tpu.memory_space<vmem>> -> memref<1x1x80xi32, #tpu.memory_space<vmem>>
    %dma_start3A_126 = tpu.memref_squeeze %dma_start3A_125 : memref<1x1x80xi32, #tpu.memory_space<vmem>> -> memref<80xi32, #tpu.memory_space<vmem>>
    %dma_start3A_127 = arith.constant 0 : i32
    %dma_start3A_128 = arith.constant 0 : i32
    %dma_start3A_129 = tpu.memref_slice %arg2[%dma_start3A_127, %dma_start3A_128] : memref<10000x128xf32, #tpu.memory_space<hbm>> -> memref<10000x128xf32, #tpu.memory_space<hbm>>
    tpu.enqueue_indirect_dma source(%dma_start3A_129 : memref<10000x128xf32, #tpu.memory_space<hbm>>) target(%dma_start3A_123 : memref<80x128xf32, #tpu.memory_space<vmem>>) offsets(%dma_start3A_126 : memref<80xi32, #tpu.memory_space<vmem>>) semaphore(%arg10 : memref<!tpu.dma_semaphore, #tpu.memory_space<semaphore_mem>>)
    %dma_start3A_130 = arith.constant 0 : i32
    %dma_start3A_131 = arith.constant 1 : i32
    %dma_start3A_132 = arith.constant 1 : i32
    %dma_start3A_133 = arith.constant 0 : i32
    %dma_start3A_134 = arith.constant 0 : i32
    %dma_start3A_135 = tpu.memref_slice %arg7[%dma_start3A_132, %dma_start3A_133, %dma_start3A_134] : memref<4x80x128xf32, #tpu.memory_space<vmem>> -> memref<1x80x128xf32, #tpu.memory_space<vmem>>
    %dma_start3A_136 = tpu.memref_squeeze %dma_start3A_135 : memref<1x80x128xf32, #tpu.memory_space<vmem>> -> memref<80x128xf32, #tpu.memory_space<vmem>>
    %dma_start3A_137 = arith.constant 0 : i32
    %dma_start3A_138 = tpu.memref_slice %arg5[%dma_start3A_130, %dma_start3A_131, %dma_start3A_137] : memref<2x4x80xi32, #tpu.memory_space<vmem>> -> memref<1x1x80xi32, #tpu.memory_space<vmem>>
    %dma_start3A_139 = tpu.memref_squeeze %dma_start3A_138 : memref<1x1x80xi32, #tpu.memory_space<vmem>> -> memref<80xi32, #tpu.memory_space<vmem>>
    %dma_start3A_140 = arith.constant 0 : i32
    %dma_start3A_141 = arith.constant 0 : i32
    %dma_start3A_142 = tpu.memref_slice %arg2[%dma_start3A_140, %dma_start3A_141] : memref<10000x128xf32, #tpu.memory_space<hbm>> -> memref<10000x128xf32, #tpu.memory_space<hbm>>
    tpu.enqueue_indirect_dma source(%dma_start3A_142 : memref<10000x128xf32, #tpu.memory_space<hbm>>) target(%dma_start3A_136 : memref<80x128xf32, #tpu.memory_space<vmem>>) offsets(%dma_start3A_139 : memref<80xi32, #tpu.memory_space<vmem>>) semaphore(%arg11 : memref<!tpu.dma_semaphore, #tpu.memory_space<semaphore_mem>>)
    %dma_start3A_143 = arith.constant 0 : i32
    %dma_start3A_144 = arith.constant 2 : i32
    %dma_start3A_145 = arith.constant 2 : i32
    %dma_start3A_146 = arith.constant 0 : i32
    %dma_start3A_147 = arith.constant 0 : i32
    %dma_start3A_148 = tpu.memref_slice %arg7[%dma_start3A_145, %dma_start3A_146, %dma_start3A_147] : memref<4x80x128xf32, #tpu.memory_space<vmem>> -> memref<1x80x128xf32, #tpu.memory_space<vmem>>
    %dma_start3A_149 = tpu.memref_squeeze %dma_start3A_148 : memref<1x80x128xf32, #tpu.memory_space<vmem>> -> memref<80x128xf32, #tpu.memory_space<vmem>>
    %dma_start3A_150 = arith.constant 0 : i32
    %dma_start3A_151 = tpu.memref_slice %arg5[%dma_start3A_143, %dma_start3A_144, %dma_start3A_150] : memref<2x4x80xi32, #tpu.memory_space<vmem>> -> memref<1x1x80xi32, #tpu.memory_space<vmem>>
    %dma_start3A_152 = tpu.memref_squeeze %dma_start3A_151 : memref<1x1x80xi32, #tpu.memory_space<vmem>> -> memref<80xi32, #tpu.memory_space<vmem>>
    %dma_start3A_153 = arith.constant 0 : i32
    %dma_start3A_154 = arith.constant 0 : i32
    %dma_start3A_155 = tpu.memref_slice %arg2[%dma_start3A_153, %dma_start3A_154] : memref<10000x128xf32, #tpu.memory_space<hbm>> -> memref<10000x128xf32, #tpu.memory_space<hbm>>
    tpu.enqueue_indirect_dma source(%dma_start3A_155 : memref<10000x128xf32, #tpu.memory_space<hbm>>) target(%dma_start3A_149 : memref<80x128xf32, #tpu.memory_space<vmem>>) offsets(%dma_start3A_152 : memref<80xi32, #tpu.memory_space<vmem>>) semaphore(%arg12 : memref<!tpu.dma_semaphore, #tpu.memory_space<semaphore_mem>>)
    %dma_start3A_156 = arith.constant 0 : i32
    %dma_start3A_157 = arith.constant 3 : i32
    %dma_start3A_158 = arith.constant 3 : i32
    %dma_start3A_159 = arith.constant 0 : i32
    %dma_start3A_160 = arith.constant 0 : i32
    %dma_start3A_161 = tpu.memref_slice %arg7[%dma_start3A_158, %dma_start3A_159, %dma_start3A_160] : memref<4x80x128xf32, #tpu.memory_space<vmem>> -> memref<1x80x128xf32, #tpu.memory_space<vmem>>
    %dma_start3A_162 = tpu.memref_squeeze %dma_start3A_161 : memref<1x80x128xf32, #tpu.memory_space<vmem>> -> memref<80x128xf32, #tpu.memory_space<vmem>>
    %dma_start3A_163 = arith.constant 0 : i32
    %dma_start3A_164 = tpu.memref_slice %arg5[%dma_start3A_156, %dma_start3A_157, %dma_start3A_163] : memref<2x4x80xi32, #tpu.memory_space<vmem>> -> memref<1x1x80xi32, #tpu.memory_space<vmem>>
    %dma_start3A_165 = tpu.memref_squeeze %dma_start3A_164 : memref<1x1x80xi32, #tpu.memory_space<vmem>> -> memref<80xi32, #tpu.memory_space<vmem>>
    %dma_start3A_166 = arith.constant 0 : i32
    %dma_start3A_167 = arith.constant 0 : i32
    %dma_start3A_168 = tpu.memref_slice %arg2[%dma_start3A_166, %dma_start3A_167] : memref<10000x128xf32, #tpu.memory_space<hbm>> -> memref<10000x128xf32, #tpu.memory_space<hbm>>
    tpu.enqueue_indirect_dma source(%dma_start3A_168 : memref<10000x128xf32, #tpu.memory_space<hbm>>) target(%dma_start3A_162 : memref<80x128xf32, #tpu.memory_space<vmem>>) offsets(%dma_start3A_165 : memref<80xi32, #tpu.memory_space<vmem>>) semaphore(%arg13 : memref<!tpu.dma_semaphore, #tpu.memory_space<semaphore_mem>>)
    %broadcast_in_dim3A = arith.constant 0.000000e+00 : f32
    %broadcast_in_dim3A_169 = vector.broadcast %broadcast_in_dim3A : f32 to vector<16xf32>
    %scan3A = arith.constant 0 : i32
    %scan3A_170 = arith.constant 40 : i32
    %scan3A_171 = arith.addi %scan3A, %scan3A_170 : i32
    %scan3A_172 = arith.constant 1 : i32
    scf.for %scan3A_622 = %scan3A to %scan3A_171 step %scan3A_172  : i32 {
      %swap3A = arith.index_cast %scan3A_622 : i32 to index
      %swap3A_623 = arith.constant 0 : index
      %swap3A_624 = tpu.vector_load %arg8[%swap3A, %swap3A_623] {strides = array<i32>} : memref<40x128xf32, #tpu.memory_space<vmem>>, vector<1x16xf32>,
      %swap3A_625 = vector.shape_cast %swap3A_624 : vector<1x16xf32> to vector<16xf32>
      %swap3A_626 = vector.shape_cast %broadcast_in_dim3A_169 : vector<16xf32> to vector<1x16xf32>
      tpu.vector_store %arg8[%swap3A, %swap3A_623], %swap3A_626 {strides = array<i32>} : memref<40x128xf32, #tpu.memory_space<vmem>>, vector<1x16xf32>,
      %swap3A_627 = arith.index_cast %scan3A_622 : i32 to index
      %swap3A_628 = arith.constant 16 : index
      %swap3A_629 = tpu.vector_load %arg8[%swap3A_627, %swap3A_628] {strides = array<i32>} : memref<40x128xf32, #tpu.memory_space<vmem>>, vector<1x16xf32>,
      %swap3A_630 = vector.shape_cast %swap3A_629 : vector<1x16xf32> to vector<16xf32>
      %swap3A_631 = vector.shape_cast %broadcast_in_dim3A_169 : vector<16xf32> to vector<1x16xf32>
      tpu.vector_store %arg8[%swap3A_627, %swap3A_628], %swap3A_631 {strides = array<i32>} : memref<40x128xf32, #tpu.memory_space<vmem>>, vector<1x16xf32>,
      %swap3A_632 = arith.index_cast %scan3A_622 : i32 to index
      %swap3A_633 = arith.constant 32 : index
      %swap3A_634 = tpu.vector_load %arg8[%swap3A_632, %swap3A_633] {strides = array<i32>} : memref<40x128xf32, #tpu.memory_space<vmem>>, vector<1x16xf32>,
      %swap3A_635 = vector.shape_cast %swap3A_634 : vector<1x16xf32> to vector<16xf32>
      %swap3A_636 = vector.shape_cast %broadcast_in_dim3A_169 : vector<16xf32> to vector<1x16xf32>
      tpu.vector_store %arg8[%swap3A_632, %swap3A_633], %swap3A_636 {strides = array<i32>} : memref<40x128xf32, #tpu.memory_space<vmem>>, vector<1x16xf32>,
      %swap3A_637 = arith.index_cast %scan3A_622 : i32 to index
      %swap3A_638 = arith.constant 48 : index
      %swap3A_639 = tpu.vector_load %arg8[%swap3A_637, %swap3A_638] {strides = array<i32>} : memref<40x128xf32, #tpu.memory_space<vmem>>, vector<1x16xf32>,
      %swap3A_640 = vector.shape_cast %swap3A_639 : vector<1x16xf32> to vector<16xf32>
      %swap3A_641 = vector.shape_cast %broadcast_in_dim3A_169 : vector<16xf32> to vector<1x16xf32>
      tpu.vector_store %arg8[%swap3A_637, %swap3A_638], %swap3A_641 {strides = array<i32>} : memref<40x128xf32, #tpu.memory_space<vmem>>, vector<1x16xf32>,
      %swap3A_642 = arith.index_cast %scan3A_622 : i32 to index
      %swap3A_643 = arith.constant 64 : index
      %swap3A_644 = tpu.vector_load %arg8[%swap3A_642, %swap3A_643] {strides = array<i32>} : memref<40x128xf32, #tpu.memory_space<vmem>>, vector<1x16xf32>,
      %swap3A_645 = vector.shape_cast %swap3A_644 : vector<1x16xf32> to vector<16xf32>
      %swap3A_646 = vector.shape_cast %broadcast_in_dim3A_169 : vector<16xf32> to vector<1x16xf32>
      tpu.vector_store %arg8[%swap3A_642, %swap3A_643], %swap3A_646 {strides = array<i32>} : memref<40x128xf32, #tpu.memory_space<vmem>>, vector<1x16xf32>,
      %swap3A_647 = arith.index_cast %scan3A_622 : i32 to index
      %swap3A_648 = arith.constant 80 : index
      %swap3A_649 = tpu.vector_load %arg8[%swap3A_647, %swap3A_648] {strides = array<i32>} : memref<40x128xf32, #tpu.memory_space<vmem>>, vector<1x16xf32>,
      %swap3A_650 = vector.shape_cast %swap3A_649 : vector<1x16xf32> to vector<16xf32>
      %swap3A_651 = vector.shape_cast %broadcast_in_dim3A_169 : vector<16xf32> to vector<1x16xf32>
      tpu.vector_store %arg8[%swap3A_647, %swap3A_648], %swap3A_651 {strides = array<i32>} : memref<40x128xf32, #tpu.memory_space<vmem>>, vector<1x16xf32>,
      %swap3A_652 = arith.index_cast %scan3A_622 : i32 to index
      %swap3A_653 = arith.constant 96 : index
      %swap3A_654 = tpu.vector_load %arg8[%swap3A_652, %swap3A_653] {strides = array<i32>} : memref<40x128xf32, #tpu.memory_space<vmem>>, vector<1x16xf32>,
      %swap3A_655 = vector.shape_cast %swap3A_654 : vector<1x16xf32> to vector<16xf32>
      %swap3A_656 = vector.shape_cast %broadcast_in_dim3A_169 : vector<16xf32> to vector<1x16xf32>
      tpu.vector_store %arg8[%swap3A_652, %swap3A_653], %swap3A_656 {strides = array<i32>} : memref<40x128xf32, #tpu.memory_space<vmem>>, vector<1x16xf32>,
      %swap3A_657 = arith.index_cast %scan3A_622 : i32 to index
      %swap3A_658 = arith.constant 112 : index
      %swap3A_659 = tpu.vector_load %arg8[%swap3A_657, %swap3A_658] {strides = array<i32>} : memref<40x128xf32, #tpu.memory_space<vmem>>, vector<1x16xf32>,
      %swap3A_660 = vector.shape_cast %swap3A_659 : vector<1x16xf32> to vector<16xf32>
      %swap3A_661 = vector.shape_cast %broadcast_in_dim3A_169 : vector<16xf32> to vector<1x16xf32>
      tpu.vector_store %arg8[%swap3A_657, %swap3A_658], %swap3A_661 {strides = array<i32>} : memref<40x128xf32, #tpu.memory_space<vmem>>, vector<1x16xf32>,
    }
    %scan3A_173 = arith.constant 40 : i32
    %while3A = arith.constant 0 : i32
    %while3A_174 = arith.subi %select_n3A, %while3A : i32
    %while3A_175 = arith.addi %while3A, %while3A_174 : i32
    %while3A_176 = arith.constant 1 : i32
    %while3A_177 = arith.divsi %while3A_174, %while3A_176 : i32
    %while3A_178 = arith.muli %while3A_177, %while3A_176 : i32
    %while3A_179 = arith.addi %while3A, %while3A_178 : i32
    %while3A_180 = arith.constant 1 : i32
    scf.for %while3A_622 = %while3A to %while3A_179 step %while3A_180  : i32 {
      %mul3A_623 = arith.constant 40 : i32
      %mul3A_624 = arith.muli %while3A_622, %mul3A_623 : i32
      %add3A_625 = arith.addi %mul3A_2, %mul3A_624 : i32
      %dma_start3A_626 = arith.constant 0 : i32
      %dma_start3A_627 = tpu.memref_slice %arg9[%add3A_625, %dma_start3A_626] : memref<10040x128xf32, #tpu.memory_space<vmem_shared>> -> memref<40x128xf32, #tpu.memory_space<vmem_shared>>
      %dma_start3A_628 = arith.constant 0 : i32
      %dma_start3A_629 = tpu.memref_slice %arg9[%add3A_625, %dma_start3A_628] : memref<10040x128xf32, #tpu.memory_space<vmem_shared>> -> memref<40x128xf32, #tpu.memory_space<vmem_shared>>
      tpu.enqueue_dma source(%arg8 : memref<40x128xf32, #tpu.memory_space<vmem>>) target(%dma_start3A_629 : memref<40x128xf32, #tpu.memory_space<vmem_shared>>) target_semaphore(%arg20 : memref<!tpu.dma_semaphore, #tpu.memory_space<semaphore_mem>>)
    }
    %while3A_181 = arith.constant 1 : i32
    scf.for %while3A_622 = %while3A_179 to %while3A_175 step %while3A_181  : i32 {
      %mul3A_623 = arith.constant 40 : i32
      %mul3A_624 = arith.muli %while3A_622, %mul3A_623 : i32
      %add3A_625 = arith.addi %mul3A_2, %mul3A_624 : i32
      %dma_start3A_626 = arith.constant 0 : i32
      %dma_start3A_627 = tpu.memref_slice %arg9[%add3A_625, %dma_start3A_626] : memref<10040x128xf32, #tpu.memory_space<vmem_shared>> -> memref<40x128xf32, #tpu.memory_space<vmem_shared>>
      %dma_start3A_628 = arith.constant 0 : i32
      %dma_start3A_629 = tpu.memref_slice %arg9[%add3A_625, %dma_start3A_628] : memref<10040x128xf32, #tpu.memory_space<vmem_shared>> -> memref<40x128xf32, #tpu.memory_space<vmem_shared>>
      tpu.enqueue_dma source(%arg8 : memref<40x128xf32, #tpu.memory_space<vmem>>) target(%dma_start3A_629 : memref<40x128xf32, #tpu.memory_space<vmem_shared>>) target_semaphore(%arg20 : memref<!tpu.dma_semaphore, #tpu.memory_space<semaphore_mem>>)
    }
    %while3A_182 = arith.constant 0 : i32
    %while3A_183 = arith.subi %select_n3A, %while3A_182 : i32
    %while3A_184 = arith.addi %while3A_182, %while3A_183 : i32
    %while3A_185 = arith.constant 1 : i32
    %while3A_186 = arith.divsi %while3A_183, %while3A_185 : i32
    %while3A_187 = arith.muli %while3A_186, %while3A_185 : i32
    %while3A_188 = arith.addi %while3A_182, %while3A_187 : i32
    %while3A_189 = arith.constant 1 : i32
    scf.for %while3A_622 = %while3A_182 to %while3A_188 step %while3A_189  : i32 {
      %mul3A_623 = arith.constant 40 : i32
      %mul3A_624 = arith.muli %while3A_622, %mul3A_623 : i32
      %add3A_625 = arith.addi %mul3A_2, %mul3A_624 : i32
      %dma_wait3A_626 = arith.constant 0 : i32
      %dma_wait3A_627 = tpu.memref_slice %arg9[%add3A_625, %dma_wait3A_626] : memref<10040x128xf32, #tpu.memory_space<vmem_shared>> -> memref<40x128xf32, #tpu.memory_space<vmem_shared>>
      %dma_wait3A_628 = arith.constant 0 : i32
      %dma_wait3A_629 = tpu.memref_slice %arg9[%add3A_625, %dma_wait3A_628] : memref<10040x128xf32, #tpu.memory_space<vmem_shared>> -> memref<40x128xf32, #tpu.memory_space<vmem_shared>>
      tpu.wait_dma2 semaphore(%arg20 : memref<!tpu.dma_semaphore, #tpu.memory_space<semaphore_mem>>) src(%arg8 : memref<40x128xf32, #tpu.memory_space<vmem>>) dst(%dma_wait3A_629 : memref<40x128xf32, #tpu.memory_space<vmem_shared>>)
    }
    %while3A_190 = arith.constant 1 : i32
    scf.for %while3A_622 = %while3A_188 to %while3A_184 step %while3A_190  : i32 {
      %mul3A_623 = arith.constant 40 : i32
      %mul3A_624 = arith.muli %while3A_622, %mul3A_623 : i32
      %add3A_625 = arith.addi %mul3A_2, %mul3A_624 : i32
      %dma_wait3A_626 = arith.constant 0 : i32
      %dma_wait3A_627 = tpu.memref_slice %arg9[%add3A_625, %dma_wait3A_626] : memref<10040x128xf32, #tpu.memory_space<vmem_shared>> -> memref<40x128xf32, #tpu.memory_space<vmem_shared>>
      %dma_wait3A_628 = arith.constant 0 : i32
      %dma_wait3A_629 = tpu.memref_slice %arg9[%add3A_625, %dma_wait3A_628] : memref<10040x128xf32, #tpu.memory_space<vmem_shared>> -> memref<40x128xf32, #tpu.memory_space<vmem_shared>>
      tpu.wait_dma2 semaphore(%arg20 : memref<!tpu.dma_semaphore, #tpu.memory_space<semaphore_mem>>) src(%arg8 : memref<40x128xf32, #tpu.memory_space<vmem>>) dst(%dma_wait3A_629 : memref<40x128xf32, #tpu.memory_space<vmem_shared>>)
    }
    %barrier3A = arith.constant 0 : index
    tpu.barrier barrier_id(%barrier3A)
    "tpu.trace_stop"() : () -> ()
    "tpu.trace_start"() <{level = 10 : i32, message = "sc_mainloop"}> : () -> ()
    %scan3A_191 = arith.constant 0 : i32
    %scan3A_192 = arith.constant 15 : i32
    %scan3A_193 = arith.addi %scan3A_191, %scan3A_192 : i32
    %scan3A_194 = arith.constant 1 : i32
    scf.for %scan3A_622 = %scan3A_191 to %scan3A_193 step %scan3A_194  : i32 {
      %mul3A_623 = arith.constant 2 : i32
      %mul3A_624 = arith.muli %mul3A_623, %scan3A_622 : i32
      %add3A_625 = arith.constant 1 : i32
      %add3A_626 = arith.addi %mul3A_624, %add3A_625 : i32
      %dma_wait3A_627 = arith.constant 0 : i32
      %dma_wait3A_628 = arith.constant 1 : i32
      %dma_wait3A_629 = arith.constant 0 : i32
      %dma_wait3A_630 = arith.constant 0 : i32
      %dma_wait3A_631 = tpu.memref_slice %arg5[%dma_wait3A_628, %dma_wait3A_629, %dma_wait3A_630] : memref<2x4x80xi32, #tpu.memory_space<vmem>> -> memref<1x4x80xi32, #tpu.memory_space<vmem>>
      %dma_wait3A_632 = tpu.memref_squeeze %dma_wait3A_631 : memref<1x4x80xi32, #tpu.memory_space<vmem>> -> memref<4x80xi32, #tpu.memory_space<vmem>>
      %dma_wait3A_633 = arith.constant 0 : i32
      %dma_wait3A_634 = arith.constant 0 : i32
      %dma_wait3A_635 = tpu.memref_slice %arg3[%dma_wait3A_627, %add3A, %add3A_626, %dma_wait3A_633, %dma_wait3A_634] : memref<2x32x32x4x80xi32, #tpu.memory_space<hbm>> -> memref<1x1x1x4x80xi32, #tpu.memory_space<hbm>>
      %dma_wait3A_636 = tpu.memref_squeeze %dma_wait3A_635 : memref<1x1x1x4x80xi32, #tpu.memory_space<hbm>> -> memref<4x80xi32, #tpu.memory_space<hbm>>
      %dma_wait3A_637 = arith.constant 0 : i32
      %dma_wait3A_638 = arith.constant 0 : i32
      %dma_wait3A_639 = tpu.memref_slice %arg5[%dma_wait3A_628, %dma_wait3A_637, %dma_wait3A_638] : memref<2x4x80xi32, #tpu.memory_space<vmem>> -> memref<1x4x80xi32, #tpu.memory_space<vmem>>
      %dma_wait3A_640 = tpu.memref_squeeze %dma_wait3A_639 : memref<1x4x80xi32, #tpu.memory_space<vmem>> -> memref<4x80xi32, #tpu.memory_space<vmem>>
      %dma_wait3A_641 = arith.constant 0 : i32
      %dma_wait3A_642 = arith.constant 0 : i32
      %dma_wait3A_643 = tpu.memref_slice %arg3[%dma_wait3A_627, %add3A, %add3A_626, %dma_wait3A_641, %dma_wait3A_642] : memref<2x32x32x4x80xi32, #tpu.memory_space<hbm>> -> memref<1x1x1x4x80xi32, #tpu.memory_space<hbm>>
      %dma_wait3A_644 = tpu.memref_squeeze %dma_wait3A_643 : memref<1x1x1x4x80xi32, #tpu.memory_space<hbm>> -> memref<4x80xi32, #tpu.memory_space<hbm>>
      tpu.wait_dma2 semaphore(%arg15 : memref<!tpu.dma_semaphore, #tpu.memory_space<semaphore_mem>>) src(%dma_wait3A_644 : memref<4x80xi32, #tpu.memory_space<hbm>>) dst(%dma_wait3A_640 : memref<4x80xi32, #tpu.memory_space<vmem>>)
      %dma_wait3A_645 = arith.constant 1 : i32
      %dma_wait3A_646 = arith.constant 1 : i32
      %dma_wait3A_647 = arith.constant 0 : i32
      %dma_wait3A_648 = arith.constant 0 : i32
      %dma_wait3A_649 = tpu.memref_slice %arg6[%dma_wait3A_646, %dma_wait3A_647, %dma_wait3A_648] : memref<2x4x80xi32, #tpu.memory_space<vmem>> -> memref<1x4x80xi32, #tpu.memory_space<vmem>>
      %dma_wait3A_650 = tpu.memref_squeeze %dma_wait3A_649 : memref<1x4x80xi32, #tpu.memory_space<vmem>> -> memref<4x80xi32, #tpu.memory_space<vmem>>
      %dma_wait3A_651 = arith.constant 0 : i32
      %dma_wait3A_652 = arith.constant 0 : i32
      %dma_wait3A_653 = tpu.memref_slice %arg3[%dma_wait3A_645, %add3A, %add3A_626, %dma_wait3A_651, %dma_wait3A_652] : memref<2x32x32x4x80xi32, #tpu.memory_space<hbm>> -> memref<1x1x1x4x80xi32, #tpu.memory_space<hbm>>
      %dma_wait3A_654 = tpu.memref_squeeze %dma_wait3A_653 : memref<1x1x1x4x80xi32, #tpu.memory_space<hbm>> -> memref<4x80xi32, #tpu.memory_space<hbm>>
      %dma_wait3A_655 = arith.constant 0 : i32
      %dma_wait3A_656 = arith.constant 0 : i32
      %dma_wait3A_657 = tpu.memref_slice %arg6[%dma_wait3A_646, %dma_wait3A_655, %dma_wait3A_656] : memref<2x4x80xi32, #tpu.memory_space<vmem>> -> memref<1x4x80xi32, #tpu.memory_space<vmem>>
      %dma_wait3A_658 = tpu.memref_squeeze %dma_wait3A_657 : memref<1x4x80xi32, #tpu.memory_space<vmem>> -> memref<4x80xi32, #tpu.memory_space<vmem>>
      %dma_wait3A_659 = arith.constant 0 : i32
      %dma_wait3A_660 = arith.constant 0 : i32
      %dma_wait3A_661 = tpu.memref_slice %arg3[%dma_wait3A_645, %add3A, %add3A_626, %dma_wait3A_659, %dma_wait3A_660] : memref<2x32x32x4x80xi32, #tpu.memory_space<hbm>> -> memref<1x1x1x4x80xi32, #tpu.memory_space<hbm>>
      %dma_wait3A_662 = tpu.memref_squeeze %dma_wait3A_661 : memref<1x1x1x4x80xi32, #tpu.memory_space<hbm>> -> memref<4x80xi32, #tpu.memory_space<hbm>>
      tpu.wait_dma2 semaphore(%arg15 : memref<!tpu.dma_semaphore, #tpu.memory_space<semaphore_mem>>) src(%dma_wait3A_662 : memref<4x80xi32, #tpu.memory_space<hbm>>) dst(%dma_wait3A_658 : memref<4x80xi32, #tpu.memory_space<vmem>>)
      %dma_wait3A_663 = arith.constant 0 : i32
      %dma_wait3A_664 = arith.constant 0 : i32
      %dma_wait3A_665 = arith.constant 0 : i32
      %dma_wait3A_666 = arith.constant 0 : i32
      %dma_wait3A_667 = arith.constant 0 : i32
      %dma_wait3A_668 = tpu.memref_slice %arg7[%dma_wait3A_665, %dma_wait3A_666, %dma_wait3A_667] : memref<4x80x128xf32, #tpu.memory_space<vmem>> -> memref<1x80x128xf32, #tpu.memory_space<vmem>>
      %dma_wait3A_669 = tpu.memref_squeeze %dma_wait3A_668 : memref<1x80x128xf32, #tpu.memory_space<vmem>> -> memref<80x128xf32, #tpu.memory_space<vmem>>
      %dma_wait3A_670 = arith.constant 0 : i32
      %dma_wait3A_671 = tpu.memref_slice %arg5[%dma_wait3A_663, %dma_wait3A_664, %dma_wait3A_670] : memref<2x4x80xi32, #tpu.memory_space<vmem>> -> memref<1x1x80xi32, #tpu.memory_space<vmem>>
      %dma_wait3A_672 = tpu.memref_squeeze %dma_wait3A_671 : memref<1x1x80xi32, #tpu.memory_space<vmem>> -> memref<80xi32, #tpu.memory_space<vmem>>
      %dma_wait3A_673 = arith.constant 0 : i32
      %dma_wait3A_674 = arith.constant 0 : i32
      %dma_wait3A_675 = tpu.memref_slice %arg2[%dma_wait3A_673, %dma_wait3A_674] : memref<10000x128xf32, #tpu.memory_space<hbm>> -> memref<10000x128xf32, #tpu.memory_space<hbm>>
      tpu.wait_indirect_dma semaphore(%arg10 : memref<!tpu.dma_semaphore, #tpu.memory_space<semaphore_mem>>) src(%dma_wait3A_675 : memref<10000x128xf32, #tpu.memory_space<hbm>>) dst(%dma_wait3A_669 : memref<80x128xf32, #tpu.memory_space<vmem>>)
      %dma_start3A_676 = arith.constant 0 : i32
      %dma_start3A_677 = arith.constant 0 : i32
      %dma_start3A_678 = arith.constant 0 : i32
      %dma_start3A_679 = arith.constant 0 : i32
      %dma_start3A_680 = arith.constant 0 : i32
      %dma_start3A_681 = tpu.memref_slice %arg7[%dma_start3A_676, %dma_start3A_679, %dma_start3A_680] : memref<4x80x128xf32, #tpu.memory_space<vmem>> -> memref<1x80x128xf32, #tpu.memory_space<vmem>>
      %dma_start3A_682 = tpu.memref_squeeze %dma_start3A_681 : memref<1x80x128xf32, #tpu.memory_space<vmem>> -> memref<80x128xf32, #tpu.memory_space<vmem>>
      %dma_start3A_683 = arith.constant 0 : i32
      %dma_start3A_684 = tpu.memref_slice %arg6[%dma_start3A_677, %dma_start3A_678, %dma_start3A_683] : memref<2x4x80xi32, #tpu.memory_space<vmem>> -> memref<1x1x80xi32, #tpu.memory_space<vmem>>
      %dma_start3A_685 = tpu.memref_squeeze %dma_start3A_684 : memref<1x1x80xi32, #tpu.memory_space<vmem>> -> memref<80xi32, #tpu.memory_space<vmem>>
      %dma_start3A_686 = arith.constant 0 : i32
      %dma_start3A_687 = arith.constant 0 : i32
      %dma_start3A_688 = tpu.memref_slice %arg9[%dma_start3A_686, %dma_start3A_687] : memref<10040x128xf32, #tpu.memory_space<vmem_shared>> -> memref<10040x128xf32, #tpu.memory_space<vmem_shared>>
      tpu.enqueue_indirect_dma source(%dma_start3A_682 : memref<80x128xf32, #tpu.memory_space<vmem>>) target(%dma_start3A_688 : memref<10040x128xf32, #tpu.memory_space<vmem_shared>>) offsets(%dma_start3A_685 : memref<80xi32, #tpu.memory_space<vmem>>) semaphore(%arg16 : memref<!tpu.dma_semaphore, #tpu.memory_space<semaphore_mem>>) {add = true}
      %dma_wait3A_689 = arith.constant 0 : i32
      %dma_wait3A_690 = arith.constant 1 : i32
      %dma_wait3A_691 = arith.constant 1 : i32
      %dma_wait3A_692 = arith.constant 0 : i32
      %dma_wait3A_693 = arith.constant 0 : i32
      %dma_wait3A_694 = tpu.memref_slice %arg7[%dma_wait3A_691, %dma_wait3A_692, %dma_wait3A_693] : memref<4x80x128xf32, #tpu.memory_space<vmem>> -> memref<1x80x128xf32, #tpu.memory_space<vmem>>
      %dma_wait3A_695 = tpu.memref_squeeze %dma_wait3A_694 : memref<1x80x128xf32, #tpu.memory_space<vmem>> -> memref<80x128xf32, #tpu.memory_space<vmem>>
      %dma_wait3A_696 = arith.constant 0 : i32
      %dma_wait3A_697 = tpu.memref_slice %arg5[%dma_wait3A_689, %dma_wait3A_690, %dma_wait3A_696] : memref<2x4x80xi32, #tpu.memory_space<vmem>> -> memref<1x1x80xi32, #tpu.memory_space<vmem>>
      %dma_wait3A_698 = tpu.memref_squeeze %dma_wait3A_697 : memref<1x1x80xi32, #tpu.memory_space<vmem>> -> memref<80xi32, #tpu.memory_space<vmem>>
      %dma_wait3A_699 = arith.constant 0 : i32
      %dma_wait3A_700 = arith.constant 0 : i32
      %dma_wait3A_701 = tpu.memref_slice %arg2[%dma_wait3A_699, %dma_wait3A_700] : memref<10000x128xf32, #tpu.memory_space<hbm>> -> memref<10000x128xf32, #tpu.memory_space<hbm>>
      tpu.wait_indirect_dma semaphore(%arg11 : memref<!tpu.dma_semaphore, #tpu.memory_space<semaphore_mem>>) src(%dma_wait3A_701 : memref<10000x128xf32, #tpu.memory_space<hbm>>) dst(%dma_wait3A_695 : memref<80x128xf32, #tpu.memory_space<vmem>>)
      %dma_start3A_702 = arith.constant 1 : i32
      %dma_start3A_703 = arith.constant 0 : i32
      %dma_start3A_704 = arith.constant 1 : i32
      %dma_start3A_705 = arith.constant 0 : i32
      %dma_start3A_706 = arith.constant 0 : i32
      %dma_start3A_707 = tpu.memref_slice %arg7[%dma_start3A_702, %dma_start3A_705, %dma_start3A_706] : memref<4x80x128xf32, #tpu.memory_space<vmem>> -> memref<1x80x128xf32, #tpu.memory_space<vmem>>
      %dma_start3A_708 = tpu.memref_squeeze %dma_start3A_707 : memref<1x80x128xf32, #tpu.memory_space<vmem>> -> memref<80x128xf32, #tpu.memory_space<vmem>>
      %dma_start3A_709 = arith.constant 0 : i32
      %dma_start3A_710 = tpu.memref_slice %arg6[%dma_start3A_703, %dma_start3A_704, %dma_start3A_709] : memref<2x4x80xi32, #tpu.memory_space<vmem>> -> memref<1x1x80xi32, #tpu.memory_space<vmem>>
      %dma_start3A_711 = tpu.memref_squeeze %dma_start3A_710 : memref<1x1x80xi32, #tpu.memory_space<vmem>> -> memref<80xi32, #tpu.memory_space<vmem>>
      %dma_start3A_712 = arith.constant 0 : i32
      %dma_start3A_713 = arith.constant 0 : i32
      %dma_start3A_714 = tpu.memref_slice %arg9[%dma_start3A_712, %dma_start3A_713] : memref<10040x128xf32, #tpu.memory_space<vmem_shared>> -> memref<10040x128xf32, #tpu.memory_space<vmem_shared>>
      tpu.enqueue_indirect_dma source(%dma_start3A_708 : memref<80x128xf32, #tpu.memory_space<vmem>>) target(%dma_start3A_714 : memref<10040x128xf32, #tpu.memory_space<vmem_shared>>) offsets(%dma_start3A_711 : memref<80xi32, #tpu.memory_space<vmem>>) semaphore(%arg17 : memref<!tpu.dma_semaphore, #tpu.memory_space<semaphore_mem>>) {add = true}
      %dma_wait3A_715 = arith.constant 0 : i32
      %dma_wait3A_716 = arith.constant 0 : i32
      %dma_wait3A_717 = arith.constant 0 : i32
      %dma_wait3A_718 = arith.constant 0 : i32
      %dma_wait3A_719 = arith.constant 0 : i32
      %dma_wait3A_720 = tpu.memref_slice %arg7[%dma_wait3A_715, %dma_wait3A_718, %dma_wait3A_719] : memref<4x80x128xf32, #tpu.memory_space<vmem>> -> memref<1x80x128xf32, #tpu.memory_space<vmem>>
      %dma_wait3A_721 = tpu.memref_squeeze %dma_wait3A_720 : memref<1x80x128xf32, #tpu.memory_space<vmem>> -> memref<80x128xf32, #tpu.memory_space<vmem>>
      %dma_wait3A_722 = arith.constant 0 : i32
      %dma_wait3A_723 = tpu.memref_slice %arg6[%dma_wait3A_716, %dma_wait3A_717, %dma_wait3A_722] : memref<2x4x80xi32, #tpu.memory_space<vmem>> -> memref<1x1x80xi32, #tpu.memory_space<vmem>>
      %dma_wait3A_724 = tpu.memref_squeeze %dma_wait3A_723 : memref<1x1x80xi32, #tpu.memory_space<vmem>> -> memref<80xi32, #tpu.memory_space<vmem>>
      %dma_wait3A_725 = arith.constant 0 : i32
      %dma_wait3A_726 = arith.constant 0 : i32
      %dma_wait3A_727 = tpu.memref_slice %arg9[%dma_wait3A_725, %dma_wait3A_726] : memref<10040x128xf32, #tpu.memory_space<vmem_shared>> -> memref<10040x128xf32, #tpu.memory_space<vmem_shared>>
      tpu.wait_indirect_dma semaphore(%arg16 : memref<!tpu.dma_semaphore, #tpu.memory_space<semaphore_mem>>) src(%dma_wait3A_721 : memref<80x128xf32, #tpu.memory_space<vmem>>) dst(%dma_wait3A_727 : memref<10040x128xf32, #tpu.memory_space<vmem_shared>>)
      %dma_start3A_728 = arith.constant 1 : i32
      %dma_start3A_729 = arith.constant 0 : i32
      %dma_start3A_730 = arith.constant 0 : i32
      %dma_start3A_731 = arith.constant 0 : i32
      %dma_start3A_732 = arith.constant 0 : i32
      %dma_start3A_733 = tpu.memref_slice %arg7[%dma_start3A_730, %dma_start3A_731, %dma_start3A_732] : memref<4x80x128xf32, #tpu.memory_space<vmem>> -> memref<1x80x128xf32, #tpu.memory_space<vmem>>
      %dma_start3A_734 = tpu.memref_squeeze %dma_start3A_733 : memref<1x80x128xf32, #tpu.memory_space<vmem>> -> memref<80x128xf32, #tpu.memory_space<vmem>>
      %dma_start3A_735 = arith.constant 0 : i32
      %dma_start3A_736 = tpu.memref_slice %arg5[%dma_start3A_728, %dma_start3A_729, %dma_start3A_735] : memref<2x4x80xi32, #tpu.memory_space<vmem>> -> memref<1x1x80xi32, #tpu.memory_space<vmem>>
      %dma_start3A_737 = tpu.memref_squeeze %dma_start3A_736 : memref<1x1x80xi32, #tpu.memory_space<vmem>> -> memref<80xi32, #tpu.memory_space<vmem>>
      %dma_start3A_738 = arith.constant 0 : i32
      %dma_start3A_739 = arith.constant 0 : i32
      %dma_start3A_740 = tpu.memref_slice %arg2[%dma_start3A_738, %dma_start3A_739] : memref<10000x128xf32, #tpu.memory_space<hbm>> -> memref<10000x128xf32, #tpu.memory_space<hbm>>
      tpu.enqueue_indirect_dma source(%dma_start3A_740 : memref<10000x128xf32, #tpu.memory_space<hbm>>) target(%dma_start3A_734 : memref<80x128xf32, #tpu.memory_space<vmem>>) offsets(%dma_start3A_737 : memref<80xi32, #tpu.memory_space<vmem>>) semaphore(%arg10 : memref<!tpu.dma_semaphore, #tpu.memory_space<semaphore_mem>>)
      %dma_wait3A_741 = arith.constant 0 : i32
      %dma_wait3A_742 = arith.constant 2 : i32
      %dma_wait3A_743 = arith.constant 2 : i32
      %dma_wait3A_744 = arith.constant 0 : i32
      %dma_wait3A_745 = arith.constant 0 : i32
      %dma_wait3A_746 = tpu.memref_slice %arg7[%dma_wait3A_743, %dma_wait3A_744, %dma_wait3A_745] : memref<4x80x128xf32, #tpu.memory_space<vmem>> -> memref<1x80x128xf32, #tpu.memory_space<vmem>>
      %dma_wait3A_747 = tpu.memref_squeeze %dma_wait3A_746 : memref<1x80x128xf32, #tpu.memory_space<vmem>> -> memref<80x128xf32, #tpu.memory_space<vmem>>
      %dma_wait3A_748 = arith.constant 0 : i32
      %dma_wait3A_749 = tpu.memref_slice %arg5[%dma_wait3A_741, %dma_wait3A_742, %dma_wait3A_748] : memref<2x4x80xi32, #tpu.memory_space<vmem>> -> memref<1x1x80xi32, #tpu.memory_space<vmem>>
      %dma_wait3A_750 = tpu.memref_squeeze %dma_wait3A_749 : memref<1x1x80xi32, #tpu.memory_space<vmem>> -> memref<80xi32, #tpu.memory_space<vmem>>
      %dma_wait3A_751 = arith.constant 0 : i32
      %dma_wait3A_752 = arith.constant 0 : i32
      %dma_wait3A_753 = tpu.memref_slice %arg2[%dma_wait3A_751, %dma_wait3A_752] : memref<10000x128xf32, #tpu.memory_space<hbm>> -> memref<10000x128xf32, #tpu.memory_space<hbm>>
      tpu.wait_indirect_dma semaphore(%arg12 : memref<!tpu.dma_semaphore, #tpu.memory_space<semaphore_mem>>) src(%dma_wait3A_753 : memref<10000x128xf32, #tpu.memory_space<hbm>>) dst(%dma_wait3A_747 : memref<80x128xf32, #tpu.memory_space<vmem>>)
      %dma_start3A_754 = arith.constant 2 : i32
      %dma_start3A_755 = arith.constant 0 : i32
      %dma_start3A_756 = arith.constant 2 : i32
      %dma_start3A_757 = arith.constant 0 : i32
      %dma_start3A_758 = arith.constant 0 : i32
      %dma_start3A_759 = tpu.memref_slice %arg7[%dma_start3A_754, %dma_start3A_757, %dma_start3A_758] : memref<4x80x128xf32, #tpu.memory_space<vmem>> -> memref<1x80x128xf32, #tpu.memory_space<vmem>>
      %dma_start3A_760 = tpu.memref_squeeze %dma_start3A_759 : memref<1x80x128xf32, #tpu.memory_space<vmem>> -> memref<80x128xf32, #tpu.memory_space<vmem>>
      %dma_start3A_761 = arith.constant 0 : i32
      %dma_start3A_762 = tpu.memref_slice %arg6[%dma_start3A_755, %dma_start3A_756, %dma_start3A_761] : memref<2x4x80xi32, #tpu.memory_space<vmem>> -> memref<1x1x80xi32, #tpu.memory_space<vmem>>
      %dma_start3A_763 = tpu.memref_squeeze %dma_start3A_762 : memref<1x1x80xi32, #tpu.memory_space<vmem>> -> memref<80xi32, #tpu.memory_space<vmem>>
      %dma_start3A_764 = arith.constant 0 : i32
      %dma_start3A_765 = arith.constant 0 : i32
      %dma_start3A_766 = tpu.memref_slice %arg9[%dma_start3A_764, %dma_start3A_765] : memref<10040x128xf32, #tpu.memory_space<vmem_shared>> -> memref<10040x128xf32, #tpu.memory_space<vmem_shared>>
      tpu.enqueue_indirect_dma source(%dma_start3A_760 : memref<80x128xf32, #tpu.memory_space<vmem>>) target(%dma_start3A_766 : memref<10040x128xf32, #tpu.memory_space<vmem_shared>>) offsets(%dma_start3A_763 : memref<80xi32, #tpu.memory_space<vmem>>) semaphore(%arg18 : memref<!tpu.dma_semaphore, #tpu.memory_space<semaphore_mem>>) {add = true}
      %dma_wait3A_767 = arith.constant 1 : i32
      %dma_wait3A_768 = arith.constant 0 : i32
      %dma_wait3A_769 = arith.constant 1 : i32
      %dma_wait3A_770 = arith.constant 0 : i32
      %dma_wait3A_771 = arith.constant 0 : i32
      %dma_wait3A_772 = tpu.memref_slice %arg7[%dma_wait3A_767, %dma_wait3A_770, %dma_wait3A_771] : memref<4x80x128xf32, #tpu.memory_space<vmem>> -> memref<1x80x128xf32, #tpu.memory_space<vmem>>
      %dma_wait3A_773 = tpu.memref_squeeze %dma_wait3A_772 : memref<1x80x128xf32, #tpu.memory_space<vmem>> -> memref<80x128xf32, #tpu.memory_space<vmem>>
      %dma_wait3A_774 = arith.constant 0 : i32
      %dma_wait3A_775 = tpu.memref_slice %arg6[%dma_wait3A_768, %dma_wait3A_769, %dma_wait3A_774] : memref<2x4x80xi32, #tpu.memory_space<vmem>> -> memref<1x1x80xi32, #tpu.memory_space<vmem>>
      %dma_wait3A_776 = tpu.memref_squeeze %dma_wait3A_775 : memref<1x1x80xi32, #tpu.memory_space<vmem>> -> memref<80xi32, #tpu.memory_space<vmem>>
      %dma_wait3A_777 = arith.constant 0 : i32
      %dma_wait3A_778 = arith.constant 0 : i32
      %dma_wait3A_779 = tpu.memref_slice %arg9[%dma_wait3A_777, %dma_wait3A_778] : memref<10040x128xf32, #tpu.memory_space<vmem_shared>> -> memref<10040x128xf32, #tpu.memory_space<vmem_shared>>
      tpu.wait_indirect_dma semaphore(%arg17 : memref<!tpu.dma_semaphore, #tpu.memory_space<semaphore_mem>>) src(%dma_wait3A_773 : memref<80x128xf32, #tpu.memory_space<vmem>>) dst(%dma_wait3A_779 : memref<10040x128xf32, #tpu.memory_space<vmem_shared>>)
      %dma_start3A_780 = arith.constant 1 : i32
      %dma_start3A_781 = arith.constant 1 : i32
      %dma_start3A_782 = arith.constant 1 : i32
      %dma_start3A_783 = arith.constant 0 : i32
      %dma_start3A_784 = arith.constant 0 : i32
      %dma_start3A_785 = tpu.memref_slice %arg7[%dma_start3A_782, %dma_start3A_783, %dma_start3A_784] : memref<4x80x128xf32, #tpu.memory_space<vmem>> -> memref<1x80x128xf32, #tpu.memory_space<vmem>>
      %dma_start3A_786 = tpu.memref_squeeze %dma_start3A_785 : memref<1x80x128xf32, #tpu.memory_space<vmem>> -> memref<80x128xf32, #tpu.memory_space<vmem>>
      %dma_start3A_787 = arith.constant 0 : i32
      %dma_start3A_788 = tpu.memref_slice %arg5[%dma_start3A_780, %dma_start3A_781, %dma_start3A_787] : memref<2x4x80xi32, #tpu.memory_space<vmem>> -> memref<1x1x80xi32, #tpu.memory_space<vmem>>
      %dma_start3A_789 = tpu.memref_squeeze %dma_start3A_788 : memref<1x1x80xi32, #tpu.memory_space<vmem>> -> memref<80xi32, #tpu.memory_space<vmem>>
      %dma_start3A_790 = arith.constant 0 : i32
      %dma_start3A_791 = arith.constant 0 : i32
      %dma_start3A_792 = tpu.memref_slice %arg2[%dma_start3A_790, %dma_start3A_791] : memref<10000x128xf32, #tpu.memory_space<hbm>> -> memref<10000x128xf32, #tpu.memory_space<hbm>>
      tpu.enqueue_indirect_dma source(%dma_start3A_792 : memref<10000x128xf32, #tpu.memory_space<hbm>>) target(%dma_start3A_786 : memref<80x128xf32, #tpu.memory_space<vmem>>) offsets(%dma_start3A_789 : memref<80xi32, #tpu.memory_space<vmem>>) semaphore(%arg11 : memref<!tpu.dma_semaphore, #tpu.memory_space<semaphore_mem>>)
      %dma_wait3A_793 = arith.constant 0 : i32
      %dma_wait3A_794 = arith.constant 3 : i32
      %dma_wait3A_795 = arith.constant 3 : i32
      %dma_wait3A_796 = arith.constant 0 : i32
      %dma_wait3A_797 = arith.constant 0 : i32
      %dma_wait3A_798 = tpu.memref_slice %arg7[%dma_wait3A_795, %dma_wait3A_796, %dma_wait3A_797] : memref<4x80x128xf32, #tpu.memory_space<vmem>> -> memref<1x80x128xf32, #tpu.memory_space<vmem>>
      %dma_wait3A_799 = tpu.memref_squeeze %dma_wait3A_798 : memref<1x80x128xf32, #tpu.memory_space<vmem>> -> memref<80x128xf32, #tpu.memory_space<vmem>>
      %dma_wait3A_800 = arith.constant 0 : i32
      %dma_wait3A_801 = tpu.memref_slice %arg5[%dma_wait3A_793, %dma_wait3A_794, %dma_wait3A_800] : memref<2x4x80xi32, #tpu.memory_space<vmem>> -> memref<1x1x80xi32, #tpu.memory_space<vmem>>
      %dma_wait3A_802 = tpu.memref_squeeze %dma_wait3A_801 : memref<1x1x80xi32, #tpu.memory_space<vmem>> -> memref<80xi32, #tpu.memory_space<vmem>>
      %dma_wait3A_803 = arith.constant 0 : i32
      %dma_wait3A_804 = arith.constant 0 : i32
      %dma_wait3A_805 = tpu.memref_slice %arg2[%dma_wait3A_803, %dma_wait3A_804] : memref<10000x128xf32, #tpu.memory_space<hbm>> -> memref<10000x128xf32, #tpu.memory_space<hbm>>
      tpu.wait_indirect_dma semaphore(%arg13 : memref<!tpu.dma_semaphore, #tpu.memory_space<semaphore_mem>>) src(%dma_wait3A_805 : memref<10000x128xf32, #tpu.memory_space<hbm>>) dst(%dma_wait3A_799 : memref<80x128xf32, #tpu.memory_space<vmem>>)
      %dma_start3A_806 = arith.constant 3 : i32
      %dma_start3A_807 = arith.constant 0 : i32
      %dma_start3A_808 = arith.constant 3 : i32
      %dma_start3A_809 = arith.constant 0 : i32
      %dma_start3A_810 = arith.constant 0 : i32
      %dma_start3A_811 = tpu.memref_slice %arg7[%dma_start3A_806, %dma_start3A_809, %dma_start3A_810] : memref<4x80x128xf32, #tpu.memory_space<vmem>> -> memref<1x80x128xf32, #tpu.memory_space<vmem>>
      %dma_start3A_812 = tpu.memref_squeeze %dma_start3A_811 : memref<1x80x128xf32, #tpu.memory_space<vmem>> -> memref<80x128xf32, #tpu.memory_space<vmem>>
      %dma_start3A_813 = arith.constant 0 : i32
      %dma_start3A_814 = tpu.memref_slice %arg6[%dma_start3A_807, %dma_start3A_808, %dma_start3A_813] : memref<2x4x80xi32, #tpu.memory_space<vmem>> -> memref<1x1x80xi32, #tpu.memory_space<vmem>>
      %dma_start3A_815 = tpu.memref_squeeze %dma_start3A_814 : memref<1x1x80xi32, #tpu.memory_space<vmem>> -> memref<80xi32, #tpu.memory_space<vmem>>
      %dma_start3A_816 = arith.constant 0 : i32
      %dma_start3A_817 = arith.constant 0 : i32
      %dma_start3A_818 = tpu.memref_slice %arg9[%dma_start3A_816, %dma_start3A_817] : memref<10040x128xf32, #tpu.memory_space<vmem_shared>> -> memref<10040x128xf32, #tpu.memory_space<vmem_shared>>
      tpu.enqueue_indirect_dma source(%dma_start3A_812 : memref<80x128xf32, #tpu.memory_space<vmem>>) target(%dma_start3A_818 : memref<10040x128xf32, #tpu.memory_space<vmem_shared>>) offsets(%dma_start3A_815 : memref<80xi32, #tpu.memory_space<vmem>>) semaphore(%arg19 : memref<!tpu.dma_semaphore, #tpu.memory_space<semaphore_mem>>) {add = true}
      %dma_wait3A_819 = arith.constant 2 : i32
      %dma_wait3A_820 = arith.constant 0 : i32
      %dma_wait3A_821 = arith.constant 2 : i32
      %dma_wait3A_822 = arith.constant 0 : i32
      %dma_wait3A_823 = arith.constant 0 : i32
      %dma_wait3A_824 = tpu.memref_slice %arg7[%dma_wait3A_819, %dma_wait3A_822, %dma_wait3A_823] : memref<4x80x128xf32, #tpu.memory_space<vmem>> -> memref<1x80x128xf32, #tpu.memory_space<vmem>>
      %dma_wait3A_825 = tpu.memref_squeeze %dma_wait3A_824 : memref<1x80x128xf32, #tpu.memory_space<vmem>> -> memref<80x128xf32, #tpu.memory_space<vmem>>
      %dma_wait3A_826 = arith.constant 0 : i32
      %dma_wait3A_827 = tpu.memref_slice %arg6[%dma_wait3A_820, %dma_wait3A_821, %dma_wait3A_826] : memref<2x4x80xi32, #tpu.memory_space<vmem>> -> memref<1x1x80xi32, #tpu.memory_space<vmem>>
      %dma_wait3A_828 = tpu.memref_squeeze %dma_wait3A_827 : memref<1x1x80xi32, #tpu.memory_space<vmem>> -> memref<80xi32, #tpu.memory_space<vmem>>
      %dma_wait3A_829 = arith.constant 0 : i32
      %dma_wait3A_830 = arith.constant 0 : i32
      %dma_wait3A_831 = tpu.memref_slice %arg9[%dma_wait3A_829, %dma_wait3A_830] : memref<10040x128xf32, #tpu.memory_space<vmem_shared>> -> memref<10040x128xf32, #tpu.memory_space<vmem_shared>>
      tpu.wait_indirect_dma semaphore(%arg18 : memref<!tpu.dma_semaphore, #tpu.memory_space<semaphore_mem>>) src(%dma_wait3A_825 : memref<80x128xf32, #tpu.memory_space<vmem>>) dst(%dma_wait3A_831 : memref<10040x128xf32, #tpu.memory_space<vmem_shared>>)
      %dma_start3A_832 = arith.constant 1 : i32
      %dma_start3A_833 = arith.constant 2 : i32
      %dma_start3A_834 = arith.constant 2 : i32
      %dma_start3A_835 = arith.constant 0 : i32
      %dma_start3A_836 = arith.constant 0 : i32
      %dma_start3A_837 = tpu.memref_slice %arg7[%dma_start3A_834, %dma_start3A_835, %dma_start3A_836] : memref<4x80x128xf32, #tpu.memory_space<vmem>> -> memref<1x80x128xf32, #tpu.memory_space<vmem>>
      %dma_start3A_838 = tpu.memref_squeeze %dma_start3A_837 : memref<1x80x128xf32, #tpu.memory_space<vmem>> -> memref<80x128xf32, #tpu.memory_space<vmem>>
      %dma_start3A_839 = arith.constant 0 : i32
      %dma_start3A_840 = tpu.memref_slice %arg5[%dma_start3A_832, %dma_start3A_833, %dma_start3A_839] : memref<2x4x80xi32, #tpu.memory_space<vmem>> -> memref<1x1x80xi32, #tpu.memory_space<vmem>>
      %dma_start3A_841 = tpu.memref_squeeze %dma_start3A_840 : memref<1x1x80xi32, #tpu.memory_space<vmem>> -> memref<80xi32, #tpu.memory_space<vmem>>
      %dma_start3A_842 = arith.constant 0 : i32
      %dma_start3A_843 = arith.constant 0 : i32
      %dma_start3A_844 = tpu.memref_slice %arg2[%dma_start3A_842, %dma_start3A_843] : memref<10000x128xf32, #tpu.memory_space<hbm>> -> memref<10000x128xf32, #tpu.memory_space<hbm>>
      tpu.enqueue_indirect_dma source(%dma_start3A_844 : memref<10000x128xf32, #tpu.memory_space<hbm>>) target(%dma_start3A_838 : memref<80x128xf32, #tpu.memory_space<vmem>>) offsets(%dma_start3A_841 : memref<80xi32, #tpu.memory_space<vmem>>) semaphore(%arg12 : memref<!tpu.dma_semaphore, #tpu.memory_space<semaphore_mem>>)
      %dma_wait3A_845 = arith.constant 3 : i32
      %dma_wait3A_846 = arith.constant 0 : i32
      %dma_wait3A_847 = arith.constant 3 : i32
      %dma_wait3A_848 = arith.constant 0 : i32
      %dma_wait3A_849 = arith.constant 0 : i32
      %dma_wait3A_850 = tpu.memref_slice %arg7[%dma_wait3A_845, %dma_wait3A_848, %dma_wait3A_849] : memref<4x80x128xf32, #tpu.memory_space<vmem>> -> memref<1x80x128xf32, #tpu.memory_space<vmem>>
      %dma_wait3A_851 = tpu.memref_squeeze %dma_wait3A_850 : memref<1x80x128xf32, #tpu.memory_space<vmem>> -> memref<80x128xf32, #tpu.memory_space<vmem>>
      %dma_wait3A_852 = arith.constant 0 : i32
      %dma_wait3A_853 = tpu.memref_slice %arg6[%dma_wait3A_846, %dma_wait3A_847, %dma_wait3A_852] : memref<2x4x80xi32, #tpu.memory_space<vmem>> -> memref<1x1x80xi32, #tpu.memory_space<vmem>>
      %dma_wait3A_854 = tpu.memref_squeeze %dma_wait3A_853 : memref<1x1x80xi32, #tpu.memory_space<vmem>> -> memref<80xi32, #tpu.memory_space<vmem>>
      %dma_wait3A_855 = arith.constant 0 : i32
      %dma_wait3A_856 = arith.constant 0 : i32
      %dma_wait3A_857 = tpu.memref_slice %arg9[%dma_wait3A_855, %dma_wait3A_856] : memref<10040x128xf32, #tpu.memory_space<vmem_shared>> -> memref<10040x128xf32, #tpu.memory_space<vmem_shared>>
      tpu.wait_indirect_dma semaphore(%arg19 : memref<!tpu.dma_semaphore, #tpu.memory_space<semaphore_mem>>) src(%dma_wait3A_851 : memref<80x128xf32, #tpu.memory_space<vmem>>) dst(%dma_wait3A_857 : memref<10040x128xf32, #tpu.memory_space<vmem_shared>>)
      %dma_start3A_858 = arith.constant 1 : i32
      %dma_start3A_859 = arith.constant 3 : i32
      %dma_start3A_860 = arith.constant 3 : i32
      %dma_start3A_861 = arith.constant 0 : i32
      %dma_start3A_862 = arith.constant 0 : i32
      %dma_start3A_863 = tpu.memref_slice %arg7[%dma_start3A_860, %dma_start3A_861, %dma_start3A_862] : memref<4x80x128xf32, #tpu.memory_space<vmem>> -> memref<1x80x128xf32, #tpu.memory_space<vmem>>
      %dma_start3A_864 = tpu.memref_squeeze %dma_start3A_863 : memref<1x80x128xf32, #tpu.memory_space<vmem>> -> memref<80x128xf32, #tpu.memory_space<vmem>>
      %dma_start3A_865 = arith.constant 0 : i32
      %dma_start3A_866 = tpu.memref_slice %arg5[%dma_start3A_858, %dma_start3A_859, %dma_start3A_865] : memref<2x4x80xi32, #tpu.memory_space<vmem>> -> memref<1x1x80xi32, #tpu.memory_space<vmem>>
      %dma_start3A_867 = tpu.memref_squeeze %dma_start3A_866 : memref<1x1x80xi32, #tpu.memory_space<vmem>> -> memref<80xi32, #tpu.memory_space<vmem>>
      %dma_start3A_868 = arith.constant 0 : i32
      %dma_start3A_869 = arith.constant 0 : i32
      %dma_start3A_870 = tpu.memref_slice %arg2[%dma_start3A_868, %dma_start3A_869] : memref<10000x128xf32, #tpu.memory_space<hbm>> -> memref<10000x128xf32, #tpu.memory_space<hbm>>
      tpu.enqueue_indirect_dma source(%dma_start3A_870 : memref<10000x128xf32, #tpu.memory_space<hbm>>) target(%dma_start3A_864 : memref<80x128xf32, #tpu.memory_space<vmem>>) offsets(%dma_start3A_867 : memref<80xi32, #tpu.memory_space<vmem>>) semaphore(%arg13 : memref<!tpu.dma_semaphore, #tpu.memory_space<semaphore_mem>>)
      %add3A_871 = arith.constant 2 : i32
      %add3A_872 = arith.addi %mul3A_624, %add3A_871 : i32
      %dma_start3A_873 = arith.constant 0 : i32
      %dma_start3A_874 = arith.constant 0 : i32
      %dma_start3A_875 = arith.constant 0 : i32
      %dma_start3A_876 = arith.constant 0 : i32
      %dma_start3A_877 = tpu.memref_slice %arg5[%dma_start3A_874, %dma_start3A_875, %dma_start3A_876] : memref<2x4x80xi32, #tpu.memory_space<vmem>> -> memref<1x4x80xi32, #tpu.memory_space<vmem>>
      %dma_start3A_878 = tpu.memref_squeeze %dma_start3A_877 : memref<1x4x80xi32, #tpu.memory_space<vmem>> -> memref<4x80xi32, #tpu.memory_space<vmem>>
      %dma_start3A_879 = arith.constant 0 : i32
      %dma_start3A_880 = arith.constant 0 : i32
      %dma_start3A_881 = tpu.memref_slice %arg3[%dma_start3A_873, %add3A, %add3A_872, %dma_start3A_879, %dma_start3A_880] : memref<2x32x32x4x80xi32, #tpu.memory_space<hbm>> -> memref<1x1x1x4x80xi32, #tpu.memory_space<hbm>>
      %dma_start3A_882 = tpu.memref_squeeze %dma_start3A_881 : memref<1x1x1x4x80xi32, #tpu.memory_space<hbm>> -> memref<4x80xi32, #tpu.memory_space<hbm>>
      %dma_start3A_883 = arith.constant 0 : i32
      %dma_start3A_884 = arith.constant 0 : i32
      %dma_start3A_885 = tpu.memref_slice %arg5[%dma_start3A_874, %dma_start3A_883, %dma_start3A_884] : memref<2x4x80xi32, #tpu.memory_space<vmem>> -> memref<1x4x80xi32, #tpu.memory_space<vmem>>
      %dma_start3A_886 = tpu.memref_squeeze %dma_start3A_885 : memref<1x4x80xi32, #tpu.memory_space<vmem>> -> memref<4x80xi32, #tpu.memory_space<vmem>>
      %dma_start3A_887 = arith.constant 0 : i32
      %dma_start3A_888 = arith.constant 0 : i32
      %dma_start3A_889 = tpu.memref_slice %arg3[%dma_start3A_873, %add3A, %add3A_872, %dma_start3A_887, %dma_start3A_888] : memref<2x32x32x4x80xi32, #tpu.memory_space<hbm>> -> memref<1x1x1x4x80xi32, #tpu.memory_space<hbm>>
      %dma_start3A_890 = tpu.memref_squeeze %dma_start3A_889 : memref<1x1x1x4x80xi32, #tpu.memory_space<hbm>> -> memref<4x80xi32, #tpu.memory_space<hbm>>
      tpu.enqueue_dma source(%dma_start3A_890 : memref<4x80xi32, #tpu.memory_space<hbm>>) target(%dma_start3A_886 : memref<4x80xi32, #tpu.memory_space<vmem>>) target_semaphore(%arg14 : memref<!tpu.dma_semaphore, #tpu.memory_space<semaphore_mem>>)
      %dma_start3A_891 = arith.constant 1 : i32
      %dma_start3A_892 = arith.constant 0 : i32
      %dma_start3A_893 = arith.constant 0 : i32
      %dma_start3A_894 = arith.constant 0 : i32
      %dma_start3A_895 = tpu.memref_slice %arg6[%dma_start3A_892, %dma_start3A_893, %dma_start3A_894] : memref<2x4x80xi32, #tpu.memory_space<vmem>> -> memref<1x4x80xi32, #tpu.memory_space<vmem>>
      %dma_start3A_896 = tpu.memref_squeeze %dma_start3A_895 : memref<1x4x80xi32, #tpu.memory_space<vmem>> -> memref<4x80xi32, #tpu.memory_space<vmem>>
      %dma_start3A_897 = arith.constant 0 : i32
      %dma_start3A_898 = arith.constant 0 : i32
      %dma_start3A_899 = tpu.memref_slice %arg3[%dma_start3A_891, %add3A, %add3A_872, %dma_start3A_897, %dma_start3A_898] : memref<2x32x32x4x80xi32, #tpu.memory_space<hbm>> -> memref<1x1x1x4x80xi32, #tpu.memory_space<hbm>>
      %dma_start3A_900 = tpu.memref_squeeze %dma_start3A_899 : memref<1x1x1x4x80xi32, #tpu.memory_space<hbm>> -> memref<4x80xi32, #tpu.memory_space<hbm>>
      %dma_start3A_901 = arith.constant 0 : i32
      %dma_start3A_902 = arith.constant 0 : i32
      %dma_start3A_903 = tpu.memref_slice %arg6[%dma_start3A_892, %dma_start3A_901, %dma_start3A_902] : memref<2x4x80xi32, #tpu.memory_space<vmem>> -> memref<1x4x80xi32, #tpu.memory_space<vmem>>
      %dma_start3A_904 = tpu.memref_squeeze %dma_start3A_903 : memref<1x4x80xi32, #tpu.memory_space<vmem>> -> memref<4x80xi32, #tpu.memory_space<vmem>>
      %dma_start3A_905 = arith.constant 0 : i32
      %dma_start3A_906 = arith.constant 0 : i32
      %dma_start3A_907 = tpu.memref_slice %arg3[%dma_start3A_891, %add3A, %add3A_872, %dma_start3A_905, %dma_start3A_906] : memref<2x32x32x4x80xi32, #tpu.memory_space<hbm>> -> memref<1x1x1x4x80xi32, #tpu.memory_space<hbm>>
      %dma_start3A_908 = tpu.memref_squeeze %dma_start3A_907 : memref<1x1x1x4x80xi32, #tpu.memory_space<hbm>> -> memref<4x80xi32, #tpu.memory_space<hbm>>
      tpu.enqueue_dma source(%dma_start3A_908 : memref<4x80xi32, #tpu.memory_space<hbm>>) target(%dma_start3A_904 : memref<4x80xi32, #tpu.memory_space<vmem>>) target_semaphore(%arg14 : memref<!tpu.dma_semaphore, #tpu.memory_space<semaphore_mem>>)
      %mul3A_909 = arith.constant 2 : i32
      %mul3A_910 = arith.muli %mul3A_909, %scan3A_622 : i32
      %add3A_911 = arith.constant 1 : i32
      %add3A_912 = arith.addi %mul3A_910, %add3A_911 : i32
      %add3A_913 = arith.constant 1 : i32
      %add3A_914 = arith.addi %add3A_912, %add3A_913 : i32
      %dma_wait3A_915 = arith.constant 0 : i32
      %dma_wait3A_916 = arith.constant 0 : i32
      %dma_wait3A_917 = arith.constant 0 : i32
      %dma_wait3A_918 = arith.constant 0 : i32
      %dma_wait3A_919 = tpu.memref_slice %arg5[%dma_wait3A_916, %dma_wait3A_917, %dma_wait3A_918] : memref<2x4x80xi32, #tpu.memory_space<vmem>> -> memref<1x4x80xi32, #tpu.memory_space<vmem>>
      %dma_wait3A_920 = tpu.memref_squeeze %dma_wait3A_919 : memref<1x4x80xi32, #tpu.memory_space<vmem>> -> memref<4x80xi32, #tpu.memory_space<vmem>>
      %dma_wait3A_921 = arith.constant 0 : i32
      %dma_wait3A_922 = arith.constant 0 : i32
      %dma_wait3A_923 = tpu.memref_slice %arg3[%dma_wait3A_915, %add3A, %add3A_914, %dma_wait3A_921, %dma_wait3A_922] : memref<2x32x32x4x80xi32, #tpu.memory_space<hbm>> -> memref<1x1x1x4x80xi32, #tpu.memory_space<hbm>>
      %dma_wait3A_924 = tpu.memref_squeeze %dma_wait3A_923 : memref<1x1x1x4x80xi32, #tpu.memory_space<hbm>> -> memref<4x80xi32, #tpu.memory_space<hbm>>
      %dma_wait3A_925 = arith.constant 0 : i32
      %dma_wait3A_926 = arith.constant 0 : i32
      %dma_wait3A_927 = tpu.memref_slice %arg5[%dma_wait3A_916, %dma_wait3A_925, %dma_wait3A_926] : memref<2x4x80xi32, #tpu.memory_space<vmem>> -> memref<1x4x80xi32, #tpu.memory_space<vmem>>
      %dma_wait3A_928 = tpu.memref_squeeze %dma_wait3A_927 : memref<1x4x80xi32, #tpu.memory_space<vmem>> -> memref<4x80xi32, #tpu.memory_space<vmem>>
      %dma_wait3A_929 = arith.constant 0 : i32
      %dma_wait3A_930 = arith.constant 0 : i32
      %dma_wait3A_931 = tpu.memref_slice %arg3[%dma_wait3A_915, %add3A, %add3A_914, %dma_wait3A_929, %dma_wait3A_930] : memref<2x32x32x4x80xi32, #tpu.memory_space<hbm>> -> memref<1x1x1x4x80xi32, #tpu.memory_space<hbm>>
      %dma_wait3A_932 = tpu.memref_squeeze %dma_wait3A_931 : memref<1x1x1x4x80xi32, #tpu.memory_space<hbm>> -> memref<4x80xi32, #tpu.memory_space<hbm>>
      tpu.wait_dma2 semaphore(%arg14 : memref<!tpu.dma_semaphore, #tpu.memory_space<semaphore_mem>>) src(%dma_wait3A_932 : memref<4x80xi32, #tpu.memory_space<hbm>>) dst(%dma_wait3A_928 : memref<4x80xi32, #tpu.memory_space<vmem>>)
      %dma_wait3A_933 = arith.constant 1 : i32
      %dma_wait3A_934 = arith.constant 0 : i32
      %dma_wait3A_935 = arith.constant 0 : i32
      %dma_wait3A_936 = arith.constant 0 : i32
      %dma_wait3A_937 = tpu.memref_slice %arg6[%dma_wait3A_934, %dma_wait3A_935, %dma_wait3A_936] : memref<2x4x80xi32, #tpu.memory_space<vmem>> -> memref<1x4x80xi32, #tpu.memory_space<vmem>>
      %dma_wait3A_938 = tpu.memref_squeeze %dma_wait3A_937 : memref<1x4x80xi32, #tpu.memory_space<vmem>> -> memref<4x80xi32, #tpu.memory_space<vmem>>
      %dma_wait3A_939 = arith.constant 0 : i32
      %dma_wait3A_940 = arith.constant 0 : i32
      %dma_wait3A_941 = tpu.memref_slice %arg3[%dma_wait3A_933, %add3A, %add3A_914, %dma_wait3A_939, %dma_wait3A_940] : memref<2x32x32x4x80xi32, #tpu.memory_space<hbm>> -> memref<1x1x1x4x80xi32, #tpu.memory_space<hbm>>
      %dma_wait3A_942 = tpu.memref_squeeze %dma_wait3A_941 : memref<1x1x1x4x80xi32, #tpu.memory_space<hbm>> -> memref<4x80xi32, #tpu.memory_space<hbm>>
      %dma_wait3A_943 = arith.constant 0 : i32
      %dma_wait3A_944 = arith.constant 0 : i32
      %dma_wait3A_945 = tpu.memref_slice %arg6[%dma_wait3A_934, %dma_wait3A_943, %dma_wait3A_944] : memref<2x4x80xi32, #tpu.memory_space<vmem>> -> memref<1x4x80xi32, #tpu.memory_space<vmem>>
      %dma_wait3A_946 = tpu.memref_squeeze %dma_wait3A_945 : memref<1x4x80xi32, #tpu.memory_space<vmem>> -> memref<4x80xi32, #tpu.memory_space<vmem>>
      %dma_wait3A_947 = arith.constant 0 : i32
      %dma_wait3A_948 = arith.constant 0 : i32
      %dma_wait3A_949 = tpu.memref_slice %arg3[%dma_wait3A_933, %add3A, %add3A_914, %dma_wait3A_947, %dma_wait3A_948] : memref<2x32x32x4x80xi32, #tpu.memory_space<hbm>> -> memref<1x1x1x4x80xi32, #tpu.memory_space<hbm>>
      %dma_wait3A_950 = tpu.memref_squeeze %dma_wait3A_949 : memref<1x1x1x4x80xi32, #tpu.memory_space<hbm>> -> memref<4x80xi32, #tpu.memory_space<hbm>>
      tpu.wait_dma2 semaphore(%arg14 : memref<!tpu.dma_semaphore, #tpu.memory_space<semaphore_mem>>) src(%dma_wait3A_950 : memref<4x80xi32, #tpu.memory_space<hbm>>) dst(%dma_wait3A_946 : memref<4x80xi32, #tpu.memory_space<vmem>>)
      %dma_wait3A_951 = arith.constant 1 : i32
      %dma_wait3A_952 = arith.constant 0 : i32
      %dma_wait3A_953 = arith.constant 0 : i32
      %dma_wait3A_954 = arith.constant 0 : i32
      %dma_wait3A_955 = arith.constant 0 : i32
      %dma_wait3A_956 = tpu.memref_slice %arg7[%dma_wait3A_953, %dma_wait3A_954, %dma_wait3A_955] : memref<4x80x128xf32, #tpu.memory_space<vmem>> -> memref<1x80x128xf32, #tpu.memory_space<vmem>>
      %dma_wait3A_957 = tpu.memref_squeeze %dma_wait3A_956 : memref<1x80x128xf32, #tpu.memory_space<vmem>> -> memref<80x128xf32, #tpu.memory_space<vmem>>
      %dma_wait3A_958 = arith.constant 0 : i32
      %dma_wait3A_959 = tpu.memref_slice %arg5[%dma_wait3A_951, %dma_wait3A_952, %dma_wait3A_958] : memref<2x4x80xi32, #tpu.memory_space<vmem>> -> memref<1x1x80xi32, #tpu.memory_space<vmem>>
      %dma_wait3A_960 = tpu.memref_squeeze %dma_wait3A_959 : memref<1x1x80xi32, #tpu.memory_space<vmem>> -> memref<80xi32, #tpu.memory_space<vmem>>
      %dma_wait3A_961 = arith.constant 0 : i32
      %dma_wait3A_962 = arith.constant 0 : i32
      %dma_wait3A_963 = tpu.memref_slice %arg2[%dma_wait3A_961, %dma_wait3A_962] : memref<10000x128xf32, #tpu.memory_space<hbm>> -> memref<10000x128xf32, #tpu.memory_space<hbm>>
      tpu.wait_indirect_dma semaphore(%arg10 : memref<!tpu.dma_semaphore, #tpu.memory_space<semaphore_mem>>) src(%dma_wait3A_963 : memref<10000x128xf32, #tpu.memory_space<hbm>>) dst(%dma_wait3A_957 : memref<80x128xf32, #tpu.memory_space<vmem>>)
      %dma_start3A_964 = arith.constant 0 : i32
      %dma_start3A_965 = arith.constant 1 : i32
      %dma_start3A_966 = arith.constant 0 : i32
      %dma_start3A_967 = arith.constant 0 : i32
      %dma_start3A_968 = arith.constant 0 : i32
      %dma_start3A_969 = tpu.memref_slice %arg7[%dma_start3A_964, %dma_start3A_967, %dma_start3A_968] : memref<4x80x128xf32, #tpu.memory_space<vmem>> -> memref<1x80x128xf32, #tpu.memory_space<vmem>>
      %dma_start3A_970 = tpu.memref_squeeze %dma_start3A_969 : memref<1x80x128xf32, #tpu.memory_space<vmem>> -> memref<80x128xf32, #tpu.memory_space<vmem>>
      %dma_start3A_971 = arith.constant 0 : i32
      %dma_start3A_972 = tpu.memref_slice %arg6[%dma_start3A_965, %dma_start3A_966, %dma_start3A_971] : memref<2x4x80xi32, #tpu.memory_space<vmem>> -> memref<1x1x80xi32, #tpu.memory_space<vmem>>
      %dma_start3A_973 = tpu.memref_squeeze %dma_start3A_972 : memref<1x1x80xi32, #tpu.memory_space<vmem>> -> memref<80xi32, #tpu.memory_space<vmem>>
      %dma_start3A_974 = arith.constant 0 : i32
      %dma_start3A_975 = arith.constant 0 : i32
      %dma_start3A_976 = tpu.memref_slice %arg9[%dma_start3A_974, %dma_start3A_975] : memref<10040x128xf32, #tpu.memory_space<vmem_shared>> -> memref<10040x128xf32, #tpu.memory_space<vmem_shared>>
      tpu.enqueue_indirect_dma source(%dma_start3A_970 : memref<80x128xf32, #tpu.memory_space<vmem>>) target(%dma_start3A_976 : memref<10040x128xf32, #tpu.memory_space<vmem_shared>>) offsets(%dma_start3A_973 : memref<80xi32, #tpu.memory_space<vmem>>) semaphore(%arg16 : memref<!tpu.dma_semaphore, #tpu.memory_space<semaphore_mem>>) {add = true}
      %dma_wait3A_977 = arith.constant 1 : i32
      %dma_wait3A_978 = arith.constant 1 : i32
      %dma_wait3A_979 = arith.constant 1 : i32
      %dma_wait3A_980 = arith.constant 0 : i32
      %dma_wait3A_981 = arith.constant 0 : i32
      %dma_wait3A_982 = tpu.memref_slice %arg7[%dma_wait3A_979, %dma_wait3A_980, %dma_wait3A_981] : memref<4x80x128xf32, #tpu.memory_space<vmem>> -> memref<1x80x128xf32, #tpu.memory_space<vmem>>
      %dma_wait3A_983 = tpu.memref_squeeze %dma_wait3A_982 : memref<1x80x128xf32, #tpu.memory_space<vmem>> -> memref<80x128xf32, #tpu.memory_space<vmem>>
      %dma_wait3A_984 = arith.constant 0 : i32
      %dma_wait3A_985 = tpu.memref_slice %arg5[%dma_wait3A_977, %dma_wait3A_978, %dma_wait3A_984] : memref<2x4x80xi32, #tpu.memory_space<vmem>> -> memref<1x1x80xi32, #tpu.memory_space<vmem>>
      %dma_wait3A_986 = tpu.memref_squeeze %dma_wait3A_985 : memref<1x1x80xi32, #tpu.memory_space<vmem>> -> memref<80xi32, #tpu.memory_space<vmem>>
      %dma_wait3A_987 = arith.constant 0 : i32
      %dma_wait3A_988 = arith.constant 0 : i32
      %dma_wait3A_989 = tpu.memref_slice %arg2[%dma_wait3A_987, %dma_wait3A_988] : memref<10000x128xf32, #tpu.memory_space<hbm>> -> memref<10000x128xf32, #tpu.memory_space<hbm>>
      tpu.wait_indirect_dma semaphore(%arg11 : memref<!tpu.dma_semaphore, #tpu.memory_space<semaphore_mem>>) src(%dma_wait3A_989 : memref<10000x128xf32, #tpu.memory_space<hbm>>) dst(%dma_wait3A_983 : memref<80x128xf32, #tpu.memory_space<vmem>>)
      %dma_start3A_990 = arith.constant 1 : i32
      %dma_start3A_991 = arith.constant 1 : i32
      %dma_start3A_992 = arith.constant 1 : i32
      %dma_start3A_993 = arith.constant 0 : i32
      %dma_start3A_994 = arith.constant 0 : i32
      %dma_start3A_995 = tpu.memref_slice %arg7[%dma_start3A_990, %dma_start3A_993, %dma_start3A_994] : memref<4x80x128xf32, #tpu.memory_space<vmem>> -> memref<1x80x128xf32, #tpu.memory_space<vmem>>
      %dma_start3A_996 = tpu.memref_squeeze %dma_start3A_995 : memref<1x80x128xf32, #tpu.memory_space<vmem>> -> memref<80x128xf32, #tpu.memory_space<vmem>>
      %dma_start3A_997 = arith.constant 0 : i32
      %dma_start3A_998 = tpu.memref_slice %arg6[%dma_start3A_991, %dma_start3A_992, %dma_start3A_997] : memref<2x4x80xi32, #tpu.memory_space<vmem>> -> memref<1x1x80xi32, #tpu.memory_space<vmem>>
      %dma_start3A_999 = tpu.memref_squeeze %dma_start3A_998 : memref<1x1x80xi32, #tpu.memory_space<vmem>> -> memref<80xi32, #tpu.memory_space<vmem>>
      %dma_start3A_1000 = arith.constant 0 : i32
      %dma_start3A_1001 = arith.constant 0 : i32
      %dma_start3A_1002 = tpu.memref_slice %arg9[%dma_start3A_1000, %dma_start3A_1001] : memref<10040x128xf32, #tpu.memory_space<vmem_shared>> -> memref<10040x128xf32, #tpu.memory_space<vmem_shared>>
      tpu.enqueue_indirect_dma source(%dma_start3A_996 : memref<80x128xf32, #tpu.memory_space<vmem>>) target(%dma_start3A_1002 : memref<10040x128xf32, #tpu.memory_space<vmem_shared>>) offsets(%dma_start3A_999 : memref<80xi32, #tpu.memory_space<vmem>>) semaphore(%arg17 : memref<!tpu.dma_semaphore, #tpu.memory_space<semaphore_mem>>) {add = true}
      %dma_wait3A_1003 = arith.constant 0 : i32
      %dma_wait3A_1004 = arith.constant 1 : i32
      %dma_wait3A_1005 = arith.constant 0 : i32
      %dma_wait3A_1006 = arith.constant 0 : i32
      %dma_wait3A_1007 = arith.constant 0 : i32
      %dma_wait3A_1008 = tpu.memref_slice %arg7[%dma_wait3A_1003, %dma_wait3A_1006, %dma_wait3A_1007] : memref<4x80x128xf32, #tpu.memory_space<vmem>> -> memref<1x80x128xf32, #tpu.memory_space<vmem>>
      %dma_wait3A_1009 = tpu.memref_squeeze %dma_wait3A_1008 : memref<1x80x128xf32, #tpu.memory_space<vmem>> -> memref<80x128xf32, #tpu.memory_space<vmem>>
      %dma_wait3A_1010 = arith.constant 0 : i32
      %dma_wait3A_1011 = tpu.memref_slice %arg6[%dma_wait3A_1004, %dma_wait3A_1005, %dma_wait3A_1010] : memref<2x4x80xi32, #tpu.memory_space<vmem>> -> memref<1x1x80xi32, #tpu.memory_space<vmem>>
      %dma_wait3A_1012 = tpu.memref_squeeze %dma_wait3A_1011 : memref<1x1x80xi32, #tpu.memory_space<vmem>> -> memref<80xi32, #tpu.memory_space<vmem>>
      %dma_wait3A_1013 = arith.constant 0 : i32
      %dma_wait3A_1014 = arith.constant 0 : i32
      %dma_wait3A_1015 = tpu.memref_slice %arg9[%dma_wait3A_1013, %dma_wait3A_1014] : memref<10040x128xf32, #tpu.memory_space<vmem_shared>> -> memref<10040x128xf32, #tpu.memory_space<vmem_shared>>
      tpu.wait_indirect_dma semaphore(%arg16 : memref<!tpu.dma_semaphore, #tpu.memory_space<semaphore_mem>>) src(%dma_wait3A_1009 : memref<80x128xf32, #tpu.memory_space<vmem>>) dst(%dma_wait3A_1015 : memref<10040x128xf32, #tpu.memory_space<vmem_shared>>)
      %dma_start3A_1016 = arith.constant 0 : i32
      %dma_start3A_1017 = arith.constant 0 : i32
      %dma_start3A_1018 = arith.constant 0 : i32
      %dma_start3A_1019 = arith.constant 0 : i32
      %dma_start3A_1020 = arith.constant 0 : i32
      %dma_start3A_1021 = tpu.memref_slice %arg7[%dma_start3A_1018, %dma_start3A_1019, %dma_start3A_1020] : memref<4x80x128xf32, #tpu.memory_space<vmem>> -> memref<1x80x128xf32, #tpu.memory_space<vmem>>
      %dma_start3A_1022 = tpu.memref_squeeze %dma_start3A_1021 : memref<1x80x128xf32, #tpu.memory_space<vmem>> -> memref<80x128xf32, #tpu.memory_space<vmem>>
      %dma_start3A_1023 = arith.constant 0 : i32
      %dma_start3A_1024 = tpu.memref_slice %arg5[%dma_start3A_1016, %dma_start3A_1017, %dma_start3A_1023] : memref<2x4x80xi32, #tpu.memory_space<vmem>> -> memref<1x1x80xi32, #tpu.memory_space<vmem>>
      %dma_start3A_1025 = tpu.memref_squeeze %dma_start3A_1024 : memref<1x1x80xi32, #tpu.memory_space<vmem>> -> memref<80xi32, #tpu.memory_space<vmem>>
      %dma_start3A_1026 = arith.constant 0 : i32
      %dma_start3A_1027 = arith.constant 0 : i32
      %dma_start3A_1028 = tpu.memref_slice %arg2[%dma_start3A_1026, %dma_start3A_1027] : memref<10000x128xf32, #tpu.memory_space<hbm>> -> memref<10000x128xf32, #tpu.memory_space<hbm>>
      tpu.enqueue_indirect_dma source(%dma_start3A_1028 : memref<10000x128xf32, #tpu.memory_space<hbm>>) target(%dma_start3A_1022 : memref<80x128xf32, #tpu.memory_space<vmem>>) offsets(%dma_start3A_1025 : memref<80xi32, #tpu.memory_space<vmem>>) semaphore(%arg10 : memref<!tpu.dma_semaphore, #tpu.memory_space<semaphore_mem>>)
      %dma_wait3A_1029 = arith.constant 1 : i32
      %dma_wait3A_1030 = arith.constant 2 : i32
      %dma_wait3A_1031 = arith.constant 2 : i32
      %dma_wait3A_1032 = arith.constant 0 : i32
      %dma_wait3A_1033 = arith.constant 0 : i32
      %dma_wait3A_1034 = tpu.memref_slice %arg7[%dma_wait3A_1031, %dma_wait3A_1032, %dma_wait3A_1033] : memref<4x80x128xf32, #tpu.memory_space<vmem>> -> memref<1x80x128xf32, #tpu.memory_space<vmem>>
      %dma_wait3A_1035 = tpu.memref_squeeze %dma_wait3A_1034 : memref<1x80x128xf32, #tpu.memory_space<vmem>> -> memref<80x128xf32, #tpu.memory_space<vmem>>
      %dma_wait3A_1036 = arith.constant 0 : i32
      %dma_wait3A_1037 = tpu.memref_slice %arg5[%dma_wait3A_1029, %dma_wait3A_1030, %dma_wait3A_1036] : memref<2x4x80xi32, #tpu.memory_space<vmem>> -> memref<1x1x80xi32, #tpu.memory_space<vmem>>
      %dma_wait3A_1038 = tpu.memref_squeeze %dma_wait3A_1037 : memref<1x1x80xi32, #tpu.memory_space<vmem>> -> memref<80xi32, #tpu.memory_space<vmem>>
      %dma_wait3A_1039 = arith.constant 0 : i32
      %dma_wait3A_1040 = arith.constant 0 : i32
      %dma_wait3A_1041 = tpu.memref_slice %arg2[%dma_wait3A_1039, %dma_wait3A_1040] : memref<10000x128xf32, #tpu.memory_space<hbm>> -> memref<10000x128xf32, #tpu.memory_space<hbm>>
      tpu.wait_indirect_dma semaphore(%arg12 : memref<!tpu.dma_semaphore, #tpu.memory_space<semaphore_mem>>) src(%dma_wait3A_1041 : memref<10000x128xf32, #tpu.memory_space<hbm>>) dst(%dma_wait3A_1035 : memref<80x128xf32, #tpu.memory_space<vmem>>)
      %dma_start3A_1042 = arith.constant 2 : i32
      %dma_start3A_1043 = arith.constant 1 : i32
      %dma_start3A_1044 = arith.constant 2 : i32
      %dma_start3A_1045 = arith.constant 0 : i32
      %dma_start3A_1046 = arith.constant 0 : i32
      %dma_start3A_1047 = tpu.memref_slice %arg7[%dma_start3A_1042, %dma_start3A_1045, %dma_start3A_1046] : memref<4x80x128xf32, #tpu.memory_space<vmem>> -> memref<1x80x128xf32, #tpu.memory_space<vmem>>
      %dma_start3A_1048 = tpu.memref_squeeze %dma_start3A_1047 : memref<1x80x128xf32, #tpu.memory_space<vmem>> -> memref<80x128xf32, #tpu.memory_space<vmem>>
      %dma_start3A_1049 = arith.constant 0 : i32
      %dma_start3A_1050 = tpu.memref_slice %arg6[%dma_start3A_1043, %dma_start3A_1044, %dma_start3A_1049] : memref<2x4x80xi32, #tpu.memory_space<vmem>> -> memref<1x1x80xi32, #tpu.memory_space<vmem>>
      %dma_start3A_1051 = tpu.memref_squeeze %dma_start3A_1050 : memref<1x1x80xi32, #tpu.memory_space<vmem>> -> memref<80xi32, #tpu.memory_space<vmem>>
      %dma_start3A_1052 = arith.constant 0 : i32
      %dma_start3A_1053 = arith.constant 0 : i32
      %dma_start3A_1054 = tpu.memref_slice %arg9[%dma_start3A_1052, %dma_start3A_1053] : memref<10040x128xf32, #tpu.memory_space<vmem_shared>> -> memref<10040x128xf32, #tpu.memory_space<vmem_shared>>
      tpu.enqueue_indirect_dma source(%dma_start3A_1048 : memref<80x128xf32, #tpu.memory_space<vmem>>) target(%dma_start3A_1054 : memref<10040x128xf32, #tpu.memory_space<vmem_shared>>) offsets(%dma_start3A_1051 : memref<80xi32, #tpu.memory_space<vmem>>) semaphore(%arg18 : memref<!tpu.dma_semaphore, #tpu.memory_space<semaphore_mem>>) {add = true}
      %dma_wait3A_1055 = arith.constant 1 : i32
      %dma_wait3A_1056 = arith.constant 1 : i32
      %dma_wait3A_1057 = arith.constant 1 : i32
      %dma_wait3A_1058 = arith.constant 0 : i32
      %dma_wait3A_1059 = arith.constant 0 : i32
      %dma_wait3A_1060 = tpu.memref_slice %arg7[%dma_wait3A_1055, %dma_wait3A_1058, %dma_wait3A_1059] : memref<4x80x128xf32, #tpu.memory_space<vmem>> -> memref<1x80x128xf32, #tpu.memory_space<vmem>>
      %dma_wait3A_1061 = tpu.memref_squeeze %dma_wait3A_1060 : memref<1x80x128xf32, #tpu.memory_space<vmem>> -> memref<80x128xf32, #tpu.memory_space<vmem>>
      %dma_wait3A_1062 = arith.constant 0 : i32
      %dma_wait3A_1063 = tpu.memref_slice %arg6[%dma_wait3A_1056, %dma_wait3A_1057, %dma_wait3A_1062] : memref<2x4x80xi32, #tpu.memory_space<vmem>> -> memref<1x1x80xi32, #tpu.memory_space<vmem>>
      %dma_wait3A_1064 = tpu.memref_squeeze %dma_wait3A_1063 : memref<1x1x80xi32, #tpu.memory_space<vmem>> -> memref<80xi32, #tpu.memory_space<vmem>>
      %dma_wait3A_1065 = arith.constant 0 : i32
      %dma_wait3A_1066 = arith.constant 0 : i32
      %dma_wait3A_1067 = tpu.memref_slice %arg9[%dma_wait3A_1065, %dma_wait3A_1066] : memref<10040x128xf32, #tpu.memory_space<vmem_shared>> -> memref<10040x128xf32, #tpu.memory_space<vmem_shared>>
      tpu.wait_indirect_dma semaphore(%arg17 : memref<!tpu.dma_semaphore, #tpu.memory_space<semaphore_mem>>) src(%dma_wait3A_1061 : memref<80x128xf32, #tpu.memory_space<vmem>>) dst(%dma_wait3A_1067 : memref<10040x128xf32, #tpu.memory_space<vmem_shared>>)
      %dma_start3A_1068 = arith.constant 0 : i32
      %dma_start3A_1069 = arith.constant 1 : i32
      %dma_start3A_1070 = arith.constant 1 : i32
      %dma_start3A_1071 = arith.constant 0 : i32
      %dma_start3A_1072 = arith.constant 0 : i32
      %dma_start3A_1073 = tpu.memref_slice %arg7[%dma_start3A_1070, %dma_start3A_1071, %dma_start3A_1072] : memref<4x80x128xf32, #tpu.memory_space<vmem>> -> memref<1x80x128xf32, #tpu.memory_space<vmem>>
      %dma_start3A_1074 = tpu.memref_squeeze %dma_start3A_1073 : memref<1x80x128xf32, #tpu.memory_space<vmem>> -> memref<80x128xf32, #tpu.memory_space<vmem>>
      %dma_start3A_1075 = arith.constant 0 : i32
      %dma_start3A_1076 = tpu.memref_slice %arg5[%dma_start3A_1068, %dma_start3A_1069, %dma_start3A_1075] : memref<2x4x80xi32, #tpu.memory_space<vmem>> -> memref<1x1x80xi32, #tpu.memory_space<vmem>>
      %dma_start3A_1077 = tpu.memref_squeeze %dma_start3A_1076 : memref<1x1x80xi32, #tpu.memory_space<vmem>> -> memref<80xi32, #tpu.memory_space<vmem>>
      %dma_start3A_1078 = arith.constant 0 : i32
      %dma_start3A_1079 = arith.constant 0 : i32
      %dma_start3A_1080 = tpu.memref_slice %arg2[%dma_start3A_1078, %dma_start3A_1079] : memref<10000x128xf32, #tpu.memory_space<hbm>> -> memref<10000x128xf32, #tpu.memory_space<hbm>>
      tpu.enqueue_indirect_dma source(%dma_start3A_1080 : memref<10000x128xf32, #tpu.memory_space<hbm>>) target(%dma_start3A_1074 : memref<80x128xf32, #tpu.memory_space<vmem>>) offsets(%dma_start3A_1077 : memref<80xi32, #tpu.memory_space<vmem>>) semaphore(%arg11 : memref<!tpu.dma_semaphore, #tpu.memory_space<semaphore_mem>>)
      %dma_wait3A_1081 = arith.constant 1 : i32
      %dma_wait3A_1082 = arith.constant 3 : i32
      %dma_wait3A_1083 = arith.constant 3 : i32
      %dma_wait3A_1084 = arith.constant 0 : i32
      %dma_wait3A_1085 = arith.constant 0 : i32
      %dma_wait3A_1086 = tpu.memref_slice %arg7[%dma_wait3A_1083, %dma_wait3A_1084, %dma_wait3A_1085] : memref<4x80x128xf32, #tpu.memory_space<vmem>> -> memref<1x80x128xf32, #tpu.memory_space<vmem>>
      %dma_wait3A_1087 = tpu.memref_squeeze %dma_wait3A_1086 : memref<1x80x128xf32, #tpu.memory_space<vmem>> -> memref<80x128xf32, #tpu.memory_space<vmem>>
      %dma_wait3A_1088 = arith.constant 0 : i32
      %dma_wait3A_1089 = tpu.memref_slice %arg5[%dma_wait3A_1081, %dma_wait3A_1082, %dma_wait3A_1088] : memref<2x4x80xi32, #tpu.memory_space<vmem>> -> memref<1x1x80xi32, #tpu.memory_space<vmem>>
      %dma_wait3A_1090 = tpu.memref_squeeze %dma_wait3A_1089 : memref<1x1x80xi32, #tpu.memory_space<vmem>> -> memref<80xi32, #tpu.memory_space<vmem>>
      %dma_wait3A_1091 = arith.constant 0 : i32
      %dma_wait3A_1092 = arith.constant 0 : i32
      %dma_wait3A_1093 = tpu.memref_slice %arg2[%dma_wait3A_1091, %dma_wait3A_1092] : memref<10000x128xf32, #tpu.memory_space<hbm>> -> memref<10000x128xf32, #tpu.memory_space<hbm>>
      tpu.wait_indirect_dma semaphore(%arg13 : memref<!tpu.dma_semaphore, #tpu.memory_space<semaphore_mem>>) src(%dma_wait3A_1093 : memref<10000x128xf32, #tpu.memory_space<hbm>>) dst(%dma_wait3A_1087 : memref<80x128xf32, #tpu.memory_space<vmem>>)
      %dma_start3A_1094 = arith.constant 3 : i32
      %dma_start3A_1095 = arith.constant 1 : i32
      %dma_start3A_1096 = arith.constant 3 : i32
      %dma_start3A_1097 = arith.constant 0 : i32
      %dma_start3A_1098 = arith.constant 0 : i32
      %dma_start3A_1099 = tpu.memref_slice %arg7[%dma_start3A_1094, %dma_start3A_1097, %dma_start3A_1098] : memref<4x80x128xf32, #tpu.memory_space<vmem>> -> memref<1x80x128xf32, #tpu.memory_space<vmem>>
      %dma_start3A_1100 = tpu.memref_squeeze %dma_start3A_1099 : memref<1x80x128xf32, #tpu.memory_space<vmem>> -> memref<80x128xf32, #tpu.memory_space<vmem>>
      %dma_start3A_1101 = arith.constant 0 : i32
      %dma_start3A_1102 = tpu.memref_slice %arg6[%dma_start3A_1095, %dma_start3A_1096, %dma_start3A_1101] : memref<2x4x80xi32, #tpu.memory_space<vmem>> -> memref<1x1x80xi32, #tpu.memory_space<vmem>>
      %dma_start3A_1103 = tpu.memref_squeeze %dma_start3A_1102 : memref<1x1x80xi32, #tpu.memory_space<vmem>> -> memref<80xi32, #tpu.memory_space<vmem>>
      %dma_start3A_1104 = arith.constant 0 : i32
      %dma_start3A_1105 = arith.constant 0 : i32
      %dma_start3A_1106 = tpu.memref_slice %arg9[%dma_start3A_1104, %dma_start3A_1105] : memref<10040x128xf32, #tpu.memory_space<vmem_shared>> -> memref<10040x128xf32, #tpu.memory_space<vmem_shared>>
      tpu.enqueue_indirect_dma source(%dma_start3A_1100 : memref<80x128xf32, #tpu.memory_space<vmem>>) target(%dma_start3A_1106 : memref<10040x128xf32, #tpu.memory_space<vmem_shared>>) offsets(%dma_start3A_1103 : memref<80xi32, #tpu.memory_space<vmem>>) semaphore(%arg19 : memref<!tpu.dma_semaphore, #tpu.memory_space<semaphore_mem>>) {add = true}
      %dma_wait3A_1107 = arith.constant 2 : i32
      %dma_wait3A_1108 = arith.constant 1 : i32
      %dma_wait3A_1109 = arith.constant 2 : i32
      %dma_wait3A_1110 = arith.constant 0 : i32
      %dma_wait3A_1111 = arith.constant 0 : i32
      %dma_wait3A_1112 = tpu.memref_slice %arg7[%dma_wait3A_1107, %dma_wait3A_1110, %dma_wait3A_1111] : memref<4x80x128xf32, #tpu.memory_space<vmem>> -> memref<1x80x128xf32, #tpu.memory_space<vmem>>
      %dma_wait3A_1113 = tpu.memref_squeeze %dma_wait3A_1112 : memref<1x80x128xf32, #tpu.memory_space<vmem>> -> memref<80x128xf32, #tpu.memory_space<vmem>>
      %dma_wait3A_1114 = arith.constant 0 : i32
      %dma_wait3A_1115 = tpu.memref_slice %arg6[%dma_wait3A_1108, %dma_wait3A_1109, %dma_wait3A_1114] : memref<2x4x80xi32, #tpu.memory_space<vmem>> -> memref<1x1x80xi32, #tpu.memory_space<vmem>>
      %dma_wait3A_1116 = tpu.memref_squeeze %dma_wait3A_1115 : memref<1x1x80xi32, #tpu.memory_space<vmem>> -> memref<80xi32, #tpu.memory_space<vmem>>
      %dma_wait3A_1117 = arith.constant 0 : i32
      %dma_wait3A_1118 = arith.constant 0 : i32
      %dma_wait3A_1119 = tpu.memref_slice %arg9[%dma_wait3A_1117, %dma_wait3A_1118] : memref<10040x128xf32, #tpu.memory_space<vmem_shared>> -> memref<10040x128xf32, #tpu.memory_space<vmem_shared>>
      tpu.wait_indirect_dma semaphore(%arg18 : memref<!tpu.dma_semaphore, #tpu.memory_space<semaphore_mem>>) src(%dma_wait3A_1113 : memref<80x128xf32, #tpu.memory_space<vmem>>) dst(%dma_wait3A_1119 : memref<10040x128xf32, #tpu.memory_space<vmem_shared>>)
      %dma_start3A_1120 = arith.constant 0 : i32
      %dma_start3A_1121 = arith.constant 2 : i32
      %dma_start3A_1122 = arith.constant 2 : i32
      %dma_start3A_1123 = arith.constant 0 : i32
      %dma_start3A_1124 = arith.constant 0 : i32
      %dma_start3A_1125 = tpu.memref_slice %arg7[%dma_start3A_1122, %dma_start3A_1123, %dma_start3A_1124] : memref<4x80x128xf32, #tpu.memory_space<vmem>> -> memref<1x80x128xf32, #tpu.memory_space<vmem>>
      %dma_start3A_1126 = tpu.memref_squeeze %dma_start3A_1125 : memref<1x80x128xf32, #tpu.memory_space<vmem>> -> memref<80x128xf32, #tpu.memory_space<vmem>>
      %dma_start3A_1127 = arith.constant 0 : i32
      %dma_start3A_1128 = tpu.memref_slice %arg5[%dma_start3A_1120, %dma_start3A_1121, %dma_start3A_1127] : memref<2x4x80xi32, #tpu.memory_space<vmem>> -> memref<1x1x80xi32, #tpu.memory_space<vmem>>
      %dma_start3A_1129 = tpu.memref_squeeze %dma_start3A_1128 : memref<1x1x80xi32, #tpu.memory_space<vmem>> -> memref<80xi32, #tpu.memory_space<vmem>>
      %dma_start3A_1130 = arith.constant 0 : i32
      %dma_start3A_1131 = arith.constant 0 : i32
      %dma_start3A_1132 = tpu.memref_slice %arg2[%dma_start3A_1130, %dma_start3A_1131] : memref<10000x128xf32, #tpu.memory_space<hbm>> -> memref<10000x128xf32, #tpu.memory_space<hbm>>
      tpu.enqueue_indirect_dma source(%dma_start3A_1132 : memref<10000x128xf32, #tpu.memory_space<hbm>>) target(%dma_start3A_1126 : memref<80x128xf32, #tpu.memory_space<vmem>>) offsets(%dma_start3A_1129 : memref<80xi32, #tpu.memory_space<vmem>>) semaphore(%arg12 : memref<!tpu.dma_semaphore, #tpu.memory_space<semaphore_mem>>)
      %dma_wait3A_1133 = arith.constant 3 : i32
      %dma_wait3A_1134 = arith.constant 1 : i32
      %dma_wait3A_1135 = arith.constant 3 : i32
      %dma_wait3A_1136 = arith.constant 0 : i32
      %dma_wait3A_1137 = arith.constant 0 : i32
      %dma_wait3A_1138 = tpu.memref_slice %arg7[%dma_wait3A_1133, %dma_wait3A_1136, %dma_wait3A_1137] : memref<4x80x128xf32, #tpu.memory_space<vmem>> -> memref<1x80x128xf32, #tpu.memory_space<vmem>>
      %dma_wait3A_1139 = tpu.memref_squeeze %dma_wait3A_1138 : memref<1x80x128xf32, #tpu.memory_space<vmem>> -> memref<80x128xf32, #tpu.memory_space<vmem>>
      %dma_wait3A_1140 = arith.constant 0 : i32
      %dma_wait3A_1141 = tpu.memref_slice %arg6[%dma_wait3A_1134, %dma_wait3A_1135, %dma_wait3A_1140] : memref<2x4x80xi32, #tpu.memory_space<vmem>> -> memref<1x1x80xi32, #tpu.memory_space<vmem>>
      %dma_wait3A_1142 = tpu.memref_squeeze %dma_wait3A_1141 : memref<1x1x80xi32, #tpu.memory_space<vmem>> -> memref<80xi32, #tpu.memory_space<vmem>>
      %dma_wait3A_1143 = arith.constant 0 : i32
      %dma_wait3A_1144 = arith.constant 0 : i32
      %dma_wait3A_1145 = tpu.memref_slice %arg9[%dma_wait3A_1143, %dma_wait3A_1144] : memref<10040x128xf32, #tpu.memory_space<vmem_shared>> -> memref<10040x128xf32, #tpu.memory_space<vmem_shared>>
      tpu.wait_indirect_dma semaphore(%arg19 : memref<!tpu.dma_semaphore, #tpu.memory_space<semaphore_mem>>) src(%dma_wait3A_1139 : memref<80x128xf32, #tpu.memory_space<vmem>>) dst(%dma_wait3A_1145 : memref<10040x128xf32, #tpu.memory_space<vmem_shared>>)
      %dma_start3A_1146 = arith.constant 0 : i32
      %dma_start3A_1147 = arith.constant 3 : i32
      %dma_start3A_1148 = arith.constant 3 : i32
      %dma_start3A_1149 = arith.constant 0 : i32
      %dma_start3A_1150 = arith.constant 0 : i32
      %dma_start3A_1151 = tpu.memref_slice %arg7[%dma_start3A_1148, %dma_start3A_1149, %dma_start3A_1150] : memref<4x80x128xf32, #tpu.memory_space<vmem>> -> memref<1x80x128xf32, #tpu.memory_space<vmem>>
      %dma_start3A_1152 = tpu.memref_squeeze %dma_start3A_1151 : memref<1x80x128xf32, #tpu.memory_space<vmem>> -> memref<80x128xf32, #tpu.memory_space<vmem>>
      %dma_start3A_1153 = arith.constant 0 : i32
      %dma_start3A_1154 = tpu.memref_slice %arg5[%dma_start3A_1146, %dma_start3A_1147, %dma_start3A_1153] : memref<2x4x80xi32, #tpu.memory_space<vmem>> -> memref<1x1x80xi32, #tpu.memory_space<vmem>>
      %dma_start3A_1155 = tpu.memref_squeeze %dma_start3A_1154 : memref<1x1x80xi32, #tpu.memory_space<vmem>> -> memref<80xi32, #tpu.memory_space<vmem>>
      %dma_start3A_1156 = arith.constant 0 : i32
      %dma_start3A_1157 = arith.constant 0 : i32
      %dma_start3A_1158 = tpu.memref_slice %arg2[%dma_start3A_1156, %dma_start3A_1157] : memref<10000x128xf32, #tpu.memory_space<hbm>> -> memref<10000x128xf32, #tpu.memory_space<hbm>>
      tpu.enqueue_indirect_dma source(%dma_start3A_1158 : memref<10000x128xf32, #tpu.memory_space<hbm>>) target(%dma_start3A_1152 : memref<80x128xf32, #tpu.memory_space<vmem>>) offsets(%dma_start3A_1155 : memref<80xi32, #tpu.memory_space<vmem>>) semaphore(%arg13 : memref<!tpu.dma_semaphore, #tpu.memory_space<semaphore_mem>>)
      %add3A_1159 = arith.constant 2 : i32
      %add3A_1160 = arith.addi %add3A_912, %add3A_1159 : i32
      %dma_start3A_1161 = arith.constant 0 : i32
      %dma_start3A_1162 = arith.constant 1 : i32
      %dma_start3A_1163 = arith.constant 0 : i32
      %dma_start3A_1164 = arith.constant 0 : i32
      %dma_start3A_1165 = tpu.memref_slice %arg5[%dma_start3A_1162, %dma_start3A_1163, %dma_start3A_1164] : memref<2x4x80xi32, #tpu.memory_space<vmem>> -> memref<1x4x80xi32, #tpu.memory_space<vmem>>
      %dma_start3A_1166 = tpu.memref_squeeze %dma_start3A_1165 : memref<1x4x80xi32, #tpu.memory_space<vmem>> -> memref<4x80xi32, #tpu.memory_space<vmem>>
      %dma_start3A_1167 = arith.constant 0 : i32
      %dma_start3A_1168 = arith.constant 0 : i32
      %dma_start3A_1169 = tpu.memref_slice %arg3[%dma_start3A_1161, %add3A, %add3A_1160, %dma_start3A_1167, %dma_start3A_1168] : memref<2x32x32x4x80xi32, #tpu.memory_space<hbm>> -> memref<1x1x1x4x80xi32, #tpu.memory_space<hbm>>
      %dma_start3A_1170 = tpu.memref_squeeze %dma_start3A_1169 : memref<1x1x1x4x80xi32, #tpu.memory_space<hbm>> -> memref<4x80xi32, #tpu.memory_space<hbm>>
      %dma_start3A_1171 = arith.constant 0 : i32
      %dma_start3A_1172 = arith.constant 0 : i32
      %dma_start3A_1173 = tpu.memref_slice %arg5[%dma_start3A_1162, %dma_start3A_1171, %dma_start3A_1172] : memref<2x4x80xi32, #tpu.memory_space<vmem>> -> memref<1x4x80xi32, #tpu.memory_space<vmem>>
      %dma_start3A_1174 = tpu.memref_squeeze %dma_start3A_1173 : memref<1x4x80xi32, #tpu.memory_space<vmem>> -> memref<4x80xi32, #tpu.memory_space<vmem>>
      %dma_start3A_1175 = arith.constant 0 : i32
      %dma_start3A_1176 = arith.constant 0 : i32
      %dma_start3A_1177 = tpu.memref_slice %arg3[%dma_start3A_1161, %add3A, %add3A_1160, %dma_start3A_1175, %dma_start3A_1176] : memref<2x32x32x4x80xi32, #tpu.memory_space<hbm>> -> memref<1x1x1x4x80xi32, #tpu.memory_space<hbm>>
      %dma_start3A_1178 = tpu.memref_squeeze %dma_start3A_1177 : memref<1x1x1x4x80xi32, #tpu.memory_space<hbm>> -> memref<4x80xi32, #tpu.memory_space<hbm>>
      tpu.enqueue_dma source(%dma_start3A_1178 : memref<4x80xi32, #tpu.memory_space<hbm>>) target(%dma_start3A_1174 : memref<4x80xi32, #tpu.memory_space<vmem>>) target_semaphore(%arg15 : memref<!tpu.dma_semaphore, #tpu.memory_space<semaphore_mem>>)
      %dma_start3A_1179 = arith.constant 1 : i32
      %dma_start3A_1180 = arith.constant 1 : i32
      %dma_start3A_1181 = arith.constant 0 : i32
      %dma_start3A_1182 = arith.constant 0 : i32
      %dma_start3A_1183 = tpu.memref_slice %arg6[%dma_start3A_1180, %dma_start3A_1181, %dma_start3A_1182] : memref<2x4x80xi32, #tpu.memory_space<vmem>> -> memref<1x4x80xi32, #tpu.memory_space<vmem>>
      %dma_start3A_1184 = tpu.memref_squeeze %dma_start3A_1183 : memref<1x4x80xi32, #tpu.memory_space<vmem>> -> memref<4x80xi32, #tpu.memory_space<vmem>>
      %dma_start3A_1185 = arith.constant 0 : i32
      %dma_start3A_1186 = arith.constant 0 : i32
      %dma_start3A_1187 = tpu.memref_slice %arg3[%dma_start3A_1179, %add3A, %add3A_1160, %dma_start3A_1185, %dma_start3A_1186] : memref<2x32x32x4x80xi32, #tpu.memory_space<hbm>> -> memref<1x1x1x4x80xi32, #tpu.memory_space<hbm>>
      %dma_start3A_1188 = tpu.memref_squeeze %dma_start3A_1187 : memref<1x1x1x4x80xi32, #tpu.memory_space<hbm>> -> memref<4x80xi32, #tpu.memory_space<hbm>>
      %dma_start3A_1189 = arith.constant 0 : i32
      %dma_start3A_1190 = arith.constant 0 : i32
      %dma_start3A_1191 = tpu.memref_slice %arg6[%dma_start3A_1180, %dma_start3A_1189, %dma_start3A_1190] : memref<2x4x80xi32, #tpu.memory_space<vmem>> -> memref<1x4x80xi32, #tpu.memory_space<vmem>>
      %dma_start3A_1192 = tpu.memref_squeeze %dma_start3A_1191 : memref<1x4x80xi32, #tpu.memory_space<vmem>> -> memref<4x80xi32, #tpu.memory_space<vmem>>
      %dma_start3A_1193 = arith.constant 0 : i32
      %dma_start3A_1194 = arith.constant 0 : i32
      %dma_start3A_1195 = tpu.memref_slice %arg3[%dma_start3A_1179, %add3A, %add3A_1160, %dma_start3A_1193, %dma_start3A_1194] : memref<2x32x32x4x80xi32, #tpu.memory_space<hbm>> -> memref<1x1x1x4x80xi32, #tpu.memory_space<hbm>>
      %dma_start3A_1196 = tpu.memref_squeeze %dma_start3A_1195 : memref<1x1x1x4x80xi32, #tpu.memory_space<hbm>> -> memref<4x80xi32, #tpu.memory_space<hbm>>
      tpu.enqueue_dma source(%dma_start3A_1196 : memref<4x80xi32, #tpu.memory_space<hbm>>) target(%dma_start3A_1192 : memref<4x80xi32, #tpu.memory_space<vmem>>) target_semaphore(%arg15 : memref<!tpu.dma_semaphore, #tpu.memory_space<semaphore_mem>>)
    }
    %scan3A_195 = arith.constant 15 : i32
    %dma_wait3A_196 = arith.constant 0 : i32
    %dma_wait3A_197 = arith.constant 31 : i32
    %dma_wait3A_198 = arith.constant 1 : i32
    %dma_wait3A_199 = arith.constant 0 : i32
    %dma_wait3A_200 = arith.constant 0 : i32
    %dma_wait3A_201 = tpu.memref_slice %arg5[%dma_wait3A_198, %dma_wait3A_199, %dma_wait3A_200] : memref<2x4x80xi32, #tpu.memory_space<vmem>> -> memref<1x4x80xi32, #tpu.memory_space<vmem>>
    %dma_wait3A_202 = tpu.memref_squeeze %dma_wait3A_201 : memref<1x4x80xi32, #tpu.memory_space<vmem>> -> memref<4x80xi32, #tpu.memory_space<vmem>>
    %dma_wait3A_203 = arith.constant 0 : i32
    %dma_wait3A_204 = arith.constant 0 : i32
    %dma_wait3A_205 = tpu.memref_slice %arg3[%dma_wait3A_196, %add3A, %dma_wait3A_197, %dma_wait3A_203, %dma_wait3A_204] : memref<2x32x32x4x80xi32, #tpu.memory_space<hbm>> -> memref<1x1x1x4x80xi32, #tpu.memory_space<hbm>>
    %dma_wait3A_206 = tpu.memref_squeeze %dma_wait3A_205 : memref<1x1x1x4x80xi32, #tpu.memory_space<hbm>> -> memref<4x80xi32, #tpu.memory_space<hbm>>
    %dma_wait3A_207 = arith.constant 0 : i32
    %dma_wait3A_208 = arith.constant 0 : i32
    %dma_wait3A_209 = tpu.memref_slice %arg5[%dma_wait3A_198, %dma_wait3A_207, %dma_wait3A_208] : memref<2x4x80xi32, #tpu.memory_space<vmem>> -> memref<1x4x80xi32, #tpu.memory_space<vmem>>
    %dma_wait3A_210 = tpu.memref_squeeze %dma_wait3A_209 : memref<1x4x80xi32, #tpu.memory_space<vmem>> -> memref<4x80xi32, #tpu.memory_space<vmem>>
    %dma_wait3A_211 = arith.constant 0 : i32
    %dma_wait3A_212 = arith.constant 0 : i32
    %dma_wait3A_213 = tpu.memref_slice %arg3[%dma_wait3A_196, %add3A, %dma_wait3A_197, %dma_wait3A_211, %dma_wait3A_212] : memref<2x32x32x4x80xi32, #tpu.memory_space<hbm>> -> memref<1x1x1x4x80xi32, #tpu.memory_space<hbm>>
    %dma_wait3A_214 = tpu.memref_squeeze %dma_wait3A_213 : memref<1x1x1x4x80xi32, #tpu.memory_space<hbm>> -> memref<4x80xi32, #tpu.memory_space<hbm>>
    tpu.wait_dma2 semaphore(%arg15 : memref<!tpu.dma_semaphore, #tpu.memory_space<semaphore_mem>>) src(%dma_wait3A_214 : memref<4x80xi32, #tpu.memory_space<hbm>>) dst(%dma_wait3A_210 : memref<4x80xi32, #tpu.memory_space<vmem>>)
    %dma_wait3A_215 = arith.constant 1 : i32
    %dma_wait3A_216 = arith.constant 31 : i32
    %dma_wait3A_217 = arith.constant 1 : i32
    %dma_wait3A_218 = arith.constant 0 : i32
    %dma_wait3A_219 = arith.constant 0 : i32
    %dma_wait3A_220 = tpu.memref_slice %arg6[%dma_wait3A_217, %dma_wait3A_218, %dma_wait3A_219] : memref<2x4x80xi32, #tpu.memory_space<vmem>> -> memref<1x4x80xi32, #tpu.memory_space<vmem>>
    %dma_wait3A_221 = tpu.memref_squeeze %dma_wait3A_220 : memref<1x4x80xi32, #tpu.memory_space<vmem>> -> memref<4x80xi32, #tpu.memory_space<vmem>>
    %dma_wait3A_222 = arith.constant 0 : i32
    %dma_wait3A_223 = arith.constant 0 : i32
    %dma_wait3A_224 = tpu.memref_slice %arg3[%dma_wait3A_215, %add3A, %dma_wait3A_216, %dma_wait3A_222, %dma_wait3A_223] : memref<2x32x32x4x80xi32, #tpu.memory_space<hbm>> -> memref<1x1x1x4x80xi32, #tpu.memory_space<hbm>>
    %dma_wait3A_225 = tpu.memref_squeeze %dma_wait3A_224 : memref<1x1x1x4x80xi32, #tpu.memory_space<hbm>> -> memref<4x80xi32, #tpu.memory_space<hbm>>
    %dma_wait3A_226 = arith.constant 0 : i32
    %dma_wait3A_227 = arith.constant 0 : i32
    %dma_wait3A_228 = tpu.memref_slice %arg6[%dma_wait3A_217, %dma_wait3A_226, %dma_wait3A_227] : memref<2x4x80xi32, #tpu.memory_space<vmem>> -> memref<1x4x80xi32, #tpu.memory_space<vmem>>
    %dma_wait3A_229 = tpu.memref_squeeze %dma_wait3A_228 : memref<1x4x80xi32, #tpu.memory_space<vmem>> -> memref<4x80xi32, #tpu.memory_space<vmem>>
    %dma_wait3A_230 = arith.constant 0 : i32
    %dma_wait3A_231 = arith.constant 0 : i32
    %dma_wait3A_232 = tpu.memref_slice %arg3[%dma_wait3A_215, %add3A, %dma_wait3A_216, %dma_wait3A_230, %dma_wait3A_231] : memref<2x32x32x4x80xi32, #tpu.memory_space<hbm>> -> memref<1x1x1x4x80xi32, #tpu.memory_space<hbm>>
    %dma_wait3A_233 = tpu.memref_squeeze %dma_wait3A_232 : memref<1x1x1x4x80xi32, #tpu.memory_space<hbm>> -> memref<4x80xi32, #tpu.memory_space<hbm>>
    tpu.wait_dma2 semaphore(%arg15 : memref<!tpu.dma_semaphore, #tpu.memory_space<semaphore_mem>>) src(%dma_wait3A_233 : memref<4x80xi32, #tpu.memory_space<hbm>>) dst(%dma_wait3A_229 : memref<4x80xi32, #tpu.memory_space<vmem>>)
    %dma_wait3A_234 = arith.constant 0 : i32
    %dma_wait3A_235 = arith.constant 0 : i32
    %dma_wait3A_236 = arith.constant 0 : i32
    %dma_wait3A_237 = arith.constant 0 : i32
    %dma_wait3A_238 = arith.constant 0 : i32
    %dma_wait3A_239 = tpu.memref_slice %arg7[%dma_wait3A_236, %dma_wait3A_237, %dma_wait3A_238] : memref<4x80x128xf32, #tpu.memory_space<vmem>> -> memref<1x80x128xf32, #tpu.memory_space<vmem>>
    %dma_wait3A_240 = tpu.memref_squeeze %dma_wait3A_239 : memref<1x80x128xf32, #tpu.memory_space<vmem>> -> memref<80x128xf32, #tpu.memory_space<vmem>>
    %dma_wait3A_241 = arith.constant 0 : i32
    %dma_wait3A_242 = tpu.memref_slice %arg5[%dma_wait3A_234, %dma_wait3A_235, %dma_wait3A_241] : memref<2x4x80xi32, #tpu.memory_space<vmem>> -> memref<1x1x80xi32, #tpu.memory_space<vmem>>
    %dma_wait3A_243 = tpu.memref_squeeze %dma_wait3A_242 : memref<1x1x80xi32, #tpu.memory_space<vmem>> -> memref<80xi32, #tpu.memory_space<vmem>>
    %dma_wait3A_244 = arith.constant 0 : i32
    %dma_wait3A_245 = arith.constant 0 : i32
    %dma_wait3A_246 = tpu.memref_slice %arg2[%dma_wait3A_244, %dma_wait3A_245] : memref<10000x128xf32, #tpu.memory_space<hbm>> -> memref<10000x128xf32, #tpu.memory_space<hbm>>
    tpu.wait_indirect_dma semaphore(%arg10 : memref<!tpu.dma_semaphore, #tpu.memory_space<semaphore_mem>>) src(%dma_wait3A_246 : memref<10000x128xf32, #tpu.memory_space<hbm>>) dst(%dma_wait3A_240 : memref<80x128xf32, #tpu.memory_space<vmem>>)
    %dma_start3A_247 = arith.constant 0 : i32
    %dma_start3A_248 = arith.constant 0 : i32
    %dma_start3A_249 = arith.constant 0 : i32
    %dma_start3A_250 = arith.constant 0 : i32
    %dma_start3A_251 = arith.constant 0 : i32
    %dma_start3A_252 = tpu.memref_slice %arg7[%dma_start3A_247, %dma_start3A_250, %dma_start3A_251] : memref<4x80x128xf32, #tpu.memory_space<vmem>> -> memref<1x80x128xf32, #tpu.memory_space<vmem>>
    %dma_start3A_253 = tpu.memref_squeeze %dma_start3A_252 : memref<1x80x128xf32, #tpu.memory_space<vmem>> -> memref<80x128xf32, #tpu.memory_space<vmem>>
    %dma_start3A_254 = arith.constant 0 : i32
    %dma_start3A_255 = tpu.memref_slice %arg6[%dma_start3A_248, %dma_start3A_249, %dma_start3A_254] : memref<2x4x80xi32, #tpu.memory_space<vmem>> -> memref<1x1x80xi32, #tpu.memory_space<vmem>>
    %dma_start3A_256 = tpu.memref_squeeze %dma_start3A_255 : memref<1x1x80xi32, #tpu.memory_space<vmem>> -> memref<80xi32, #tpu.memory_space<vmem>>
    %dma_start3A_257 = arith.constant 0 : i32
    %dma_start3A_258 = arith.constant 0 : i32
    %dma_start3A_259 = tpu.memref_slice %arg9[%dma_start3A_257, %dma_start3A_258] : memref<10040x128xf32, #tpu.memory_space<vmem_shared>> -> memref<10040x128xf32, #tpu.memory_space<vmem_shared>>
    tpu.enqueue_indirect_dma source(%dma_start3A_253 : memref<80x128xf32, #tpu.memory_space<vmem>>) target(%dma_start3A_259 : memref<10040x128xf32, #tpu.memory_space<vmem_shared>>) offsets(%dma_start3A_256 : memref<80xi32, #tpu.memory_space<vmem>>) semaphore(%arg16 : memref<!tpu.dma_semaphore, #tpu.memory_space<semaphore_mem>>) {add = true}
    %dma_wait3A_260 = arith.constant 0 : i32
    %dma_wait3A_261 = arith.constant 1 : i32
    %dma_wait3A_262 = arith.constant 1 : i32
    %dma_wait3A_263 = arith.constant 0 : i32
    %dma_wait3A_264 = arith.constant 0 : i32
    %dma_wait3A_265 = tpu.memref_slice %arg7[%dma_wait3A_262, %dma_wait3A_263, %dma_wait3A_264] : memref<4x80x128xf32, #tpu.memory_space<vmem>> -> memref<1x80x128xf32, #tpu.memory_space<vmem>>
    %dma_wait3A_266 = tpu.memref_squeeze %dma_wait3A_265 : memref<1x80x128xf32, #tpu.memory_space<vmem>> -> memref<80x128xf32, #tpu.memory_space<vmem>>
    %dma_wait3A_267 = arith.constant 0 : i32
    %dma_wait3A_268 = tpu.memref_slice %arg5[%dma_wait3A_260, %dma_wait3A_261, %dma_wait3A_267] : memref<2x4x80xi32, #tpu.memory_space<vmem>> -> memref<1x1x80xi32, #tpu.memory_space<vmem>>
    %dma_wait3A_269 = tpu.memref_squeeze %dma_wait3A_268 : memref<1x1x80xi32, #tpu.memory_space<vmem>> -> memref<80xi32, #tpu.memory_space<vmem>>
    %dma_wait3A_270 = arith.constant 0 : i32
    %dma_wait3A_271 = arith.constant 0 : i32
    %dma_wait3A_272 = tpu.memref_slice %arg2[%dma_wait3A_270, %dma_wait3A_271] : memref<10000x128xf32, #tpu.memory_space<hbm>> -> memref<10000x128xf32, #tpu.memory_space<hbm>>
    tpu.wait_indirect_dma semaphore(%arg11 : memref<!tpu.dma_semaphore, #tpu.memory_space<semaphore_mem>>) src(%dma_wait3A_272 : memref<10000x128xf32, #tpu.memory_space<hbm>>) dst(%dma_wait3A_266 : memref<80x128xf32, #tpu.memory_space<vmem>>)
    %dma_start3A_273 = arith.constant 1 : i32
    %dma_start3A_274 = arith.constant 0 : i32
    %dma_start3A_275 = arith.constant 1 : i32
    %dma_start3A_276 = arith.constant 0 : i32
    %dma_start3A_277 = arith.constant 0 : i32
    %dma_start3A_278 = tpu.memref_slice %arg7[%dma_start3A_273, %dma_start3A_276, %dma_start3A_277] : memref<4x80x128xf32, #tpu.memory_space<vmem>> -> memref<1x80x128xf32, #tpu.memory_space<vmem>>
    %dma_start3A_279 = tpu.memref_squeeze %dma_start3A_278 : memref<1x80x128xf32, #tpu.memory_space<vmem>> -> memref<80x128xf32, #tpu.memory_space<vmem>>
    %dma_start3A_280 = arith.constant 0 : i32
    %dma_start3A_281 = tpu.memref_slice %arg6[%dma_start3A_274, %dma_start3A_275, %dma_start3A_280] : memref<2x4x80xi32, #tpu.memory_space<vmem>> -> memref<1x1x80xi32, #tpu.memory_space<vmem>>
    %dma_start3A_282 = tpu.memref_squeeze %dma_start3A_281 : memref<1x1x80xi32, #tpu.memory_space<vmem>> -> memref<80xi32, #tpu.memory_space<vmem>>
    %dma_start3A_283 = arith.constant 0 : i32
    %dma_start3A_284 = arith.constant 0 : i32
    %dma_start3A_285 = tpu.memref_slice %arg9[%dma_start3A_283, %dma_start3A_284] : memref<10040x128xf32, #tpu.memory_space<vmem_shared>> -> memref<10040x128xf32, #tpu.memory_space<vmem_shared>>
    tpu.enqueue_indirect_dma source(%dma_start3A_279 : memref<80x128xf32, #tpu.memory_space<vmem>>) target(%dma_start3A_285 : memref<10040x128xf32, #tpu.memory_space<vmem_shared>>) offsets(%dma_start3A_282 : memref<80xi32, #tpu.memory_space<vmem>>) semaphore(%arg17 : memref<!tpu.dma_semaphore, #tpu.memory_space<semaphore_mem>>) {add = true}
    %dma_wait3A_286 = arith.constant 0 : i32
    %dma_wait3A_287 = arith.constant 0 : i32
    %dma_wait3A_288 = arith.constant 0 : i32
    %dma_wait3A_289 = arith.constant 0 : i32
    %dma_wait3A_290 = arith.constant 0 : i32
    %dma_wait3A_291 = tpu.memref_slice %arg7[%dma_wait3A_286, %dma_wait3A_289, %dma_wait3A_290] : memref<4x80x128xf32, #tpu.memory_space<vmem>> -> memref<1x80x128xf32, #tpu.memory_space<vmem>>
    %dma_wait3A_292 = tpu.memref_squeeze %dma_wait3A_291 : memref<1x80x128xf32, #tpu.memory_space<vmem>> -> memref<80x128xf32, #tpu.memory_space<vmem>>
    %dma_wait3A_293 = arith.constant 0 : i32
    %dma_wait3A_294 = tpu.memref_slice %arg6[%dma_wait3A_287, %dma_wait3A_288, %dma_wait3A_293] : memref<2x4x80xi32, #tpu.memory_space<vmem>> -> memref<1x1x80xi32, #tpu.memory_space<vmem>>
    %dma_wait3A_295 = tpu.memref_squeeze %dma_wait3A_294 : memref<1x1x80xi32, #tpu.memory_space<vmem>> -> memref<80xi32, #tpu.memory_space<vmem>>
    %dma_wait3A_296 = arith.constant 0 : i32
    %dma_wait3A_297 = arith.constant 0 : i32
    %dma_wait3A_298 = tpu.memref_slice %arg9[%dma_wait3A_296, %dma_wait3A_297] : memref<10040x128xf32, #tpu.memory_space<vmem_shared>> -> memref<10040x128xf32, #tpu.memory_space<vmem_shared>>
    tpu.wait_indirect_dma semaphore(%arg16 : memref<!tpu.dma_semaphore, #tpu.memory_space<semaphore_mem>>) src(%dma_wait3A_292 : memref<80x128xf32, #tpu.memory_space<vmem>>) dst(%dma_wait3A_298 : memref<10040x128xf32, #tpu.memory_space<vmem_shared>>)
    %dma_start3A_299 = arith.constant 1 : i32
    %dma_start3A_300 = arith.constant 0 : i32
    %dma_start3A_301 = arith.constant 0 : i32
    %dma_start3A_302 = arith.constant 0 : i32
    %dma_start3A_303 = arith.constant 0 : i32
    %dma_start3A_304 = tpu.memref_slice %arg7[%dma_start3A_301, %dma_start3A_302, %dma_start3A_303] : memref<4x80x128xf32, #tpu.memory_space<vmem>> -> memref<1x80x128xf32, #tpu.memory_space<vmem>>
    %dma_start3A_305 = tpu.memref_squeeze %dma_start3A_304 : memref<1x80x128xf32, #tpu.memory_space<vmem>> -> memref<80x128xf32, #tpu.memory_space<vmem>>
    %dma_start3A_306 = arith.constant 0 : i32
    %dma_start3A_307 = tpu.memref_slice %arg5[%dma_start3A_299, %dma_start3A_300, %dma_start3A_306] : memref<2x4x80xi32, #tpu.memory_space<vmem>> -> memref<1x1x80xi32, #tpu.memory_space<vmem>>
    %dma_start3A_308 = tpu.memref_squeeze %dma_start3A_307 : memref<1x1x80xi32, #tpu.memory_space<vmem>> -> memref<80xi32, #tpu.memory_space<vmem>>
    %dma_start3A_309 = arith.constant 0 : i32
    %dma_start3A_310 = arith.constant 0 : i32
    %dma_start3A_311 = tpu.memref_slice %arg2[%dma_start3A_309, %dma_start3A_310] : memref<10000x128xf32, #tpu.memory_space<hbm>> -> memref<10000x128xf32, #tpu.memory_space<hbm>>
    tpu.enqueue_indirect_dma source(%dma_start3A_311 : memref<10000x128xf32, #tpu.memory_space<hbm>>) target(%dma_start3A_305 : memref<80x128xf32, #tpu.memory_space<vmem>>) offsets(%dma_start3A_308 : memref<80xi32, #tpu.memory_space<vmem>>) semaphore(%arg10 : memref<!tpu.dma_semaphore, #tpu.memory_space<semaphore_mem>>)
    %dma_wait3A_312 = arith.constant 0 : i32
    %dma_wait3A_313 = arith.constant 2 : i32
    %dma_wait3A_314 = arith.constant 2 : i32
    %dma_wait3A_315 = arith.constant 0 : i32
    %dma_wait3A_316 = arith.constant 0 : i32
    %dma_wait3A_317 = tpu.memref_slice %arg7[%dma_wait3A_314, %dma_wait3A_315, %dma_wait3A_316] : memref<4x80x128xf32, #tpu.memory_space<vmem>> -> memref<1x80x128xf32, #tpu.memory_space<vmem>>
    %dma_wait3A_318 = tpu.memref_squeeze %dma_wait3A_317 : memref<1x80x128xf32, #tpu.memory_space<vmem>> -> memref<80x128xf32, #tpu.memory_space<vmem>>
    %dma_wait3A_319 = arith.constant 0 : i32
    %dma_wait3A_320 = tpu.memref_slice %arg5[%dma_wait3A_312, %dma_wait3A_313, %dma_wait3A_319] : memref<2x4x80xi32, #tpu.memory_space<vmem>> -> memref<1x1x80xi32, #tpu.memory_space<vmem>>
    %dma_wait3A_321 = tpu.memref_squeeze %dma_wait3A_320 : memref<1x1x80xi32, #tpu.memory_space<vmem>> -> memref<80xi32, #tpu.memory_space<vmem>>
    %dma_wait3A_322 = arith.constant 0 : i32
    %dma_wait3A_323 = arith.constant 0 : i32
    %dma_wait3A_324 = tpu.memref_slice %arg2[%dma_wait3A_322, %dma_wait3A_323] : memref<10000x128xf32, #tpu.memory_space<hbm>> -> memref<10000x128xf32, #tpu.memory_space<hbm>>
    tpu.wait_indirect_dma semaphore(%arg12 : memref<!tpu.dma_semaphore, #tpu.memory_space<semaphore_mem>>) src(%dma_wait3A_324 : memref<10000x128xf32, #tpu.memory_space<hbm>>) dst(%dma_wait3A_318 : memref<80x128xf32, #tpu.memory_space<vmem>>)
    %dma_start3A_325 = arith.constant 2 : i32
    %dma_start3A_326 = arith.constant 0 : i32
    %dma_start3A_327 = arith.constant 2 : i32
    %dma_start3A_328 = arith.constant 0 : i32
    %dma_start3A_329 = arith.constant 0 : i32
    %dma_start3A_330 = tpu.memref_slice %arg7[%dma_start3A_325, %dma_start3A_328, %dma_start3A_329] : memref<4x80x128xf32, #tpu.memory_space<vmem>> -> memref<1x80x128xf32, #tpu.memory_space<vmem>>
    %dma_start3A_331 = tpu.memref_squeeze %dma_start3A_330 : memref<1x80x128xf32, #tpu.memory_space<vmem>> -> memref<80x128xf32, #tpu.memory_space<vmem>>
    %dma_start3A_332 = arith.constant 0 : i32
    %dma_start3A_333 = tpu.memref_slice %arg6[%dma_start3A_326, %dma_start3A_327, %dma_start3A_332] : memref<2x4x80xi32, #tpu.memory_space<vmem>> -> memref<1x1x80xi32, #tpu.memory_space<vmem>>
    %dma_start3A_334 = tpu.memref_squeeze %dma_start3A_333 : memref<1x1x80xi32, #tpu.memory_space<vmem>> -> memref<80xi32, #tpu.memory_space<vmem>>
    %dma_start3A_335 = arith.constant 0 : i32
    %dma_start3A_336 = arith.constant 0 : i32
    %dma_start3A_337 = tpu.memref_slice %arg9[%dma_start3A_335, %dma_start3A_336] : memref<10040x128xf32, #tpu.memory_space<vmem_shared>> -> memref<10040x128xf32, #tpu.memory_space<vmem_shared>>
    tpu.enqueue_indirect_dma source(%dma_start3A_331 : memref<80x128xf32, #tpu.memory_space<vmem>>) target(%dma_start3A_337 : memref<10040x128xf32, #tpu.memory_space<vmem_shared>>) offsets(%dma_start3A_334 : memref<80xi32, #tpu.memory_space<vmem>>) semaphore(%arg18 : memref<!tpu.dma_semaphore, #tpu.memory_space<semaphore_mem>>) {add = true}
    %dma_wait3A_338 = arith.constant 1 : i32
    %dma_wait3A_339 = arith.constant 0 : i32
    %dma_wait3A_340 = arith.constant 1 : i32
    %dma_wait3A_341 = arith.constant 0 : i32
    %dma_wait3A_342 = arith.constant 0 : i32
    %dma_wait3A_343 = tpu.memref_slice %arg7[%dma_wait3A_338, %dma_wait3A_341, %dma_wait3A_342] : memref<4x80x128xf32, #tpu.memory_space<vmem>> -> memref<1x80x128xf32, #tpu.memory_space<vmem>>
    %dma_wait3A_344 = tpu.memref_squeeze %dma_wait3A_343 : memref<1x80x128xf32, #tpu.memory_space<vmem>> -> memref<80x128xf32, #tpu.memory_space<vmem>>
    %dma_wait3A_345 = arith.constant 0 : i32
    %dma_wait3A_346 = tpu.memref_slice %arg6[%dma_wait3A_339, %dma_wait3A_340, %dma_wait3A_345] : memref<2x4x80xi32, #tpu.memory_space<vmem>> -> memref<1x1x80xi32, #tpu.memory_space<vmem>>
    %dma_wait3A_347 = tpu.memref_squeeze %dma_wait3A_346 : memref<1x1x80xi32, #tpu.memory_space<vmem>> -> memref<80xi32, #tpu.memory_space<vmem>>
    %dma_wait3A_348 = arith.constant 0 : i32
    %dma_wait3A_349 = arith.constant 0 : i32
    %dma_wait3A_350 = tpu.memref_slice %arg9[%dma_wait3A_348, %dma_wait3A_349] : memref<10040x128xf32, #tpu.memory_space<vmem_shared>> -> memref<10040x128xf32, #tpu.memory_space<vmem_shared>>
    tpu.wait_indirect_dma semaphore(%arg17 : memref<!tpu.dma_semaphore, #tpu.memory_space<semaphore_mem>>) src(%dma_wait3A_344 : memref<80x128xf32, #tpu.memory_space<vmem>>) dst(%dma_wait3A_350 : memref<10040x128xf32, #tpu.memory_space<vmem_shared>>)
    %dma_start3A_351 = arith.constant 1 : i32
    %dma_start3A_352 = arith.constant 1 : i32
    %dma_start3A_353 = arith.constant 1 : i32
    %dma_start3A_354 = arith.constant 0 : i32
    %dma_start3A_355 = arith.constant 0 : i32
    %dma_start3A_356 = tpu.memref_slice %arg7[%dma_start3A_353, %dma_start3A_354, %dma_start3A_355] : memref<4x80x128xf32, #tpu.memory_space<vmem>> -> memref<1x80x128xf32, #tpu.memory_space<vmem>>
    %dma_start3A_357 = tpu.memref_squeeze %dma_start3A_356 : memref<1x80x128xf32, #tpu.memory_space<vmem>> -> memref<80x128xf32, #tpu.memory_space<vmem>>
    %dma_start3A_358 = arith.constant 0 : i32
    %dma_start3A_359 = tpu.memref_slice %arg5[%dma_start3A_351, %dma_start3A_352, %dma_start3A_358] : memref<2x4x80xi32, #tpu.memory_space<vmem>> -> memref<1x1x80xi32, #tpu.memory_space<vmem>>
    %dma_start3A_360 = tpu.memref_squeeze %dma_start3A_359 : memref<1x1x80xi32, #tpu.memory_space<vmem>> -> memref<80xi32, #tpu.memory_space<vmem>>
    %dma_start3A_361 = arith.constant 0 : i32
    %dma_start3A_362 = arith.constant 0 : i32
    %dma_start3A_363 = tpu.memref_slice %arg2[%dma_start3A_361, %dma_start3A_362] : memref<10000x128xf32, #tpu.memory_space<hbm>> -> memref<10000x128xf32, #tpu.memory_space<hbm>>
    tpu.enqueue_indirect_dma source(%dma_start3A_363 : memref<10000x128xf32, #tpu.memory_space<hbm>>) target(%dma_start3A_357 : memref<80x128xf32, #tpu.memory_space<vmem>>) offsets(%dma_start3A_360 : memref<80xi32, #tpu.memory_space<vmem>>) semaphore(%arg11 : memref<!tpu.dma_semaphore, #tpu.memory_space<semaphore_mem>>)
    %dma_wait3A_364 = arith.constant 0 : i32
    %dma_wait3A_365 = arith.constant 3 : i32
    %dma_wait3A_366 = arith.constant 3 : i32
    %dma_wait3A_367 = arith.constant 0 : i32
    %dma_wait3A_368 = arith.constant 0 : i32
    %dma_wait3A_369 = tpu.memref_slice %arg7[%dma_wait3A_366, %dma_wait3A_367, %dma_wait3A_368] : memref<4x80x128xf32, #tpu.memory_space<vmem>> -> memref<1x80x128xf32, #tpu.memory_space<vmem>>
    %dma_wait3A_370 = tpu.memref_squeeze %dma_wait3A_369 : memref<1x80x128xf32, #tpu.memory_space<vmem>> -> memref<80x128xf32, #tpu.memory_space<vmem>>
    %dma_wait3A_371 = arith.constant 0 : i32
    %dma_wait3A_372 = tpu.memref_slice %arg5[%dma_wait3A_364, %dma_wait3A_365, %dma_wait3A_371] : memref<2x4x80xi32, #tpu.memory_space<vmem>> -> memref<1x1x80xi32, #tpu.memory_space<vmem>>
    %dma_wait3A_373 = tpu.memref_squeeze %dma_wait3A_372 : memref<1x1x80xi32, #tpu.memory_space<vmem>> -> memref<80xi32, #tpu.memory_space<vmem>>
    %dma_wait3A_374 = arith.constant 0 : i32
    %dma_wait3A_375 = arith.constant 0 : i32
    %dma_wait3A_376 = tpu.memref_slice %arg2[%dma_wait3A_374, %dma_wait3A_375] : memref<10000x128xf32, #tpu.memory_space<hbm>> -> memref<10000x128xf32, #tpu.memory_space<hbm>>
    tpu.wait_indirect_dma semaphore(%arg13 : memref<!tpu.dma_semaphore, #tpu.memory_space<semaphore_mem>>) src(%dma_wait3A_376 : memref<10000x128xf32, #tpu.memory_space<hbm>>) dst(%dma_wait3A_370 : memref<80x128xf32, #tpu.memory_space<vmem>>)
    %dma_start3A_377 = arith.constant 3 : i32
    %dma_start3A_378 = arith.constant 0 : i32
    %dma_start3A_379 = arith.constant 3 : i32
    %dma_start3A_380 = arith.constant 0 : i32
    %dma_start3A_381 = arith.constant 0 : i32
    %dma_start3A_382 = tpu.memref_slice %arg7[%dma_start3A_377, %dma_start3A_380, %dma_start3A_381] : memref<4x80x128xf32, #tpu.memory_space<vmem>> -> memref<1x80x128xf32, #tpu.memory_space<vmem>>
    %dma_start3A_383 = tpu.memref_squeeze %dma_start3A_382 : memref<1x80x128xf32, #tpu.memory_space<vmem>> -> memref<80x128xf32, #tpu.memory_space<vmem>>
    %dma_start3A_384 = arith.constant 0 : i32
    %dma_start3A_385 = tpu.memref_slice %arg6[%dma_start3A_378, %dma_start3A_379, %dma_start3A_384] : memref<2x4x80xi32, #tpu.memory_space<vmem>> -> memref<1x1x80xi32, #tpu.memory_space<vmem>>
    %dma_start3A_386 = tpu.memref_squeeze %dma_start3A_385 : memref<1x1x80xi32, #tpu.memory_space<vmem>> -> memref<80xi32, #tpu.memory_space<vmem>>
    %dma_start3A_387 = arith.constant 0 : i32
    %dma_start3A_388 = arith.constant 0 : i32
    %dma_start3A_389 = tpu.memref_slice %arg9[%dma_start3A_387, %dma_start3A_388] : memref<10040x128xf32, #tpu.memory_space<vmem_shared>> -> memref<10040x128xf32, #tpu.memory_space<vmem_shared>>
    tpu.enqueue_indirect_dma source(%dma_start3A_383 : memref<80x128xf32, #tpu.memory_space<vmem>>) target(%dma_start3A_389 : memref<10040x128xf32, #tpu.memory_space<vmem_shared>>) offsets(%dma_start3A_386 : memref<80xi32, #tpu.memory_space<vmem>>) semaphore(%arg19 : memref<!tpu.dma_semaphore, #tpu.memory_space<semaphore_mem>>) {add = true}
    %dma_wait3A_390 = arith.constant 2 : i32
    %dma_wait3A_391 = arith.constant 0 : i32
    %dma_wait3A_392 = arith.constant 2 : i32
    %dma_wait3A_393 = arith.constant 0 : i32
    %dma_wait3A_394 = arith.constant 0 : i32
    %dma_wait3A_395 = tpu.memref_slice %arg7[%dma_wait3A_390, %dma_wait3A_393, %dma_wait3A_394] : memref<4x80x128xf32, #tpu.memory_space<vmem>> -> memref<1x80x128xf32, #tpu.memory_space<vmem>>
    %dma_wait3A_396 = tpu.memref_squeeze %dma_wait3A_395 : memref<1x80x128xf32, #tpu.memory_space<vmem>> -> memref<80x128xf32, #tpu.memory_space<vmem>>
    %dma_wait3A_397 = arith.constant 0 : i32
    %dma_wait3A_398 = tpu.memref_slice %arg6[%dma_wait3A_391, %dma_wait3A_392, %dma_wait3A_397] : memref<2x4x80xi32, #tpu.memory_space<vmem>> -> memref<1x1x80xi32, #tpu.memory_space<vmem>>
    %dma_wait3A_399 = tpu.memref_squeeze %dma_wait3A_398 : memref<1x1x80xi32, #tpu.memory_space<vmem>> -> memref<80xi32, #tpu.memory_space<vmem>>
    %dma_wait3A_400 = arith.constant 0 : i32
    %dma_wait3A_401 = arith.constant 0 : i32
    %dma_wait3A_402 = tpu.memref_slice %arg9[%dma_wait3A_400, %dma_wait3A_401] : memref<10040x128xf32, #tpu.memory_space<vmem_shared>> -> memref<10040x128xf32, #tpu.memory_space<vmem_shared>>
    tpu.wait_indirect_dma semaphore(%arg18 : memref<!tpu.dma_semaphore, #tpu.memory_space<semaphore_mem>>) src(%dma_wait3A_396 : memref<80x128xf32, #tpu.memory_space<vmem>>) dst(%dma_wait3A_402 : memref<10040x128xf32, #tpu.memory_space<vmem_shared>>)
    %dma_start3A_403 = arith.constant 1 : i32
    %dma_start3A_404 = arith.constant 2 : i32
    %dma_start3A_405 = arith.constant 2 : i32
    %dma_start3A_406 = arith.constant 0 : i32
    %dma_start3A_407 = arith.constant 0 : i32
    %dma_start3A_408 = tpu.memref_slice %arg7[%dma_start3A_405, %dma_start3A_406, %dma_start3A_407] : memref<4x80x128xf32, #tpu.memory_space<vmem>> -> memref<1x80x128xf32, #tpu.memory_space<vmem>>
    %dma_start3A_409 = tpu.memref_squeeze %dma_start3A_408 : memref<1x80x128xf32, #tpu.memory_space<vmem>> -> memref<80x128xf32, #tpu.memory_space<vmem>>
    %dma_start3A_410 = arith.constant 0 : i32
    %dma_start3A_411 = tpu.memref_slice %arg5[%dma_start3A_403, %dma_start3A_404, %dma_start3A_410] : memref<2x4x80xi32, #tpu.memory_space<vmem>> -> memref<1x1x80xi32, #tpu.memory_space<vmem>>
    %dma_start3A_412 = tpu.memref_squeeze %dma_start3A_411 : memref<1x1x80xi32, #tpu.memory_space<vmem>> -> memref<80xi32, #tpu.memory_space<vmem>>
    %dma_start3A_413 = arith.constant 0 : i32
    %dma_start3A_414 = arith.constant 0 : i32
    %dma_start3A_415 = tpu.memref_slice %arg2[%dma_start3A_413, %dma_start3A_414] : memref<10000x128xf32, #tpu.memory_space<hbm>> -> memref<10000x128xf32, #tpu.memory_space<hbm>>
    tpu.enqueue_indirect_dma source(%dma_start3A_415 : memref<10000x128xf32, #tpu.memory_space<hbm>>) target(%dma_start3A_409 : memref<80x128xf32, #tpu.memory_space<vmem>>) offsets(%dma_start3A_412 : memref<80xi32, #tpu.memory_space<vmem>>) semaphore(%arg12 : memref<!tpu.dma_semaphore, #tpu.memory_space<semaphore_mem>>)
    %dma_wait3A_416 = arith.constant 3 : i32
    %dma_wait3A_417 = arith.constant 0 : i32
    %dma_wait3A_418 = arith.constant 3 : i32
    %dma_wait3A_419 = arith.constant 0 : i32
    %dma_wait3A_420 = arith.constant 0 : i32
    %dma_wait3A_421 = tpu.memref_slice %arg7[%dma_wait3A_416, %dma_wait3A_419, %dma_wait3A_420] : memref<4x80x128xf32, #tpu.memory_space<vmem>> -> memref<1x80x128xf32, #tpu.memory_space<vmem>>
    %dma_wait3A_422 = tpu.memref_squeeze %dma_wait3A_421 : memref<1x80x128xf32, #tpu.memory_space<vmem>> -> memref<80x128xf32, #tpu.memory_space<vmem>>
    %dma_wait3A_423 = arith.constant 0 : i32
    %dma_wait3A_424 = tpu.memref_slice %arg6[%dma_wait3A_417, %dma_wait3A_418, %dma_wait3A_423] : memref<2x4x80xi32, #tpu.memory_space<vmem>> -> memref<1x1x80xi32, #tpu.memory_space<vmem>>
    %dma_wait3A_425 = tpu.memref_squeeze %dma_wait3A_424 : memref<1x1x80xi32, #tpu.memory_space<vmem>> -> memref<80xi32, #tpu.memory_space<vmem>>
    %dma_wait3A_426 = arith.constant 0 : i32
    %dma_wait3A_427 = arith.constant 0 : i32
    %dma_wait3A_428 = tpu.memref_slice %arg9[%dma_wait3A_426, %dma_wait3A_427] : memref<10040x128xf32, #tpu.memory_space<vmem_shared>> -> memref<10040x128xf32, #tpu.memory_space<vmem_shared>>
    tpu.wait_indirect_dma semaphore(%arg19 : memref<!tpu.dma_semaphore, #tpu.memory_space<semaphore_mem>>) src(%dma_wait3A_422 : memref<80x128xf32, #tpu.memory_space<vmem>>) dst(%dma_wait3A_428 : memref<10040x128xf32, #tpu.memory_space<vmem_shared>>)
    %dma_start3A_429 = arith.constant 1 : i32
    %dma_start3A_430 = arith.constant 3 : i32
    %dma_start3A_431 = arith.constant 3 : i32
    %dma_start3A_432 = arith.constant 0 : i32
    %dma_start3A_433 = arith.constant 0 : i32
    %dma_start3A_434 = tpu.memref_slice %arg7[%dma_start3A_431, %dma_start3A_432, %dma_start3A_433] : memref<4x80x128xf32, #tpu.memory_space<vmem>> -> memref<1x80x128xf32, #tpu.memory_space<vmem>>
    %dma_start3A_435 = tpu.memref_squeeze %dma_start3A_434 : memref<1x80x128xf32, #tpu.memory_space<vmem>> -> memref<80x128xf32, #tpu.memory_space<vmem>>
    %dma_start3A_436 = arith.constant 0 : i32
    %dma_start3A_437 = tpu.memref_slice %arg5[%dma_start3A_429, %dma_start3A_430, %dma_start3A_436] : memref<2x4x80xi32, #tpu.memory_space<vmem>> -> memref<1x1x80xi32, #tpu.memory_space<vmem>>
    %dma_start3A_438 = tpu.memref_squeeze %dma_start3A_437 : memref<1x1x80xi32, #tpu.memory_space<vmem>> -> memref<80xi32, #tpu.memory_space<vmem>>
    %dma_start3A_439 = arith.constant 0 : i32
    %dma_start3A_440 = arith.constant 0 : i32
    %dma_start3A_441 = tpu.memref_slice %arg2[%dma_start3A_439, %dma_start3A_440] : memref<10000x128xf32, #tpu.memory_space<hbm>> -> memref<10000x128xf32, #tpu.memory_space<hbm>>
    tpu.enqueue_indirect_dma source(%dma_start3A_441 : memref<10000x128xf32, #tpu.memory_space<hbm>>) target(%dma_start3A_435 : memref<80x128xf32, #tpu.memory_space<vmem>>) offsets(%dma_start3A_438 : memref<80xi32, #tpu.memory_space<vmem>>) semaphore(%arg13 : memref<!tpu.dma_semaphore, #tpu.memory_space<semaphore_mem>>)
    %dma_wait3A_442 = arith.constant 1 : i32
    %dma_wait3A_443 = arith.constant 0 : i32
    %dma_wait3A_444 = arith.constant 0 : i32
    %dma_wait3A_445 = arith.constant 0 : i32
    %dma_wait3A_446 = arith.constant 0 : i32
    %dma_wait3A_447 = tpu.memref_slice %arg7[%dma_wait3A_444, %dma_wait3A_445, %dma_wait3A_446] : memref<4x80x128xf32, #tpu.memory_space<vmem>> -> memref<1x80x128xf32, #tpu.memory_space<vmem>>
    %dma_wait3A_448 = tpu.memref_squeeze %dma_wait3A_447 : memref<1x80x128xf32, #tpu.memory_space<vmem>> -> memref<80x128xf32, #tpu.memory_space<vmem>>
    %dma_wait3A_449 = arith.constant 0 : i32
    %dma_wait3A_450 = tpu.memref_slice %arg5[%dma_wait3A_442, %dma_wait3A_443, %dma_wait3A_449] : memref<2x4x80xi32, #tpu.memory_space<vmem>> -> memref<1x1x80xi32, #tpu.memory_space<vmem>>
    %dma_wait3A_451 = tpu.memref_squeeze %dma_wait3A_450 : memref<1x1x80xi32, #tpu.memory_space<vmem>> -> memref<80xi32, #tpu.memory_space<vmem>>
    %dma_wait3A_452 = arith.constant 0 : i32
    %dma_wait3A_453 = arith.constant 0 : i32
    %dma_wait3A_454 = tpu.memref_slice %arg2[%dma_wait3A_452, %dma_wait3A_453] : memref<10000x128xf32, #tpu.memory_space<hbm>> -> memref<10000x128xf32, #tpu.memory_space<hbm>>
    tpu.wait_indirect_dma semaphore(%arg10 : memref<!tpu.dma_semaphore, #tpu.memory_space<semaphore_mem>>) src(%dma_wait3A_454 : memref<10000x128xf32, #tpu.memory_space<hbm>>) dst(%dma_wait3A_448 : memref<80x128xf32, #tpu.memory_space<vmem>>)
    %dma_start3A_455 = arith.constant 0 : i32
    %dma_start3A_456 = arith.constant 1 : i32
    %dma_start3A_457 = arith.constant 0 : i32
    %dma_start3A_458 = arith.constant 0 : i32
    %dma_start3A_459 = arith.constant 0 : i32
    %dma_start3A_460 = tpu.memref_slice %arg7[%dma_start3A_455, %dma_start3A_458, %dma_start3A_459] : memref<4x80x128xf32, #tpu.memory_space<vmem>> -> memref<1x80x128xf32, #tpu.memory_space<vmem>>
    %dma_start3A_461 = tpu.memref_squeeze %dma_start3A_460 : memref<1x80x128xf32, #tpu.memory_space<vmem>> -> memref<80x128xf32, #tpu.memory_space<vmem>>
    %dma_start3A_462 = arith.constant 0 : i32
    %dma_start3A_463 = tpu.memref_slice %arg6[%dma_start3A_456, %dma_start3A_457, %dma_start3A_462] : memref<2x4x80xi32, #tpu.memory_space<vmem>> -> memref<1x1x80xi32, #tpu.memory_space<vmem>>
    %dma_start3A_464 = tpu.memref_squeeze %dma_start3A_463 : memref<1x1x80xi32, #tpu.memory_space<vmem>> -> memref<80xi32, #tpu.memory_space<vmem>>
    %dma_start3A_465 = arith.constant 0 : i32
    %dma_start3A_466 = arith.constant 0 : i32
    %dma_start3A_467 = tpu.memref_slice %arg9[%dma_start3A_465, %dma_start3A_466] : memref<10040x128xf32, #tpu.memory_space<vmem_shared>> -> memref<10040x128xf32, #tpu.memory_space<vmem_shared>>
    tpu.enqueue_indirect_dma source(%dma_start3A_461 : memref<80x128xf32, #tpu.memory_space<vmem>>) target(%dma_start3A_467 : memref<10040x128xf32, #tpu.memory_space<vmem_shared>>) offsets(%dma_start3A_464 : memref<80xi32, #tpu.memory_space<vmem>>) semaphore(%arg16 : memref<!tpu.dma_semaphore, #tpu.memory_space<semaphore_mem>>) {add = true}
    %dma_wait3A_468 = arith.constant 1 : i32
    %dma_wait3A_469 = arith.constant 1 : i32
    %dma_wait3A_470 = arith.constant 1 : i32
    %dma_wait3A_471 = arith.constant 0 : i32
    %dma_wait3A_472 = arith.constant 0 : i32
    %dma_wait3A_473 = tpu.memref_slice %arg7[%dma_wait3A_470, %dma_wait3A_471, %dma_wait3A_472] : memref<4x80x128xf32, #tpu.memory_space<vmem>> -> memref<1x80x128xf32, #tpu.memory_space<vmem>>
    %dma_wait3A_474 = tpu.memref_squeeze %dma_wait3A_473 : memref<1x80x128xf32, #tpu.memory_space<vmem>> -> memref<80x128xf32, #tpu.memory_space<vmem>>
    %dma_wait3A_475 = arith.constant 0 : i32
    %dma_wait3A_476 = tpu.memref_slice %arg5[%dma_wait3A_468, %dma_wait3A_469, %dma_wait3A_475] : memref<2x4x80xi32, #tpu.memory_space<vmem>> -> memref<1x1x80xi32, #tpu.memory_space<vmem>>
    %dma_wait3A_477 = tpu.memref_squeeze %dma_wait3A_476 : memref<1x1x80xi32, #tpu.memory_space<vmem>> -> memref<80xi32, #tpu.memory_space<vmem>>
    %dma_wait3A_478 = arith.constant 0 : i32
    %dma_wait3A_479 = arith.constant 0 : i32
    %dma_wait3A_480 = tpu.memref_slice %arg2[%dma_wait3A_478, %dma_wait3A_479] : memref<10000x128xf32, #tpu.memory_space<hbm>> -> memref<10000x128xf32, #tpu.memory_space<hbm>>
    tpu.wait_indirect_dma semaphore(%arg11 : memref<!tpu.dma_semaphore, #tpu.memory_space<semaphore_mem>>) src(%dma_wait3A_480 : memref<10000x128xf32, #tpu.memory_space<hbm>>) dst(%dma_wait3A_474 : memref<80x128xf32, #tpu.memory_space<vmem>>)
    %dma_start3A_481 = arith.constant 1 : i32
    %dma_start3A_482 = arith.constant 1 : i32
    %dma_start3A_483 = arith.constant 1 : i32
    %dma_start3A_484 = arith.constant 0 : i32
    %dma_start3A_485 = arith.constant 0 : i32
    %dma_start3A_486 = tpu.memref_slice %arg7[%dma_start3A_481, %dma_start3A_484, %dma_start3A_485] : memref<4x80x128xf32, #tpu.memory_space<vmem>> -> memref<1x80x128xf32, #tpu.memory_space<vmem>>
    %dma_start3A_487 = tpu.memref_squeeze %dma_start3A_486 : memref<1x80x128xf32, #tpu.memory_space<vmem>> -> memref<80x128xf32, #tpu.memory_space<vmem>>
    %dma_start3A_488 = arith.constant 0 : i32
    %dma_start3A_489 = tpu.memref_slice %arg6[%dma_start3A_482, %dma_start3A_483, %dma_start3A_488] : memref<2x4x80xi32, #tpu.memory_space<vmem>> -> memref<1x1x80xi32, #tpu.memory_space<vmem>>
    %dma_start3A_490 = tpu.memref_squeeze %dma_start3A_489 : memref<1x1x80xi32, #tpu.memory_space<vmem>> -> memref<80xi32, #tpu.memory_space<vmem>>
    %dma_start3A_491 = arith.constant 0 : i32
    %dma_start3A_492 = arith.constant 0 : i32
    %dma_start3A_493 = tpu.memref_slice %arg9[%dma_start3A_491, %dma_start3A_492] : memref<10040x128xf32, #tpu.memory_space<vmem_shared>> -> memref<10040x128xf32, #tpu.memory_space<vmem_shared>>
    tpu.enqueue_indirect_dma source(%dma_start3A_487 : memref<80x128xf32, #tpu.memory_space<vmem>>) target(%dma_start3A_493 : memref<10040x128xf32, #tpu.memory_space<vmem_shared>>) offsets(%dma_start3A_490 : memref<80xi32, #tpu.memory_space<vmem>>) semaphore(%arg17 : memref<!tpu.dma_semaphore, #tpu.memory_space<semaphore_mem>>) {add = true}
    %dma_wait3A_494 = arith.constant 1 : i32
    %dma_wait3A_495 = arith.constant 2 : i32
    %dma_wait3A_496 = arith.constant 2 : i32
    %dma_wait3A_497 = arith.constant 0 : i32
    %dma_wait3A_498 = arith.constant 0 : i32
    %dma_wait3A_499 = tpu.memref_slice %arg7[%dma_wait3A_496, %dma_wait3A_497, %dma_wait3A_498] : memref<4x80x128xf32, #tpu.memory_space<vmem>> -> memref<1x80x128xf32, #tpu.memory_space<vmem>>
    %dma_wait3A_500 = tpu.memref_squeeze %dma_wait3A_499 : memref<1x80x128xf32, #tpu.memory_space<vmem>> -> memref<80x128xf32, #tpu.memory_space<vmem>>
    %dma_wait3A_501 = arith.constant 0 : i32
    %dma_wait3A_502 = tpu.memref_slice %arg5[%dma_wait3A_494, %dma_wait3A_495, %dma_wait3A_501] : memref<2x4x80xi32, #tpu.memory_space<vmem>> -> memref<1x1x80xi32, #tpu.memory_space<vmem>>
    %dma_wait3A_503 = tpu.memref_squeeze %dma_wait3A_502 : memref<1x1x80xi32, #tpu.memory_space<vmem>> -> memref<80xi32, #tpu.memory_space<vmem>>
    %dma_wait3A_504 = arith.constant 0 : i32
    %dma_wait3A_505 = arith.constant 0 : i32
    %dma_wait3A_506 = tpu.memref_slice %arg2[%dma_wait3A_504, %dma_wait3A_505] : memref<10000x128xf32, #tpu.memory_space<hbm>> -> memref<10000x128xf32, #tpu.memory_space<hbm>>
    tpu.wait_indirect_dma semaphore(%arg12 : memref<!tpu.dma_semaphore, #tpu.memory_space<semaphore_mem>>) src(%dma_wait3A_506 : memref<10000x128xf32, #tpu.memory_space<hbm>>) dst(%dma_wait3A_500 : memref<80x128xf32, #tpu.memory_space<vmem>>)
    %dma_start3A_507 = arith.constant 2 : i32
    %dma_start3A_508 = arith.constant 1 : i32
    %dma_start3A_509 = arith.constant 2 : i32
    %dma_start3A_510 = arith.constant 0 : i32
    %dma_start3A_511 = arith.constant 0 : i32
    %dma_start3A_512 = tpu.memref_slice %arg7[%dma_start3A_507, %dma_start3A_510, %dma_start3A_511] : memref<4x80x128xf32, #tpu.memory_space<vmem>> -> memref<1x80x128xf32, #tpu.memory_space<vmem>>
    %dma_start3A_513 = tpu.memref_squeeze %dma_start3A_512 : memref<1x80x128xf32, #tpu.memory_space<vmem>> -> memref<80x128xf32, #tpu.memory_space<vmem>>
    %dma_start3A_514 = arith.constant 0 : i32
    %dma_start3A_515 = tpu.memref_slice %arg6[%dma_start3A_508, %dma_start3A_509, %dma_start3A_514] : memref<2x4x80xi32, #tpu.memory_space<vmem>> -> memref<1x1x80xi32, #tpu.memory_space<vmem>>
    %dma_start3A_516 = tpu.memref_squeeze %dma_start3A_515 : memref<1x1x80xi32, #tpu.memory_space<vmem>> -> memref<80xi32, #tpu.memory_space<vmem>>
    %dma_start3A_517 = arith.constant 0 : i32
    %dma_start3A_518 = arith.constant 0 : i32
    %dma_start3A_519 = tpu.memref_slice %arg9[%dma_start3A_517, %dma_start3A_518] : memref<10040x128xf32, #tpu.memory_space<vmem_shared>> -> memref<10040x128xf32, #tpu.memory_space<vmem_shared>>
    tpu.enqueue_indirect_dma source(%dma_start3A_513 : memref<80x128xf32, #tpu.memory_space<vmem>>) target(%dma_start3A_519 : memref<10040x128xf32, #tpu.memory_space<vmem_shared>>) offsets(%dma_start3A_516 : memref<80xi32, #tpu.memory_space<vmem>>) semaphore(%arg18 : memref<!tpu.dma_semaphore, #tpu.memory_space<semaphore_mem>>) {add = true}
    %dma_wait3A_520 = arith.constant 1 : i32
    %dma_wait3A_521 = arith.constant 3 : i32
    %dma_wait3A_522 = arith.constant 3 : i32
    %dma_wait3A_523 = arith.constant 0 : i32
    %dma_wait3A_524 = arith.constant 0 : i32
    %dma_wait3A_525 = tpu.memref_slice %arg7[%dma_wait3A_522, %dma_wait3A_523, %dma_wait3A_524] : memref<4x80x128xf32, #tpu.memory_space<vmem>> -> memref<1x80x128xf32, #tpu.memory_space<vmem>>
    %dma_wait3A_526 = tpu.memref_squeeze %dma_wait3A_525 : memref<1x80x128xf32, #tpu.memory_space<vmem>> -> memref<80x128xf32, #tpu.memory_space<vmem>>
    %dma_wait3A_527 = arith.constant 0 : i32
    %dma_wait3A_528 = tpu.memref_slice %arg5[%dma_wait3A_520, %dma_wait3A_521, %dma_wait3A_527] : memref<2x4x80xi32, #tpu.memory_space<vmem>> -> memref<1x1x80xi32, #tpu.memory_space<vmem>>
    %dma_wait3A_529 = tpu.memref_squeeze %dma_wait3A_528 : memref<1x1x80xi32, #tpu.memory_space<vmem>> -> memref<80xi32, #tpu.memory_space<vmem>>
    %dma_wait3A_530 = arith.constant 0 : i32
    %dma_wait3A_531 = arith.constant 0 : i32
    %dma_wait3A_532 = tpu.memref_slice %arg2[%dma_wait3A_530, %dma_wait3A_531] : memref<10000x128xf32, #tpu.memory_space<hbm>> -> memref<10000x128xf32, #tpu.memory_space<hbm>>
    tpu.wait_indirect_dma semaphore(%arg13 : memref<!tpu.dma_semaphore, #tpu.memory_space<semaphore_mem>>) src(%dma_wait3A_532 : memref<10000x128xf32, #tpu.memory_space<hbm>>) dst(%dma_wait3A_526 : memref<80x128xf32, #tpu.memory_space<vmem>>)
    %dma_start3A_533 = arith.constant 3 : i32
    %dma_start3A_534 = arith.constant 1 : i32
    %dma_start3A_535 = arith.constant 3 : i32
    %dma_start3A_536 = arith.constant 0 : i32
    %dma_start3A_537 = arith.constant 0 : i32
    %dma_start3A_538 = tpu.memref_slice %arg7[%dma_start3A_533, %dma_start3A_536, %dma_start3A_537] : memref<4x80x128xf32, #tpu.memory_space<vmem>> -> memref<1x80x128xf32, #tpu.memory_space<vmem>>
    %dma_start3A_539 = tpu.memref_squeeze %dma_start3A_538 : memref<1x80x128xf32, #tpu.memory_space<vmem>> -> memref<80x128xf32, #tpu.memory_space<vmem>>
    %dma_start3A_540 = arith.constant 0 : i32
    %dma_start3A_541 = tpu.memref_slice %arg6[%dma_start3A_534, %dma_start3A_535, %dma_start3A_540] : memref<2x4x80xi32, #tpu.memory_space<vmem>> -> memref<1x1x80xi32, #tpu.memory_space<vmem>>
    %dma_start3A_542 = tpu.memref_squeeze %dma_start3A_541 : memref<1x1x80xi32, #tpu.memory_space<vmem>> -> memref<80xi32, #tpu.memory_space<vmem>>
    %dma_start3A_543 = arith.constant 0 : i32
    %dma_start3A_544 = arith.constant 0 : i32
    %dma_start3A_545 = tpu.memref_slice %arg9[%dma_start3A_543, %dma_start3A_544] : memref<10040x128xf32, #tpu.memory_space<vmem_shared>> -> memref<10040x128xf32, #tpu.memory_space<vmem_shared>>
    tpu.enqueue_indirect_dma source(%dma_start3A_539 : memref<80x128xf32, #tpu.memory_space<vmem>>) target(%dma_start3A_545 : memref<10040x128xf32, #tpu.memory_space<vmem_shared>>) offsets(%dma_start3A_542 : memref<80xi32, #tpu.memory_space<vmem>>) semaphore(%arg19 : memref<!tpu.dma_semaphore, #tpu.memory_space<semaphore_mem>>) {add = true}
    %dma_wait3A_546 = arith.constant 0 : i32
    %dma_wait3A_547 = arith.constant 1 : i32
    %dma_wait3A_548 = arith.constant 0 : i32
    %dma_wait3A_549 = arith.constant 0 : i32
    %dma_wait3A_550 = arith.constant 0 : i32
    %dma_wait3A_551 = tpu.memref_slice %arg7[%dma_wait3A_546, %dma_wait3A_549, %dma_wait3A_550] : memref<4x80x128xf32, #tpu.memory_space<vmem>> -> memref<1x80x128xf32, #tpu.memory_space<vmem>>
    %dma_wait3A_552 = tpu.memref_squeeze %dma_wait3A_551 : memref<1x80x128xf32, #tpu.memory_space<vmem>> -> memref<80x128xf32, #tpu.memory_space<vmem>>
    %dma_wait3A_553 = arith.constant 0 : i32
    %dma_wait3A_554 = tpu.memref_slice %arg6[%dma_wait3A_547, %dma_wait3A_548, %dma_wait3A_553] : memref<2x4x80xi32, #tpu.memory_space<vmem>> -> memref<1x1x80xi32, #tpu.memory_space<vmem>>
    %dma_wait3A_555 = tpu.memref_squeeze %dma_wait3A_554 : memref<1x1x80xi32, #tpu.memory_space<vmem>> -> memref<80xi32, #tpu.memory_space<vmem>>
    %dma_wait3A_556 = arith.constant 0 : i32
    %dma_wait3A_557 = arith.constant 0 : i32
    %dma_wait3A_558 = tpu.memref_slice %arg9[%dma_wait3A_556, %dma_wait3A_557] : memref<10040x128xf32, #tpu.memory_space<vmem_shared>> -> memref<10040x128xf32, #tpu.memory_space<vmem_shared>>
    tpu.wait_indirect_dma semaphore(%arg16 : memref<!tpu.dma_semaphore, #tpu.memory_space<semaphore_mem>>) src(%dma_wait3A_552 : memref<80x128xf32, #tpu.memory_space<vmem>>) dst(%dma_wait3A_558 : memref<10040x128xf32, #tpu.memory_space<vmem_shared>>)
    %dma_wait3A_559 = arith.constant 1 : i32
    %dma_wait3A_560 = arith.constant 1 : i32
    %dma_wait3A_561 = arith.constant 1 : i32
    %dma_wait3A_562 = arith.constant 0 : i32
    %dma_wait3A_563 = arith.constant 0 : i32
    %dma_wait3A_564 = tpu.memref_slice %arg7[%dma_wait3A_559, %dma_wait3A_562, %dma_wait3A_563] : memref<4x80x128xf32, #tpu.memory_space<vmem>> -> memref<1x80x128xf32, #tpu.memory_space<vmem>>
    %dma_wait3A_565 = tpu.memref_squeeze %dma_wait3A_564 : memref<1x80x128xf32, #tpu.memory_space<vmem>> -> memref<80x128xf32, #tpu.memory_space<vmem>>
    %dma_wait3A_566 = arith.constant 0 : i32
    %dma_wait3A_567 = tpu.memref_slice %arg6[%dma_wait3A_560, %dma_wait3A_561, %dma_wait3A_566] : memref<2x4x80xi32, #tpu.memory_space<vmem>> -> memref<1x1x80xi32, #tpu.memory_space<vmem>>
    %dma_wait3A_568 = tpu.memref_squeeze %dma_wait3A_567 : memref<1x1x80xi32, #tpu.memory_space<vmem>> -> memref<80xi32, #tpu.memory_space<vmem>>
    %dma_wait3A_569 = arith.constant 0 : i32
    %dma_wait3A_570 = arith.constant 0 : i32
    %dma_wait3A_571 = tpu.memref_slice %arg9[%dma_wait3A_569, %dma_wait3A_570] : memref<10040x128xf32, #tpu.memory_space<vmem_shared>> -> memref<10040x128xf32, #tpu.memory_space<vmem_shared>>
    tpu.wait_indirect_dma semaphore(%arg17 : memref<!tpu.dma_semaphore, #tpu.memory_space<semaphore_mem>>) src(%dma_wait3A_565 : memref<80x128xf32, #tpu.memory_space<vmem>>) dst(%dma_wait3A_571 : memref<10040x128xf32, #tpu.memory_space<vmem_shared>>)
    %dma_wait3A_572 = arith.constant 2 : i32
    %dma_wait3A_573 = arith.constant 1 : i32
    %dma_wait3A_574 = arith.constant 2 : i32
    %dma_wait3A_575 = arith.constant 0 : i32
    %dma_wait3A_576 = arith.constant 0 : i32
    %dma_wait3A_577 = tpu.memref_slice %arg7[%dma_wait3A_572, %dma_wait3A_575, %dma_wait3A_576] : memref<4x80x128xf32, #tpu.memory_space<vmem>> -> memref<1x80x128xf32, #tpu.memory_space<vmem>>
    %dma_wait3A_578 = tpu.memref_squeeze %dma_wait3A_577 : memref<1x80x128xf32, #tpu.memory_space<vmem>> -> memref<80x128xf32, #tpu.memory_space<vmem>>
    %dma_wait3A_579 = arith.constant 0 : i32
    %dma_wait3A_580 = tpu.memref_slice %arg6[%dma_wait3A_573, %dma_wait3A_574, %dma_wait3A_579] : memref<2x4x80xi32, #tpu.memory_space<vmem>> -> memref<1x1x80xi32, #tpu.memory_space<vmem>>
    %dma_wait3A_581 = tpu.memref_squeeze %dma_wait3A_580 : memref<1x1x80xi32, #tpu.memory_space<vmem>> -> memref<80xi32, #tpu.memory_space<vmem>>
    %dma_wait3A_582 = arith.constant 0 : i32
    %dma_wait3A_583 = arith.constant 0 : i32
    %dma_wait3A_584 = tpu.memref_slice %arg9[%dma_wait3A_582, %dma_wait3A_583] : memref<10040x128xf32, #tpu.memory_space<vmem_shared>> -> memref<10040x128xf32, #tpu.memory_space<vmem_shared>>
    tpu.wait_indirect_dma semaphore(%arg18 : memref<!tpu.dma_semaphore, #tpu.memory_space<semaphore_mem>>) src(%dma_wait3A_578 : memref<80x128xf32, #tpu.memory_space<vmem>>) dst(%dma_wait3A_584 : memref<10040x128xf32, #tpu.memory_space<vmem_shared>>)
    %dma_wait3A_585 = arith.constant 3 : i32
    %dma_wait3A_586 = arith.constant 1 : i32
    %dma_wait3A_587 = arith.constant 3 : i32
    %dma_wait3A_588 = arith.constant 0 : i32
    %dma_wait3A_589 = arith.constant 0 : i32
    %dma_wait3A_590 = tpu.memref_slice %arg7[%dma_wait3A_585, %dma_wait3A_588, %dma_wait3A_589] : memref<4x80x128xf32, #tpu.memory_space<vmem>> -> memref<1x80x128xf32, #tpu.memory_space<vmem>>
    %dma_wait3A_591 = tpu.memref_squeeze %dma_wait3A_590 : memref<1x80x128xf32, #tpu.memory_space<vmem>> -> memref<80x128xf32, #tpu.memory_space<vmem>>
    %dma_wait3A_592 = arith.constant 0 : i32
    %dma_wait3A_593 = tpu.memref_slice %arg6[%dma_wait3A_586, %dma_wait3A_587, %dma_wait3A_592] : memref<2x4x80xi32, #tpu.memory_space<vmem>> -> memref<1x1x80xi32, #tpu.memory_space<vmem>>
    %dma_wait3A_594 = tpu.memref_squeeze %dma_wait3A_593 : memref<1x1x80xi32, #tpu.memory_space<vmem>> -> memref<80xi32, #tpu.memory_space<vmem>>
    %dma_wait3A_595 = arith.constant 0 : i32
    %dma_wait3A_596 = arith.constant 0 : i32
    %dma_wait3A_597 = tpu.memref_slice %arg9[%dma_wait3A_595, %dma_wait3A_596] : memref<10040x128xf32, #tpu.memory_space<vmem_shared>> -> memref<10040x128xf32, #tpu.memory_space<vmem_shared>>
    tpu.wait_indirect_dma semaphore(%arg19 : memref<!tpu.dma_semaphore, #tpu.memory_space<semaphore_mem>>) src(%dma_wait3A_591 : memref<80x128xf32, #tpu.memory_space<vmem>>) dst(%dma_wait3A_597 : memref<10040x128xf32, #tpu.memory_space<vmem_shared>>)
    %barrier3A_598 = arith.constant 0 : index
    tpu.barrier barrier_id(%barrier3A_598)
    %eq3A_599 = arith.constant 15 : i32
    "tpu.trace_stop"() : () -> ()
    "tpu.trace_start"() <{level = 10 : i32, message = "sc_copyout"}> : () -> ()
    %eq3A_600 = arith.cmpi eq, %arg1, %eq3A_599 : i32
    %jit3A_601 = arith.constant 10 : i32
    %jit3A_602 = arith.constant 16 : i32
    %select_n3A_603 = arith.select %eq3A_600, %jit3A_601, %jit3A_602 : i32
    %while3A_604 = arith.constant 0 : i32
    %while3A_605 = arith.subi %select_n3A_603, %while3A_604 : i32
    %while3A_606 = arith.addi %while3A_604, %while3A_605 : i32
    %while3A_607 = arith.constant 1 : i32
    %while3A_608 = arith.divsi %while3A_605, %while3A_607 : i32
    %while3A_609 = arith.muli %while3A_608, %while3A_607 : i32
    %while3A_610 = arith.addi %while3A_604, %while3A_609 : i32
    %while3A_611 = arith.constant 1 : i32
    scf.for %while3A_622 = %while3A_604 to %while3A_610 step %while3A_611  : i32 {
      %mul3A_623 = arith.constant 40 : i32
      %mul3A_624 = arith.muli %while3A_622, %mul3A_623 : i32
      %add3A_625 = arith.addi %mul3A_2, %mul3A_624 : i32
      %mul3A_626 = arith.constant 10000 : i32
      %mul3A_627 = arith.muli %arg0, %mul3A_626 : i32
      %add3A_628 = arith.addi %mul3A_627, %add3A_625 : i32
      %dma_start3A_629 = arith.constant 0 : i32
      %dma_start3A_630 = tpu.memref_slice %arg4[%add3A_628, %dma_start3A_629] : memref<20000x128xf32, #tpu.memory_space<hbm>> -> memref<40x128xf32, #tpu.memory_space<hbm>>
      %dma_start3A_631 = arith.constant 0 : i32
      %dma_start3A_632 = tpu.memref_slice %arg9[%add3A_625, %dma_start3A_631] : memref<10040x128xf32, #tpu.memory_space<vmem_shared>> -> memref<40x128xf32, #tpu.memory_space<vmem_shared>>
      tpu.enqueue_dma source(%dma_start3A_632 : memref<40x128xf32, #tpu.memory_space<vmem_shared>>) target(%dma_start3A_630 : memref<40x128xf32, #tpu.memory_space<hbm>>) target_semaphore(%arg20 : memref<!tpu.dma_semaphore, #tpu.memory_space<semaphore_mem>>)
    }
    %while3A_612 = arith.constant 1 : i32
    scf.for %while3A_622 = %while3A_610 to %while3A_606 step %while3A_612  : i32 {
      %mul3A_623 = arith.constant 40 : i32
      %mul3A_624 = arith.muli %while3A_622, %mul3A_623 : i32
      %add3A_625 = arith.addi %mul3A_2, %mul3A_624 : i32
      %mul3A_626 = arith.constant 10000 : i32
      %mul3A_627 = arith.muli %arg0, %mul3A_626 : i32
      %add3A_628 = arith.addi %mul3A_627, %add3A_625 : i32
      %dma_start3A_629 = arith.constant 0 : i32
      %dma_start3A_630 = tpu.memref_slice %arg4[%add3A_628, %dma_start3A_629] : memref<20000x128xf32, #tpu.memory_space<hbm>> -> memref<40x128xf32, #tpu.memory_space<hbm>>
      %dma_start3A_631 = arith.constant 0 : i32
      %dma_start3A_632 = tpu.memref_slice %arg9[%add3A_625, %dma_start3A_631] : memref<10040x128xf32, #tpu.memory_space<vmem_shared>> -> memref<40x128xf32, #tpu.memory_space<vmem_shared>>
      tpu.enqueue_dma source(%dma_start3A_632 : memref<40x128xf32, #tpu.memory_space<vmem_shared>>) target(%dma_start3A_630 : memref<40x128xf32, #tpu.memory_space<hbm>>) target_semaphore(%arg20 : memref<!tpu.dma_semaphore, #tpu.memory_space<semaphore_mem>>)
    }
    %while3A_613 = arith.constant 0 : i32
    %while3A_614 = arith.subi %select_n3A_603, %while3A_613 : i32
    %while3A_615 = arith.addi %while3A_613, %while3A_614 : i32
    %while3A_616 = arith.constant 1 : i32
    %while3A_617 = arith.divsi %while3A_614, %while3A_616 : i32
    %while3A_618 = arith.muli %while3A_617, %while3A_616 : i32
    %while3A_619 = arith.addi %while3A_613, %while3A_618 : i32
    %while3A_620 = arith.constant 1 : i32
    scf.for %while3A_622 = %while3A_613 to %while3A_619 step %while3A_620  : i32 {
      %mul3A_623 = arith.constant 40 : i32
      %mul3A_624 = arith.muli %while3A_622, %mul3A_623 : i32
      %add3A_625 = arith.addi %mul3A_2, %mul3A_624 : i32
      %mul3A_626 = arith.constant 10000 : i32
      %mul3A_627 = arith.muli %arg0, %mul3A_626 : i32
      %add3A_628 = arith.addi %mul3A_627, %add3A_625 : i32
      %dma_wait3A_629 = arith.constant 0 : i32
      %dma_wait3A_630 = tpu.memref_slice %arg4[%add3A_628, %dma_wait3A_629] : memref<20000x128xf32, #tpu.memory_space<hbm>> -> memref<40x128xf32, #tpu.memory_space<hbm>>
      %dma_wait3A_631 = arith.constant 0 : i32
      %dma_wait3A_632 = tpu.memref_slice %arg9[%add3A_625, %dma_wait3A_631] : memref<10040x128xf32, #tpu.memory_space<vmem_shared>> -> memref<40x128xf32, #tpu.memory_space<vmem_shared>>
      tpu.wait_dma2 semaphore(%arg20 : memref<!tpu.dma_semaphore, #tpu.memory_space<semaphore_mem>>) src(%dma_wait3A_632 : memref<40x128xf32, #tpu.memory_space<vmem_shared>>) dst(%dma_wait3A_630 : memref<40x128xf32, #tpu.memory_space<hbm>>)
    }
    %while3A_621 = arith.constant 1 : i32
    scf.for %while3A_622 = %while3A_619 to %while3A_615 step %while3A_621  : i32 {
      %mul3A_623 = arith.constant 40 : i32
      %mul3A_624 = arith.muli %while3A_622, %mul3A_623 : i32
      %add3A_625 = arith.addi %mul3A_2, %mul3A_624 : i32
      %mul3A_626 = arith.constant 10000 : i32
      %mul3A_627 = arith.muli %arg0, %mul3A_626 : i32
      %add3A_628 = arith.addi %mul3A_627, %add3A_625 : i32
      %dma_wait3A_629 = arith.constant 0 : i32
      %dma_wait3A_630 = tpu.memref_slice %arg4[%add3A_628, %dma_wait3A_629] : memref<20000x128xf32, #tpu.memory_space<hbm>> -> memref<40x128xf32, #tpu.memory_space<hbm>>
      %dma_wait3A_631 = arith.constant 0 : i32
      %dma_wait3A_632 = tpu.memref_slice %arg9[%add3A_625, %dma_wait3A_631] : memref<10040x128xf32, #tpu.memory_space<vmem_shared>> -> memref<40x128xf32, #tpu.memory_space<vmem_shared>>
      tpu.wait_dma2 semaphore(%arg20 : memref<!tpu.dma_semaphore, #tpu.memory_space<semaphore_mem>>) src(%dma_wait3A_632 : memref<40x128xf32, #tpu.memory_space<vmem_shared>>) dst(%dma_wait3A_630 : memref<40x128xf32, #tpu.memory_space<hbm>>)
    }
    "tpu.trace_stop"() : () -> ()
    return
  }
}

module attributes {stable_mosaic.version = 14 : i64} {
  func.func @body(%arg0: i32, %arg1: memref<5000x128xf32, #tpu.memory_space<vmem>>, %arg2: memref<5000x128xf32, #tpu.memory_space<vmem>>, %arg3: memref<1x1x5000xi32, #tpu.memory_space<vmem>>, %arg4: memref<128x128xf32, #tpu.memory_space<vmem>>, %arg5: memref<1x128xf32, #tpu.memory_space<vmem>>, %arg6: memref<128x128xf32, #tpu.memory_space<vmem>>, %arg7: memref<1x128xf32, #tpu.memory_space<vmem>>, %arg8: memref<64x128xf32, #tpu.memory_space<vmem>>, %arg9: memref<64x128xf32, #tpu.memory_space<vmem>>) attributes {dimension_semantics = [#tpu.dimension_semantics<arbitrary>], iteration_bounds = array<i64: 2>, scalar_prefetch = 0 : i64, scratch_operands = 1 : i64, tpu.core_type = #tpu.core_type<tc>, window_params = [{transform_indices = @transform_0, window_bounds = array<i64: 5000, 128>}, {transform_indices = @transform_1, window_bounds = array<i64: 5000, 128>}, {transform_indices = @transform_2, window_bounds = array<i64: 1, 1, 5000>}, {pipeline_mode = #tpu.pipeline_mode<synchronous>, transform_indices = @transform_3, window_bounds = array<i64: 128, 128>}, {pipeline_mode = #tpu.pipeline_mode<synchronous>, transform_indices = @transform_4, window_bounds = array<i64: 1, 128>}, {pipeline_mode = #tpu.pipeline_mode<synchronous>, transform_indices = @transform_5, window_bounds = array<i64: 128, 128>}, {pipeline_mode = #tpu.pipeline_mode<synchronous>, transform_indices = @transform_6, window_bounds = array<i64: 1, 128>}, {pipeline_mode = #tpu.pipeline_mode<synchronous>, transform_indices = @transform_7, window_bounds = array<i64: 64, 128>}]} {
    %get3A = arith.constant 0 : index
    %get3A_0 = arith.constant 0 : index
    %get3A_1 = vector.load %arg1[%get3A, %get3A_0] : memref<5000x128xf32, #tpu.memory_space<vmem>>, vector<5000x128xf32>
    %get3A_2 = arith.constant 0 : index
    %get3A_3 = arith.constant 0 : index
    %get3A_4 = vector.load %arg2[%get3A_2, %get3A_3] : memref<5000x128xf32, #tpu.memory_space<vmem>>, vector<5000x128xf32>
    %add3A = arith.addf %get3A_1, %get3A_4 : vector<5000x128xf32>
    %get3A_5 = arith.constant 0 : index
    %get3A_6 = arith.constant 0 : index
    %get3A_7 = vector.load %arg4[%get3A_5, %get3A_6] : memref<128x128xf32, #tpu.memory_space<vmem>>, vector<128x128xf32>
    %dot_general3A = arith.constant dense<0.000000e+00> : vector<5000x128xf32>
    %dot_general3A_8 = tpu.matmul %add3A, %get3A_7, %dot_general3A {dimension_numbers = #tpu.dot_dimension_numbers<[1], [0], [0], [1], [0, 0, 1, 1], [], []>, transpose_lhs_hint = false} : vector<5000x128xf32>, vector<128x128xf32>, vector<5000x128xf32> -> vector<5000x128xf32>
    %get3A_9 = arith.constant 0 : index
    %get3A_10 = arith.constant 0 : index
    %get3A_11 = vector.load %arg5[%get3A_9, %get3A_10] : memref<1x128xf32, #tpu.memory_space<vmem>>, vector<1x128xf32>
    %add3A_12 = vector.broadcast %get3A_11 : vector<1x128xf32> to vector<5000x128xf32>
    %add3A_13 = arith.addf %dot_general3A_8, %add3A_12 : vector<5000x128xf32>
    %max3A = arith.constant 0.000000e+00 : f32
    %max3A_14 = vector.broadcast %max3A : f32 to vector<5000x128xf32>
    %max3A_15 = arith.maximumf %add3A_13, %max3A_14 : vector<5000x128xf32>
    %get3A_16 = arith.constant 0 : index
    %get3A_17 = arith.constant 0 : index
    %get3A_18 = arith.constant 0 : index
    %get3A_19 = vector.load %arg3[%get3A_16, %get3A_17, %get3A_18] : memref<1x1x5000xi32, #tpu.memory_space<vmem>>, vector<1x1x5000xi32>
    %get3A_20 = vector.shape_cast %get3A_19 : vector<1x1x5000xi32> to vector<5000xi32>
    %iota3A = tpu.iota {dimensions = array<i32: 0>} : vector<64x5000xi32>
    %broadcast_in_dim3A = vector.shape_cast %get3A_20 : vector<5000xi32> to vector<1x5000xi32>
    %eq3A = vector.broadcast %broadcast_in_dim3A : vector<1x5000xi32> to vector<64x5000xi32>
    %eq3A_21 = arith.cmpi eq, %eq3A, %iota3A : vector<64x5000xi32>
    %convert_element_type3A = arith.extui %eq3A_21 : vector<64x5000xi1> to vector<64x5000xi32>
    %convert_element_type3A_22 = arith.sitofp %convert_element_type3A : vector<64x5000xi32> to vector<64x5000xf32>
    %dot_general3A_23 = arith.constant dense<0.000000e+00> : vector<64x128xf32>
    %dot_general3A_24 = tpu.matmul %convert_element_type3A_22, %max3A_15, %dot_general3A_23 {dimension_numbers = #tpu.dot_dimension_numbers<[1], [0], [0], [1], [0, 0, 1, 1], [], []>, transpose_lhs_hint = false} : vector<64x5000xf32>, vector<5000x128xf32>, vector<64x128xf32> -> vector<64x128xf32>
    %eq3A_25 = arith.constant 0 : i32
    %eq3A_26 = arith.cmpi eq, %arg0, %eq3A_25 : i32
    %convert_element_type3A_27 = arith.extui %eq3A_26 : i1 to i32
    %cond3A = arith.constant 0 : i32
    %cond3A_28 = arith.cmpi ne, %convert_element_type3A_27, %cond3A : i32
    scf.if %cond3A_28 {
      %swap3A = arith.constant 0 : index
      %swap3A_38 = arith.constant 0 : index
      %swap3A_39 = vector.load %arg9[%swap3A, %swap3A_38] : memref<64x128xf32, #tpu.memory_space<vmem>>, vector<64x128xf32>
      tpu.vector_store %arg9[%swap3A, %swap3A_38], %dot_general3A_24 {strides = array<i32>} : memref<64x128xf32, #tpu.memory_space<vmem>>, vector<64x128xf32>,
    } else {
    }
    %gt3A = arith.constant 0 : i32
    %gt3A_29 = arith.cmpi sgt, %arg0, %gt3A : i32
    %convert_element_type3A_30 = arith.extui %gt3A_29 : i1 to i32
    %cond3A_31 = arith.constant 0 : i32
    %cond3A_32 = arith.cmpi ne, %convert_element_type3A_30, %cond3A_31 : i32
    scf.if %cond3A_32 {
      %get3A_38 = arith.constant 0 : index
      %get3A_39 = arith.constant 0 : index
      %get3A_40 = vector.load %arg9[%get3A_38, %get3A_39] : memref<64x128xf32, #tpu.memory_space<vmem>>, vector<64x128xf32>
      %add3A_41 = arith.addf %get3A_40, %dot_general3A_24 : vector<64x128xf32>
      %swap3A = arith.constant 0 : index
      %swap3A_42 = arith.constant 0 : index
      %swap3A_43 = vector.load %arg9[%swap3A, %swap3A_42] : memref<64x128xf32, #tpu.memory_space<vmem>>, vector<64x128xf32>
      tpu.vector_store %arg9[%swap3A, %swap3A_42], %add3A_41 {strides = array<i32>} : memref<64x128xf32, #tpu.memory_space<vmem>>, vector<64x128xf32>,
    } else {
    }
    %eq3A_33 = arith.constant 1 : i32
    %eq3A_34 = arith.cmpi eq, %arg0, %eq3A_33 : i32
    %convert_element_type3A_35 = arith.extui %eq3A_34 : i1 to i32
    %cond3A_36 = arith.constant 0 : i32
    %cond3A_37 = arith.cmpi ne, %convert_element_type3A_35, %cond3A_36 : i32
    scf.if %cond3A_37 {
      %get3A_38 = arith.constant 0 : index
      %get3A_39 = arith.constant 0 : index
      %get3A_40 = vector.load %arg9[%get3A_38, %get3A_39] : memref<64x128xf32, #tpu.memory_space<vmem>>, vector<64x128xf32>
      %mul3A = arith.mulf %get3A_40, %get3A_40 : vector<64x128xf32>
      %reduce_sum3A = arith.constant dense<0.000000e+00> : vector<64xf32>
      %reduce_sum3A_41 = vector.multi_reduction <add>, %mul3A, %reduce_sum3A [1] : vector<64x128xf32> to vector<64xf32>
      %broadcast_in_dim3A_42 = vector.shape_cast %reduce_sum3A_41 : vector<64xf32> to vector<64x1xf32>
      %sqrt3A = math.sqrt %broadcast_in_dim3A_42 : vector<64x1xf32>
      %max3A_43 = arith.constant 9.99999996E-13 : f32
      %max3A_44 = vector.broadcast %max3A_43 : f32 to vector<64x1xf32>
      %max3A_45 = arith.maximumf %sqrt3A, %max3A_44 : vector<64x1xf32>
      %div3A = vector.broadcast %max3A_45 : vector<64x1xf32> to vector<64x128xf32>
      %div3A_46 = arith.divf %get3A_40, %div3A : vector<64x128xf32>
      %get3A_47 = arith.constant 0 : index
      %get3A_48 = arith.constant 0 : index
      %get3A_49 = vector.load %arg6[%get3A_47, %get3A_48] : memref<128x128xf32, #tpu.memory_space<vmem>>, vector<128x128xf32>
      %dot_general3A_50 = arith.constant dense<0.000000e+00> : vector<64x128xf32>
      %dot_general3A_51 = tpu.matmul %div3A_46, %get3A_49, %dot_general3A_50 {dimension_numbers = #tpu.dot_dimension_numbers<[1], [0], [0], [1], [0, 0, 1, 1], [], []>, transpose_lhs_hint = false} : vector<64x128xf32>, vector<128x128xf32>, vector<64x128xf32> -> vector<64x128xf32>
      %get3A_52 = arith.constant 0 : index
      %get3A_53 = arith.constant 0 : index
      %get3A_54 = vector.load %arg7[%get3A_52, %get3A_53] : memref<1x128xf32, #tpu.memory_space<vmem>>, vector<1x128xf32>
      %add3A_55 = vector.broadcast %get3A_54 : vector<1x128xf32> to vector<64x128xf32>
      %add3A_56 = arith.addf %dot_general3A_51, %add3A_55 : vector<64x128xf32>
      %mul3A_57 = arith.mulf %add3A_56, %add3A_56 : vector<64x128xf32>
      %reduce_sum3A_58 = arith.constant dense<0.000000e+00> : vector<64xf32>
      %reduce_sum3A_59 = vector.multi_reduction <add>, %mul3A_57, %reduce_sum3A_58 [1] : vector<64x128xf32> to vector<64xf32>
      %broadcast_in_dim3A_60 = vector.shape_cast %reduce_sum3A_59 : vector<64xf32> to vector<64x1xf32>
      %sqrt3A_61 = math.sqrt %broadcast_in_dim3A_60 : vector<64x1xf32>
      %max3A_62 = arith.constant 9.99999996E-13 : f32
      %max3A_63 = vector.broadcast %max3A_62 : f32 to vector<64x1xf32>
      %max3A_64 = arith.maximumf %sqrt3A_61, %max3A_63 : vector<64x1xf32>
      %div3A_65 = vector.broadcast %max3A_64 : vector<64x1xf32> to vector<64x128xf32>
      %div3A_66 = arith.divf %add3A_56, %div3A_65 : vector<64x128xf32>
      %swap3A = arith.constant 0 : index
      %swap3A_67 = arith.constant 0 : index
      %swap3A_68 = vector.load %arg8[%swap3A, %swap3A_67] : memref<64x128xf32, #tpu.memory_space<vmem>>, vector<64x128xf32>
      tpu.vector_store %arg8[%swap3A, %swap3A_67], %div3A_66 {strides = array<i32>} : memref<64x128xf32, #tpu.memory_space<vmem>>, vector<64x128xf32>,
    } else {
    }
    return
  }
  func.func @transform_0(%arg0: i32) -> (i32, i32) {
    %c0_i32 = arith.constant 0 : i32
    %c0_i32_0 = arith.constant 0 : i32
    return %arg0, %c0_i32 : i32, i32
  }
  func.func @transform_1(%arg0: i32) -> (i32, i32) {
    %add3A = arith.constant 2 : i32
    %add3A_0 = arith.addi %add3A, %arg0 : i32
    %c0_i32 = arith.constant 0 : i32
    %c0_i32_1 = arith.constant 0 : i32
    return %add3A_0, %c0_i32 : i32, i32
  }
  func.func @transform_2(%arg0: i32) -> (i32, i32, i32) {
    %c0_i32 = arith.constant 0 : i32
    %c0_i32_0 = arith.constant 0 : i32
    %c0_i32_1 = arith.constant 0 : i32
    return %arg0, %c0_i32, %c0_i32_0 : i32, i32, i32
  }
  func.func @transform_3(%arg0: i32) -> (i32, i32) {
    %c0_i32 = arith.constant 0 : i32
    %c0_i32_0 = arith.constant 0 : i32
    %c0_i32_1 = arith.constant 0 : i32
    return %c0_i32, %c0_i32_0 : i32, i32
  }
  func.func @transform_4(%arg0: i32) -> (i32, i32) {
    %c0_i32 = arith.constant 0 : i32
    %c0_i32_0 = arith.constant 0 : i32
    %c0_i32_1 = arith.constant 0 : i32
    return %c0_i32, %c0_i32_0 : i32, i32
  }
  func.func @transform_5(%arg0: i32) -> (i32, i32) {
    %c0_i32 = arith.constant 0 : i32
    %c0_i32_0 = arith.constant 0 : i32
    %c0_i32_1 = arith.constant 0 : i32
    return %c0_i32, %c0_i32_0 : i32, i32
  }
  func.func @transform_6(%arg0: i32) -> (i32, i32) {
    %c0_i32 = arith.constant 0 : i32
    %c0_i32_0 = arith.constant 0 : i32
    %c0_i32_1 = arith.constant 0 : i32
    return %c0_i32, %c0_i32_0 : i32, i32
  }
  func.func @transform_7(%arg0: i32) -> (i32, i32) {
    %c0_i32 = arith.constant 0 : i32
    %c0_i32_0 = arith.constant 0 : i32
    %c0_i32_1 = arith.constant 0 : i32
    return %c0_i32, %c0_i32_0 : i32, i32
  }
}

</mosaic_0001>

<sc_bundles>
// kernel: kernel.4.cloned.1.call-start
scs
__scs_entry_jumppad:
0x0: {  	(pc) =	sbr.rel $0x88, $3  }
0x1: {  	(tag) =	ssettag $0x0;
	lr =	simm.s32 $0x1  }
0x2: {  	[smem:$0x3F9A] =	sst lr;
	_ =	strace $0xD0000000  }
0x3: {  	_ = 	snop  }
0x4: {  	_ = 	snop  }
0x5: {  	_ = 	snop  }
0x6: {  	_ = 	snop  }
0x7: {  	_ = 	snop  }
__scs_overlays_trampoline_lowered:
0x8: {  	[smem:$0x3FA9] =	sst s0  }
0x9: {  	[smem:$0x3FAA] =	sst s1  }
0xa: {  	[smem:$0x3FAB] =	sst s2  }
0xb: {  	[smem:$0x3FAC] =	sst s3  }
0xc: {  	[smem:$0x3FAD] =	sst s4  }
0xd: {  	[smem:$0x3FAE] =	sst s5  }
0xe: {  	[smem:$0x3FAF] =	sst s6  }
0xf: {  	[smem:$0x3FB0] =	sst s7  }
0x10: {  	[smem:$0x3FB1] =	sst s8  }
0x11: {  	[smem:$0x3FB2] =	sst s9;
	s0 =	simm.s32 @!p0 $0x0  }
0x12: {  	s1 =	sld [smem:$0x3F98];
	s0 =	simm.s32 @p0 $0x1  }
0x13: {  	[smem:$0x3FB3] =	sst s0;
	s0 =	simm.s32 @!p1 $0x0  }
0x14: {  	s2 =	sld [smem:$0x3F97];
	s0 =	simm.s32 @p1 $0x1  }
0x15: {  	[smem:$0x3FB4] =	sst s0;
	s0 =	simm.s32 @!p2 $0x0  }
0x16: {  	s3 =	sld [smem:$0x3FDB];
	s0 =	simm.s32 @p2 $0x1  }
0x17: {  	s4 =	simm.s32 $0x1BF5;
	[smem:$0x3FB6] =	sst s0  }
0x18: {  	s0 =	sld [smem:$0x3F99];
	_ =	swait.ge [sflag:s4], $0x0  }
0x19: {  	s7 =	sld [smem:$0x3F9A]  }
0x1a: {  	s8 =	sadd.s32 $0xFFFFE003, lr  }
0x1b: {  	s9 =	sadd.s32 $0xFFFFFEF7, lr;
	s5 =	simm.s32 $0xFFFFFFFF;
	p2 =	slt.u32 s8, $0xFFFFF086  }
0x1c: {  	p1 =	slt.u32 s9, $0xF7A;
	s5 =	simm.s32 @!p2 $0x0  }
0x1d: {  	s5 =	simm.s32 @p1 $0x1;
	p0 =	seq.s32 s7, s2  }
0x1e: {  	s7 =	smul.u32 @!p0 $0xF7A, s2;
	p2 =	seq.s32 @!p0 s5, $0x0  }
0x1f: {  	s9 =	smul.u32 $0xF7A, s1;
	s8 =	simm.s32 @!p0 $0x1BF5;
	p2 =	por !p2, p0  }
0x20: {  	[sflag:s8] =	ssyncset.s32 @!p0 $0xFFFFF086;
	s6 =	sadd.s32 @!p0 s3, s7;
	s7 =	simm.s32 @!p0 $0x108  }
0x21: {  	s3 =	sadd.s32 s3, s9;
	s6 =	sadd.s32 @!p0 $0x88, s6;
	s7 =	simm.s32 @p2 $0x1082  }
0x22: {  	[simem:s7], [sflag:s8] =	dma.local @!p0 [hbm:s6], $0xF7A  }
0x23: {  	s9 =	sor.u32 $0xD0000000, s2;
	s6 =	simm.s32 $0x108;
	_ =	swait.ge @!p0 [sflag:s8], $0x0  }
0x24: {  	s3 =	sadd.s32 $0x88, s3;
	s6 =	simm.s32 @!p1 $0x1082;
	[sflag:s4] =	ssyncset.s32 $0xFFFFF086  }
0x25: {  	[simem:s6], [sflag:s4] =	dma.local [hbm:s3], $0xF7A  }
0x26: {  	[smem:$0x3F9A] =	sst s1;
	(tag) =	ssettag s2;
	_ =	strace s9  }
0x27: {  	s1 =	sld [smem:$0x3FAA]  }
0x28: {  	s2 =	sld [smem:$0x3FAB]  }
0x29: {  	s4 =	sld [smem:$0x3FAD]  }
0x2a: {  	p0 =	seq.s32 s5, $0x0;
	s5 =	sld [smem:$0x3FAE]  }
0x2b: {  	s6 =	sld [smem:$0x3FAF]  }
0x2c: {  	s7 =	sld [smem:$0x3FB0]  }
0x2d: {  	s3 =	simm.s32 $0x108;
	s8 =	sld [smem:$0x3FB1]  }
0x2e: {  	s3 =	simm.s32 @!p0 $0x1082;
	s9 =	sld [smem:$0x3FB2]  }
0x2f: {  	lr =	sadd.s32 s0, s3;
	s0 =	sld [smem:$0x3FA9]  }
0x30: {  	s3 =	sld [smem:$0x3FAC]  }
0x31: {  	[smem:$0x3FB5] =	sst s10  }
0x32: {  	s10 =	sld [smem:$0x3FB3];
	_ =	sdelay $0x3  }
0x33: {  	p0 =	seq.s32 s10, $0x1;
	s10 =	sld [smem:$0x3FB5];
	_ =	sdelay $0x3  }
0x34: {  	[smem:$0x3FB5] =	sst s10  }
0x35: {  	s10 =	sld [smem:$0x3FB4];
	_ =	sdelay $0x3  }
0x36: {  	p1 =	seq.s32 s10, $0x1;
	s10 =	sld [smem:$0x3FB5];
	_ =	sdelay $0x3  }
0x37: {  	[smem:$0x3FB5] =	sst s10  }
0x38: {  	s10 =	sld [smem:$0x3FB6]  }
0x39: {  	_ = 	snop;
	(pc) =	sbr.ind lr, $3  }
0x3a: {  	_ = 	snop  }
0x3b: {  	_ = 	snop  }
0x3c: {  	p2 =	seq.s32 s10, $0x1;
	s10 =	sld [smem:$0x3FB5]  }
0x3d: {  	_ =	shalt  }
0x3e: {  	_ =	shalt  }
0x3f: {  	_ =	shalt  }
0x40: {  	_ =	shalt  }
0x41: {  	_ =	shalt  }
0x42: {  	_ =	shalt  }
0x43: {  	_ =	shalt  }
0x44: {  	_ =	shalt  }
0x45: {  	_ =	shalt  }
0x46: {  	_ =	shalt  }
0x47: {  	_ =	shalt  }
0x48: {  	_ =	shalt  }
0x49: {  	_ =	shalt  }
0x4a: {  	_ =	shalt  }
0x4b: {  	_ =	shalt  }
0x4c: {  	_ =	shalt  }
0x4d: {  	_ =	shalt  }
0x4e: {  	_ =	shalt  }
0x4f: {  	_ =	shalt  }
0x50: {  	_ =	shalt  }
0x51: {  	_ =	shalt  }
0x52: {  	_ =	shalt  }
0x53: {  	_ =	shalt  }
0x54: {  	_ =	shalt  }
0x55: {  	_ =	shalt  }
0x56: {  	_ =	shalt  }
0x57: {  	_ =	shalt  }
0x58: {  	_ =	shalt  }
0x59: {  	_ =	shalt  }
0x5a: {  	_ =	shalt  }
0x5b: {  	_ =	shalt  }
0x5c: {  	_ =	shalt  }
0x5d: {  	_ =	shalt  }
0x5e: {  	_ =	shalt  }
0x5f: {  	_ =	shalt  }
0x60: {  	_ =	shalt  }
0x61: {  	_ =	shalt  }
0x62: {  	_ =	shalt  }
0x63: {  	_ =	shalt  }
0x64: {  	_ =	shalt  }
0x65: {  	_ =	shalt  }
0x66: {  	_ =	shalt  }
0x67: {  	_ =	shalt  }
0x68: {  	_ =	shalt  }
0x69: {  	_ =	shalt  }
0x6a: {  	_ =	shalt  }
0x6b: {  	_ =	shalt  }
0x6c: {  	_ =	shalt  }
0x6d: {  	_ =	shalt  }
0x6e: {  	_ =	shalt  }
0x6f: {  	_ =	shalt  }
0x70: {  	_ =	shalt  }
0x71: {  	_ =	shalt  }
0x72: {  	_ =	shalt  }
0x73: {  	_ =	shalt  }
0x74: {  	_ =	shalt  }
0x75: {  	_ =	shalt  }
0x76: {  	_ =	shalt  }
0x77: {  	_ =	shalt  }
0x78: {  	_ =	shalt  }
0x79: {  	_ =	shalt  }
0x7a: {  	_ =	shalt  }
0x7b: {  	_ =	shalt  }
0x7c: {  	_ =	shalt  }
0x7d: {  	_ =	shalt  }
0x7e: {  	_ =	shalt  }
0x7f: {  	_ =	shalt  }
0x80: {  	_ =	shalt  }
0x81: {  	_ =	shalt  }
0x82: {  	_ =	shalt  }
0x83: {  	_ =	shalt  }
0x84: {  	_ =	shalt  }
0x85: {  	_ =	shalt  }
0x86: {  	_ =	shalt  }
0x87: {  	_ =	shalt  }
.Lfunc_end0:
.L_simem_size_0:
called_computation_lowered:
.L_overlay_start_0:
0x88: {  	s2 =	sld [smem:$0x3FD9]  }
0x89: {  	s3 =	sld [smem:$0x3FFE];
	_ =	sdelay $0x1  }
0x8a: {  	s1 =	srdreg.scid  }
0x8b: {  	s0 =	sand.u32 $0x1, s1  }
0x8c: {  	s17 =	sshll.u32 s0, $0xA;
	s2 =	sadd.s32 s3, s2  }
0x8d: {  	s2 =	sadd.s32 s2, s17  }
0x8e: {  	[smem:$0x3FC1] =	sst s2  }
0x8f: {  	_ = 	snop  }
0x90: {  	s2 =	sld [smem:$0x3FC9];
	(tm) =	ssettm $0x1  }
0x91: {  	s18 =	sld [smem:$0x3FFB];
	_ =	sdelay $0x3  }
0x92: {  	_ =	strace s18  }
0x93: {  	s3 =	sld [smem:$0x3FFC];
	_ =	sdelay $0x3  }
0x94: {  	_ =	strace s3  }
0x95: {  	s3 =	sld [smem:$0x3FFD];
	_ =	sdelay $0x3  }
0x96: {  	_ =	strace s3  }
0x97: {  	_ =	strace $0x8FFFFFFF  }
0x98: {  	s19 =	sld [smem:$0x3FDB];
	_ =	sdelay $0x1  }
0x99: {  	s4 =	simm.s32 $_scs_section_size  }
0x9a: {  	s5 =	simm.s32 $_size__tile_overlayer_lowered;
	s6 =	simm.s32 $_tile_overlayer_lowered  }
0x9b: {  	s22 =	simm.s32 $0x1BFF;
	s21 =	sshll.u32 s6, $0x1;
	s3 =	sadd.s32 s4, s19  }
0x9c: {  	s7 =	simm.s32 $0x0;
	s20 =	sshll.u32 s5, $0x1;
	s5 =	sadd.s32 s21, s3  }
0x9d: {  	[timem:s7], [sflag:s22] =	dma.local [hbm:s5], s20  }
0x9e: {  	_ =	swait.ge [sflag:s22], s20  }
0x9f: {  	s4 =	ssub.s32 $0x0, s20;
	[sflag:s22] =	ssyncset.done $0x0  }
0xa0: {  	[sflag:s22] =	ssyncadd.s32 s4;
	_ =	sdelay $0x1  }
0xa1: {  	s23 =	simm.s32 $0x1B8B  }
0xa2: {  	_ =	swait.ge [sflag:s23], $0x1  }
0xa3: {  	[sflag:s23] =	ssyncset.done $0x0  }
0xa4: {  	s25 =	simm.s32 $0x1B8E;
	s24 =	sld [smem:$0x3FFE];
	[sflag:s23] =	ssyncadd.s32 $0xFFFFFFFF  }
0xa5: {  	s26 =	simm.s32 $execute0_lowered;
	[smem:$0x3FD2] =	sst s25  }
0xa6: {  	s5 =	sshll.u32 s26, $0x1;
	_ =	strace $0x80000046;
	[dreg:$0x1] =	wrdreg $0xFFFFFFFF  }
0xa7: {  	s28 =	simm.s32 $_size_execute0_lowered;
	s3 =	sadd.s32 s3, s5;
	[dreg:$0x0] =	wrdreg $0x0  }
0xa8: {  	s5 =	sshll.u32 s28, $0x1;
	[dreg:$0x2] =	wrdreg s3  }
0xa9: {  	[dreg:$0x3] =	wrdreg s5  }
0xaa: {  	[dreg:$0x4] =	wrdreg $0xC0  }
0xab: {  	_ =	task [dreg:s7], $0x5FFFF  }
0xac: {  	[dreg:$0x1] =	wrdreg $0xFFFFFFFF  }
0xad: {  	[dreg:$0x0] =	wrdreg $0x60  }
0xae: {  	[dreg:$0x2] =	wrdreg s2  }
0xaf: {  	[dreg:$0x3] =	wrdreg s24  }
0xb0: {  	[dreg:$0x4] =	wrdreg $0xBC000  }
0xb1: {  	[dreg:$0x5] =	wrdreg $0x9  }
0xb2: {  	_ =	task.clear_ibuf [dreg:s7], $0x6FFFF;
	_ =	strace $0x90000046  }
0xb3: {  	s29 =	simm.s32 $0x9;
	_ =	strace $0x8000004B  }
0xb4: {  	_ =	swait.ge [sflag:s29], $0x1  }
0xb5: {  	[sflag:s29] =	ssyncadd.s32 $0xFFFFFFFF  }
0xb6: {  	_ =	strace $0x9000004B  }
0xb7: {  	_ =	sfence  }
0xb8: {  	s30 =	sld [smem:$0x0];
	_ =	sdelay $0x2  }
0xb9: {  	s31 =	sshll.u32 s1, $0xD;
	s1 =	sshrl.u32 s1, $0x2  }
0xba: {  	s3 =	sand.u32 $0x4000, s31;
	s1 =	sadd.s32 s1, s30  }
0xbb: {  	s0 =	sor.u32 s3, s0;
	s1 =	sshll.u32 s1, $0x11  }
0xbc: {  	s0 =	sor.u32 s1, s0  }
0xbd: {  	s0 =	sadd.s32 $0x8F2B, s0  }
0xbe: {  	[sflag:s0] =	ssyncadd.remote.s32 $0x1  }
0xbf: {  	_ =	sfence.sel $0xFFFF  }
0xc0: {  	[dreg:$0x0] =	wrdreg $0xFFFFFFFF;
	(pc) =	sbr.abs _section_cstart, $3  }
0xc1: {  	[dreg:$0x1] =	wrdreg $0xFFFFFFFF  }
0xc2: {  	_ =	task.clear_ibuf [dreg:s7], $0x2FFFF;
	_ =	strace $0x9FFFFFFF  }
0xc3: {  	(tm) =	ssettm $0x7FFFFFFF  }
tec
execute0_lowered:
.L_overlay_start_1:
0x0: {  	(tag) =	ssettag $0x1  }
0x1: {  	s1 =	rddreg [dreg:$0x0]  }
0x2: {  	s0 =	rddreg [dreg:$0x1]  }
0x3: {  	s2 =	rddreg [dreg:$0x2];
	s3 =	simm.s32 $0x0  }
0x4: {  	s4 =	srdreg.scid;
	s10 =	stileid.u32;
	s14 =	simm.s32 $0xB  }
0x5: {  	s11 =	simm.s32 $0xA;
	s29 =	simm.s32 $0x200;
	s28 =	simm.s32 $0x8000  }
0x6: {  	s30 =	simm.s32 $0x6;
	s31 =	simm.s32 $0x1;
	s13 =	simm.s32 $0x8  }
0x7: {  	s15 =	simm.s32 $0x4;
	s12 =	simm.s32 $0x9;
	[smem:$0x7FF] =	sst s3  }
0x8: {  	s5 =	sadd.s32 $0x1000, s0;
	s4 =	sand.u32 $0x1, s4;
	s19 =	smul.u32 $0x50000, s10  }
0x9: {  	s9 =	sshll.u32 s10, $0xE;
	p0 =	seq.s32 s10, $0xF;
	s25 =	smul.u32 $0x2800, s10  }
0xa: {  	_ =	strace $0x80000047;
	s6 =	smul.u32 $0x27100, s4;
	s7 =	ssub.s32 $0x2, s4  }
0xb: {  	s4 =	sshll.u32 s4, $0x12;
	s14 =	simm.s32 @!p0 $0x10;
	s8 =	sshrl.u32 s7, $0x1  }
0xc: {  	s4 =	sor.u32 s9, s4;
	s9 =	simm.s32 $0xA;
	[dreg:$0x8] =	wrdreg s14  }
0xd: {  	s0 =	sadd.s32 s6, s0;
	s7 =	ssub.s32 s7, s8;
	s16 =	sshrl.u32 s4, $0x3  }
0xe: {  	s6 =	simm.s32 $0xB;
	s9 =	simm.s32 @!p0 $0x10;
	s20 =	sor.u32 $0x80600, s4  }
0xf: {  	s21 =	sor.u32 $0x600, s4;
	s24 =	sor.u32 $0x80400, s4;
	s4 =	sor.u32 $0x400, s4  }
0x10: {  	s8 =	sadd.s32 s5, s16;
	[dreg:$0xd] =	wrdreg s9;
	s7 =	smax.u32 s7, $0x1  }
0x11: {  	s22 =	sshrl.u32 s21, $0x3;
	s4 =	sshrl.u32 s4, $0x3;
	s0 =	sadd.s32 s25, s0  }
0x12: {  	s21 =	simm.s32 $0x800;
	s25 =	simm.s32 $0x5800;
	[dreg:$0x9] =	wrdreg s8  }
0x13: {  	s9 =	simm.s32 $0x3;
	s17 =	sadd.s32 $0x10000, s8;
	[dreg:$0xe] =	wrdreg s7  }
0x14: {  	s16 =	simm.s32 $0x280;
	s18 =	sadd.s32 $0x40, s8;
	[dreg:$0xa] =	wrdreg s17  }
0x15: {  	s8 =	sadd.s32 $0x10040, s8;
	s7 =	sshrl.u32 s20, $0x3;
	[dreg:$0xb] =	wrdreg s18  }
0x16: {  	s23 =	sadd.s32 s22, s5;
	s4 =	sadd.s32 s4, s5;
	[dreg:$0xc] =	wrdreg s8  }
0x17: {  	s0 =	sadd.s32 $0x21000, s0;
	s20 =	simm.s32 $0x50;
	[dreg:$0x5] =	wrdreg s23  }
0x18: {  	s22 =	simm.s32 $0x180;
	s8 =	sshrl.u32 s19, $0x2;
	[dreg:$0x7] =	wrdreg s4  }
0x19: {  	s7 =	sadd.s32 s7, s5;
	[dreg:$0x10] =	wrdreg s0;
	s17 =	simm.s32 $0x400  }
0x1a: {  	s18 =	simm.s32 $0x600;
	s19 =	simm.s32 $0x5;
	s23 =	simm.s32 $0x3000  }
0x1b: {  	s0 =	simm.s32 $0x2;
	s8 =	sadd.s32 s8, s2;
	[dreg:$0x4] =	wrdreg s7  }
0x1c: {  	s7 =	simm.s32 $0x100;
	[dreg:$0xf] =	wrdreg s8;
	s8 =	sshrl.u32 s24, $0x3  }
0x1d: {  	s24 =	simm.s32 $0xA800;
	s26 =	sadd.s32 s8, s5;
	s8 =	simm.s32 $0x7  }
0x1e: {  	v0 =	vimm.f32 $0.0e+00;
	s5 =	simm.s32 $0x0;
	[dreg:$0x6] =	wrdreg s26;
	s26 =	simm.s32 $0x500  }
.LBB2_1:
0x1f: {  	[dreg:$0x11] =	wrdreg s5  }
0x20: {  	_ =	strace $0x80000048  }
0x21: {  	s4 =	rddreg [dreg:$0x9]  }
0x22: {  	[tilespmem:s3], [sflag:$0x5] =	stream.linear.gather [hbm4b:s4+s3], $0x200, $0x200038;
	[tilespmem:$0x1F5C0] =	vst v63  }
0x23: {  	s5 =	rddreg [dreg:$0xa]  }
0x24: {  	[tilespmem:s17], [sflag:$0x5] =	stream.linear.gather [hbm4b:s5+s3], $0x200, $0x200038;
	[tilespmem:$0x1F5C0] =	vst v63  }
0x25: {  	s10 =	rddreg [dreg:$0xb]  }
0x26: {  	[tilespmem:s29], [sflag:$0x6] =	stream.linear.gather [hbm4b:s10+s3], $0x200, $0x200038;
	[tilespmem:$0x1F5C0] =	vst v63  }
0x27: {  	s5 =	rddreg [dreg:$0xc]  }
0x28: {  	[tilespmem:s18], [sflag:$0x6] =	stream.linear.gather [hbm4b:s5+s3], $0x200, $0x200038;
	[tilespmem:$0x1F5C0] =	vst v63  }
0x29: {  	_ =	swait.ge [sflag:s19], $0x200  }
0x2a: {  	[sflag:s19] =	ssyncset.done $0x0  }
0x2b: {  	[sflag:s19] =	ssyncadd.s32 $0xFFFFFE00  }
0x2c: {  	_ =	swait.ge [sflag:s19], $0x200  }
0x2d: {  	[sflag:s19] =	ssyncset.done $0x0  }
0x2e: {  	[sflag:s19] =	ssyncadd.s32 $0xFFFFFE00  }
0x2f: {  	[tilespmem:s21], [sflag:$0x1] =	stream.indirect.gather [hbm4b:s1+s20], $0x80, s3, s20, $0x2000b8;
	[tilespmem:$0x1F5C0] =	vst v63  }
0x30: {  	s10 =	simm.s32 $0x80  }
0x31: {  	[tilespmem:s23], [sflag:$0x2] =	stream.indirect.gather [hbm4b:s1+s20], $0x80, s10, s20, $0x2000b8;
	[tilespmem:$0x1F5C0] =	vst v63  }
0x32: {  	_ = 	snop  }
0x33: {  	[tilespmem:s25], [sflag:$0x3] =	stream.indirect.gather [hbm4b:s1+s20], $0x80, s7, s20, $0x2000b8;
	[tilespmem:$0x1F5C0] =	vst v63  }
0x34: {  	s4 =	simm.s32 $0x0;
	s10 =	simm.s32 $0x200  }
0x35: {  	[tilespmem:s28], [sflag:$0x4] =	stream.indirect.gather [hbm4b:s1+s20], $0x80, s22, s20, $0x2000b8;
	[tilespmem:$0x1F5C0] =	vst v63  }
.LBB2_2:
0x36: {  	p0 =	sne.s32 s10, $0x4E00;
	[tilespmem:s4+$0xA870] =	vst v0  }
0x37: {  	[tilespmem:s4+$0xA800] =	vst v0  }
0x38: {  	[tilespmem:s4+$0xA810] =	vst v0  }
.Ltmp0:
0x39: {  	[tilespmem:s4+$0xA820] =	vst v0;
	(pc) =	sbr.rel @p0 .LBB2_2-.Ltmp0, $4  }
0x3a: {  	[tilespmem:s4+$0xA830] =	vst v0  }
0x3b: {  	[tilespmem:s4+$0xA840] =	vst v0  }
0x3c: {  	[tilespmem:s4+$0xA850] =	vst v0  }
0x3d: {  	[tilespmem:s4+$0xA860] =	vst v0;
	s4 =	sshra.s32 s10, $0x2;
	s10 =	sadd.s32 $0x200, s10  }
0x3e: {  	[tilespmem:s4+$0xA870] =	vst v0  }
0x3f: {  	[tilespmem:s4+$0xA800] =	vst v0  }
0x40: {  	[tilespmem:s4+$0xA810] =	vst v0  }
0x41: {  	[tilespmem:s4+$0xA820] =	vst v0;
	p0 =	sne.s32 s14, $0x1  }
.Ltmp1:
0x42: {  	[tilespmem:s4+$0xA830] =	vst v0;
	(pc) =	sbr.rel @!p0 .LBB2_5-.Ltmp1, $4  }
0x43: {  	[tilespmem:s4+$0xA840] =	vst v0  }
0x44: {  	[tilespmem:s4+$0xA850] =	vst v0  }
0x45: {  	[tilespmem:s4+$0xA860] =	vst v0;
	s5 =	rddreg [dreg:$0xf];
	s4 =	sadd.s32 $0xFFFFFFFF, s14  }
0x46: {  	[spmem:s5] =	stream.linear.scatter [tilespmem:s24], [sflag:$0xB], $0x1400, $0x200038;
	[tilespmem:$0x1F5C0] =	vst v63  }
.LBB2_4:
0x47: {  	p1 =	sne.s32 s4, $0x1  }
.Ltmp2:
0x48: {  	_ = 	snop;
	(pc) =	sbr.rel @p1 .LBB2_4-.Ltmp2, $3  }
0x49: {  	_ = 	snop  }
0x4a: {  	s4 =	sadd.s32 $0xFFFFFFFF, s4;
	s5 =	sadd.s32 $0x1400, s5;
	_ =	sdelay $0x1  }
0x4b: {  	[spmem:s5] =	stream.linear.scatter [tilespmem:s24], [sflag:$0xB], $0x1400, $0x200038;
	[tilespmem:$0x1F5C0] =	vst v63  }
.LBB2_5:
.Ltmp3:
0x4c: {  	(pc) =	sbr.rel @!p0 .LBB2_7-.Ltmp3, $3  }
0x4d: {  	_ =	sdelay $0x1  }
0x4e: {  	_ =	swait.ge [sflag:s6], $0x1400;
	s4 =	sadd.s32 $0xFFFFFFFF, s14  }
0x4f: {  	s5 =	simm.s32 $0x480;
	s10 =	simm.s32 $0x580;
	[sflag:s6] =	ssyncset.done $0x0  }
.LBB2_6:
0x50: {  	p0 =	sne.s32 s4, $0x1;
	s4 =	sadd.s32 $0xFFFFFFFF, s4;
	[sflag:s6] =	ssyncadd.s32 $0xFFFFEC00  }
.Ltmp4:
0x51: {  	(pc) =	sbr.rel @p0 .LBB2_6-.Ltmp4, $3  }
0x52: {  	_ =	sdelay $0x1  }
0x53: {  	_ =	swait.ge [sflag:s6], $0x1400  }
0x54: {  	[sflag:s6] =	ssyncset.done $0x0  }
.LBB2_7:
0x55: {  	[sflag:s6] =	ssyncadd.s32 $0xFFFFEC00  }
0x56: {  	[bflag:$0x0] =	sbarrier.arrive $0xFFFF  }
0x57: {  	_ =	strace $0x90000048  }
0x58: {  	_ =	strace $0x80000049  }
0x59: {  	_ =	swait.ge [sflag:s30], $0x200  }
0x5a: {  	[sflag:s30] =	ssyncset.done $0x0  }
0x5b: {  	[sflag:s30] =	ssyncadd.s32 $0xFFFFFE00  }
0x5c: {  	_ =	swait.ge [sflag:s30], $0x200  }
0x5d: {  	[sflag:s30] =	ssyncset.done $0x0  }
0x5e: {  	[sflag:s30] =	ssyncadd.s32 $0xFFFFFE00  }
0x5f: {  	_ =	swait.ge [sflag:s31], $0x2800  }
0x60: {  	[sflag:s31] =	ssyncset.done $0x0  }
0x61: {  	[sflag:s31] =	ssyncadd.s32 $0xFFFFD800  }
0x62: {  	[spmem:s2] =	stream.indirect.scatter.add.f32 [tilespmem:s21], [sflag:$0x7], $0x80, s17, s20, $0x2000b8;
	[tilespmem:$0x1F5C0] =	vst v63  }
0x63: {  	_ =	swait.ge [sflag:s0], $0x2800  }
0x64: {  	[sflag:s0] =	ssyncset.done $0x0  }
0x65: {  	[sflag:s0] =	ssyncadd.s32 $0xFFFFD800  }
0x66: {  	[spmem:s2] =	stream.indirect.scatter.add.f32 [tilespmem:s23], [sflag:$0x8], $0x80, s5, s20, $0x2000b8;
	[tilespmem:$0x1F5C0] =	vst v63  }
0x67: {  	_ =	swait.ge [sflag:s8], $0x2800  }
0x68: {  	[sflag:s8] =	ssyncset.done $0x0  }
0x69: {  	[sflag:s8] =	ssyncadd.s32 $0xFFFFD800  }
0x6a: {  	[tilespmem:s21], [sflag:$0x1] =	stream.indirect.gather [hbm4b:s1+s20], $0x80, s29, s20, $0x2000b8;
	[tilespmem:$0x1F5C0] =	vst v63  }
0x6b: {  	_ =	swait.ge [sflag:s9], $0x2800  }
0x6c: {  	[sflag:s9] =	ssyncset.done $0x0  }
0x6d: {  	[sflag:s9] =	ssyncadd.s32 $0xFFFFD800  }
0x6e: {  	[spmem:s2] =	stream.indirect.scatter.add.f32 [tilespmem:s25], [sflag:$0x9], $0x80, s26, s20, $0x2000b8;
	[tilespmem:$0x1F5C0] =	vst v63  }
0x6f: {  	_ =	swait.ge [sflag:s13], $0x2800  }
0x70: {  	[sflag:s13] =	ssyncset.done $0x0  }
0x71: {  	[sflag:s13] =	ssyncadd.s32 $0xFFFFD800  }
0x72: {  	[tilespmem:s23], [sflag:$0x2] =	stream.indirect.gather [hbm4b:s1+s20], $0x80, s16, s20, $0x2000b8;
	[tilespmem:$0x1F5C0] =	vst v63  }
0x73: {  	_ =	swait.ge [sflag:s15], $0x2800  }
0x74: {  	[sflag:s15] =	ssyncset.done $0x0  }
0x75: {  	[sflag:s15] =	ssyncadd.s32 $0xFFFFD800  }
0x76: {  	[spmem:s2] =	stream.indirect.scatter.add.f32 [tilespmem:s28], [sflag:$0xA], $0x80, s10, s20, $0x2000b8;
	[tilespmem:$0x1F5C0] =	vst v63  }
0x77: {  	_ =	swait.ge [sflag:s12], $0x2800  }
0x78: {  	[sflag:s12] =	ssyncset.done $0x0  }
0x79: {  	s4 =	simm.s32 $0x300;
	[sflag:s12] =	ssyncadd.s32 $0xFFFFD800  }
0x7a: {  	[tilespmem:s25], [sflag:$0x3] =	stream.indirect.gather [hbm4b:s1+s20], $0x80, s4, s20, $0x2000b8;
	[tilespmem:$0x1F5C0] =	vst v63  }
0x7b: {  	_ =	swait.ge [sflag:s11], $0x2800  }
0x7c: {  	[sflag:s11] =	ssyncset.done $0x0  }
0x7d: {  	s26 =	simm.s32 $0x380;
	s16 =	rddreg [dreg:$0x7];
	[sflag:s11] =	ssyncadd.s32 $0xFFFFD800  }
0x7e: {  	[tilespmem:s28], [sflag:$0x4] =	stream.indirect.gather [hbm4b:s1+s20], $0x80, s26, s20, $0x2000b8;
	[tilespmem:$0x1F5C0] =	vst v63  }
0x7f: {  	s24 =	rddreg [dreg:$0x6];
	s4 =	sadd.s32 $0x0, s16  }
0x80: {  	[tilespmem:s3], [sflag:$0x5] =	stream.linear.gather [hbm4b:s4+s3], $0x200, $0x200038;
	[tilespmem:$0x1F5C0] =	vst v63  }
0x81: {  	s14 =	sadd.s32 $0x0, s24  }
0x82: {  	[tilespmem:s17], [sflag:$0x5] =	stream.linear.gather [hbm4b:s14+s3], $0x200, $0x200038;
	[tilespmem:$0x1F5C0] =	vst v63  }
0x83: {  	_ =	swait.ge [sflag:s19], $0x200  }
0x84: {  	[sflag:s19] =	ssyncset.done $0x0  }
0x85: {  	[sflag:s19] =	ssyncadd.s32 $0xFFFFFE00  }
0x86: {  	_ =	swait.ge [sflag:s19], $0x200  }
0x87: {  	[sflag:s19] =	ssyncset.done $0x0  }
0x88: {  	[sflag:s19] =	ssyncadd.s32 $0xFFFFFE00  }
0x89: {  	_ =	swait.ge [sflag:s31], $0x2800  }
0x8a: {  	[sflag:s31] =	ssyncset.done $0x0  }
0x8b: {  	[sflag:s31] =	ssyncadd.s32 $0xFFFFD800  }
0x8c: {  	[spmem:s2] =	stream.indirect.scatter.add.f32 [tilespmem:s21], [sflag:$0x7], $0x80, s18, s20, $0x2000b8;
	[tilespmem:$0x1F5C0] =	vst v63  }
0x8d: {  	_ =	swait.ge [sflag:s0], $0x2800  }
0x8e: {  	[sflag:s0] =	ssyncset.done $0x0  }
0x8f: {  	s16 =	simm.s32 $0x680;
	[sflag:s0] =	ssyncadd.s32 $0xFFFFD800  }
0x90: {  	[spmem:s2] =	stream.indirect.scatter.add.f32 [tilespmem:s23], [sflag:$0x8], $0x80, s16, s20, $0x2000b8;
	[tilespmem:$0x1F5C0] =	vst v63  }
0x91: {  	_ =	swait.ge [sflag:s8], $0x2800  }
0x92: {  	[sflag:s8] =	ssyncset.done $0x0  }
0x93: {  	[sflag:s8] =	ssyncadd.s32 $0xFFFFD800  }
0x94: {  	[tilespmem:s21], [sflag:$0x1] =	stream.indirect.gather [hbm4b:s1+s20], $0x80, s3, s20, $0x2000b8;
	[tilespmem:$0x1F5C0] =	vst v63  }
0x95: {  	_ =	swait.ge [sflag:s9], $0x2800  }
0x96: {  	[sflag:s9] =	ssyncset.done $0x0  }
0x97: {  	s17 =	simm.s32 $0x700;
	[sflag:s9] =	ssyncadd.s32 $0xFFFFD800  }
0x98: {  	[spmem:s2] =	stream.indirect.scatter.add.f32 [tilespmem:s25], [sflag:$0x9], $0x80, s17, s20, $0x2000b8;
	[tilespmem:$0x1F5C0] =	vst v63  }
0x99: {  	_ =	swait.ge [sflag:s13], $0x2800  }
0x9a: {  	[sflag:s13] =	ssyncset.done $0x0  }
0x9b: {  	s14 =	simm.s32 $0x80;
	[sflag:s13] =	ssyncadd.s32 $0xFFFFD800  }
0x9c: {  	[tilespmem:s23], [sflag:$0x2] =	stream.indirect.gather [hbm4b:s1+s20], $0x80, s14, s20, $0x2000b8;
	[tilespmem:$0x1F5C0] =	vst v63  }
0x9d: {  	_ =	swait.ge [sflag:s15], $0x2800  }
0x9e: {  	[sflag:s15] =	ssyncset.done $0x0  }
0x9f: {  	s18 =	simm.s32 $0x780;
	[sflag:s15] =	ssyncadd.s32 $0xFFFFD800  }
0xa0: {  	[spmem:s2] =	stream.indirect.scatter.add.f32 [tilespmem:s28], [sflag:$0xA], $0x80, s18, s20, $0x2000b8;
	[tilespmem:$0x1F5C0] =	vst v63  }
0xa1: {  	_ =	swait.ge [sflag:s12], $0x2800  }
0xa2: {  	[sflag:s12] =	ssyncset.done $0x0  }
0xa3: {  	[sflag:s12] =	ssyncadd.s32 $0xFFFFD800  }
0xa4: {  	[tilespmem:s25], [sflag:$0x3] =	stream.indirect.gather [hbm4b:s1+s20], $0x80, s7, s20, $0x2000b8;
	[tilespmem:$0x1F5C0] =	vst v63  }
0xa5: {  	s16 =	simm.s32 $0x600;
	_ =	swait.ge [sflag:s11], $0x2800  }
0xa6: {  	s17 =	simm.s32 $0x400;
	[sflag:s11] =	ssyncset.done $0x0;
	s24 =	rddreg [dreg:$0x5]  }
0xa7: {  	s18 =	simm.s32 $0x200;
	s26 =	rddreg [dreg:$0x4];
	[sflag:s11] =	ssyncadd.s32 $0xFFFFD800  }
0xa8: {  	[tilespmem:s28], [sflag:$0x4] =	stream.indirect.gather [hbm4b:s1+s20], $0x80, s22, s20, $0x2000b8;
	[tilespmem:$0x1F5C0] =	vst v63  }
0xa9: {  	s4 =	sadd.s32 $0x0, s24;
	s5 =	sadd.s32 $0x0, s26;
	s24 =	simm.s32 $0x180  }
0xaa: {  	[tilespmem:s29], [sflag:$0x6] =	stream.linear.gather [hbm4b:s4+s3], $0x200, $0x200038;
	[tilespmem:$0x1F5C0] =	vst v63  }
0xab: {  	s26 =	simm.s32 $0x480;
	s22 =	simm.s32 $0x100;
	s4 =	simm.s32 $0x80  }
.LBB2_8:
0xac: {  	[tilespmem:s16], [sflag:$0x6] =	stream.linear.gather [hbm4b:s5+s3], $0x200, $0x200038;
	[tilespmem:$0x1F5C0] =	vst v63  }
0xad: {  	_ =	swait.ge [sflag:s30], $0x200  }
0xae: {  	[sflag:s30] =	ssyncset.done $0x0  }
0xaf: {  	[sflag:s30] =	ssyncadd.s32 $0xFFFFFE00  }
0xb0: {  	_ =	swait.ge [sflag:s30], $0x200  }
0xb1: {  	[sflag:s30] =	ssyncset.done $0x0  }
0xb2: {  	[sflag:s30] =	ssyncadd.s32 $0xFFFFFE00  }
0xb3: {  	_ =	swait.ge [sflag:s31], $0x2800  }
0xb4: {  	[sflag:s31] =	ssyncset.done $0x0  }
0xb5: {  	[sflag:s31] =	ssyncadd.s32 $0xFFFFD800  }
0xb6: {  	[spmem:s2] =	stream.indirect.scatter.add.f32 [tilespmem:s21], [sflag:$0x7], $0x80, s17, s20, $0x2000b8;
	[tilespmem:$0x1F5C0] =	vst v63  }
0xb7: {  	_ =	swait.ge [sflag:s0], $0x2800  }
0xb8: {  	[sflag:s0] =	ssyncset.done $0x0  }
0xb9: {  	[sflag:s0] =	ssyncadd.s32 $0xFFFFD800  }
0xba: {  	[spmem:s2] =	stream.indirect.scatter.add.f32 [tilespmem:s23], [sflag:$0x8], $0x80, s26, s20, $0x2000b8;
	[tilespmem:$0x1F5C0] =	vst v63  }
0xbb: {  	_ =	swait.ge [sflag:s8], $0x2800  }
0xbc: {  	[sflag:s8] =	ssyncset.done $0x0  }
0xbd: {  	[sflag:s8] =	ssyncadd.s32 $0xFFFFD800  }
0xbe: {  	[tilespmem:s21], [sflag:$0x1] =	stream.indirect.gather [hbm4b:s1+s20], $0x80, s18, s20, $0x2000b8;
	[tilespmem:$0x1F5C0] =	vst v63  }
0xbf: {  	_ =	swait.ge [sflag:s9], $0x2800  }
0xc0: {  	[sflag:s9] =	ssyncset.done $0x0  }
0xc1: {  	s7 =	simm.s32 $0x500;
	[sflag:s9] =	ssyncadd.s32 $0xFFFFD800  }
0xc2: {  	[spmem:s2] =	stream.indirect.scatter.add.f32 [tilespmem:s25], [sflag:$0x9], $0x80, s7, s20, $0x2000b8;
	[tilespmem:$0x1F5C0] =	vst v63  }
0xc3: {  	_ =	swait.ge [sflag:s13], $0x2800  }
0xc4: {  	[sflag:s13] =	ssyncset.done $0x0  }
0xc5: {  	s29 =	simm.s32 $0x280;
	[sflag:s13] =	ssyncadd.s32 $0xFFFFD800  }
0xc6: {  	[tilespmem:s23], [sflag:$0x2] =	stream.indirect.gather [hbm4b:s1+s20], $0x80, s29, s20, $0x2000b8;
	[tilespmem:$0x1F5C0] =	vst v63  }
0xc7: {  	_ =	swait.ge [sflag:s15], $0x2800  }
0xc8: {  	[sflag:s15] =	ssyncset.done $0x0  }
0xc9: {  	s7 =	simm.s32 $0x580;
	[sflag:s15] =	ssyncadd.s32 $0xFFFFD800  }
0xca: {  	[spmem:s2] =	stream.indirect.scatter.add.f32 [tilespmem:s28], [sflag:$0xA], $0x80, s7, s20, $0x2000b8;
	[tilespmem:$0x1F5C0] =	vst v63  }
0xcb: {  	_ =	swait.ge [sflag:s12], $0x2800  }
0xcc: {  	[sflag:s12] =	ssyncset.done $0x0  }
0xcd: {  	s29 =	simm.s32 $0x300;
	[sflag:s12] =	ssyncadd.s32 $0xFFFFD800  }
0xce: {  	[tilespmem:s25], [sflag:$0x3] =	stream.indirect.gather [hbm4b:s1+s20], $0x80, s29, s20, $0x2000b8;
	[tilespmem:$0x1F5C0] =	vst v63  }
0xcf: {  	_ =	swait.ge [sflag:s11], $0x2800  }
0xd0: {  	s10 =	smov.u32 s4;
	[sflag:s11] =	ssyncset.done $0x0  }
0xd1: {  	s29 =	simm.s32 $0x380;
	s5 =	rddreg [dreg:$0x7];
	[sflag:s11] =	ssyncadd.s32 $0xFFFFD800  }
0xd2: {  	[tilespmem:s28], [sflag:$0x4] =	stream.indirect.gather [hbm4b:s1+s20], $0x80, s29, s20, $0x2000b8;
	[tilespmem:$0x1F5C0] =	vst v63  }
0xd3: {  	s7 =	rddreg [dreg:$0x6];
	s5 =	sadd.s32 s10, s5  }
0xd4: {  	[tilespmem:s3], [sflag:$0x5] =	stream.linear.gather [hbm4b:s5+s3], $0x200, $0x200038;
	[tilespmem:$0x1F5C0] =	vst v63  }
0xd5: {  	s7 =	sadd.s32 s10, s7  }
0xd6: {  	[tilespmem:s17], [sflag:$0x5] =	stream.linear.gather [hbm4b:s7+s3], $0x200, $0x200038;
	[tilespmem:$0x1F5C0] =	vst v63  }
0xd7: {  	_ =	swait.ge [sflag:s19], $0x200  }
0xd8: {  	[sflag:s19] =	ssyncset.done $0x0  }
0xd9: {  	[sflag:s19] =	ssyncadd.s32 $0xFFFFFE00  }
0xda: {  	_ =	swait.ge [sflag:s19], $0x200  }
0xdb: {  	[sflag:s19] =	ssyncset.done $0x0  }
0xdc: {  	[sflag:s19] =	ssyncadd.s32 $0xFFFFFE00  }
0xdd: {  	_ =	swait.ge [sflag:s31], $0x2800  }
0xde: {  	[sflag:s31] =	ssyncset.done $0x0  }
0xdf: {  	[sflag:s31] =	ssyncadd.s32 $0xFFFFD800  }
0xe0: {  	[spmem:s2] =	stream.indirect.scatter.add.f32 [tilespmem:s21], [sflag:$0x7], $0x80, s16, s20, $0x2000b8;
	[tilespmem:$0x1F5C0] =	vst v63  }
0xe1: {  	_ =	swait.ge [sflag:s0], $0x2800  }
0xe2: {  	[sflag:s0] =	ssyncset.done $0x0  }
0xe3: {  	s29 =	simm.s32 $0x680;
	[sflag:s0] =	ssyncadd.s32 $0xFFFFD800  }
0xe4: {  	[spmem:s2] =	stream.indirect.scatter.add.f32 [tilespmem:s23], [sflag:$0x8], $0x80, s29, s20, $0x2000b8;
	[tilespmem:$0x1F5C0] =	vst v63  }
0xe5: {  	_ =	swait.ge [sflag:s8], $0x2800  }
0xe6: {  	[sflag:s8] =	ssyncset.done $0x0  }
0xe7: {  	[sflag:s8] =	ssyncadd.s32 $0xFFFFD800  }
0xe8: {  	[tilespmem:s21], [sflag:$0x1] =	stream.indirect.gather [hbm4b:s1+s20], $0x80, s3, s20, $0x2000b8;
	[tilespmem:$0x1F5C0] =	vst v63  }
0xe9: {  	_ =	swait.ge [sflag:s9], $0x2800  }
0xea: {  	[sflag:s9] =	ssyncset.done $0x0  }
0xeb: {  	s7 =	simm.s32 $0x700;
	[sflag:s9] =	ssyncadd.s32 $0xFFFFD800  }
0xec: {  	[spmem:s2] =	stream.indirect.scatter.add.f32 [tilespmem:s25], [sflag:$0x9], $0x80, s7, s20, $0x2000b8;
	[tilespmem:$0x1F5C0] =	vst v63  }
0xed: {  	_ =	swait.ge [sflag:s13], $0x2800  }
0xee: {  	[sflag:s13] =	ssyncset.done $0x0  }
0xef: {  	[sflag:s13] =	ssyncadd.s32 $0xFFFFD800  }
0xf0: {  	[tilespmem:s23], [sflag:$0x2] =	stream.indirect.gather [hbm4b:s1+s20], $0x80, s14, s20, $0x2000b8;
	[tilespmem:$0x1F5C0] =	vst v63  }
0xf1: {  	_ =	swait.ge [sflag:s15], $0x2800  }
0xf2: {  	[sflag:s15] =	ssyncset.done $0x0  }
0xf3: {  	s29 =	simm.s32 $0x780;
	[sflag:s15] =	ssyncadd.s32 $0xFFFFD800  }
0xf4: {  	[spmem:s2] =	stream.indirect.scatter.add.f32 [tilespmem:s28], [sflag:$0xA], $0x80, s29, s20, $0x2000b8;
	[tilespmem:$0x1F5C0] =	vst v63  }
0xf5: {  	_ =	swait.ge [sflag:s12], $0x2800  }
0xf6: {  	[sflag:s12] =	ssyncset.done $0x0  }
0xf7: {  	[sflag:s12] =	ssyncadd.s32 $0xFFFFD800  }
0xf8: {  	[tilespmem:s25], [sflag:$0x3] =	stream.indirect.gather [hbm4b:s1+s20], $0x80, s22, s20, $0x2000b8;
	[tilespmem:$0x1F5C0] =	vst v63  }
0xf9: {  	_ =	swait.ge [sflag:s11], $0x2800  }
0xfa: {  	p0 =	sne.s32 s4, $0x700;
	[sflag:s11] =	ssyncset.done $0x0  }
.Ltmp5:
0xfb: {  	s7 =	rddreg [dreg:$0x5];
	[sflag:s11] =	ssyncadd.s32 $0xFFFFD800;
	(pc) =	sbr.rel @p0 .LBB2_8-.Ltmp5, $4  }
0xfc: {  	[tilespmem:s28], [sflag:$0x4] =	stream.indirect.gather [hbm4b:s1+s20], $0x80, s24, s20, $0x2000b8;
	[tilespmem:$0x1F5C0] =	vst v63  }
0xfd: {  	s29 =	rddreg [dreg:$0x4];
	s5 =	sadd.s32 s10, s7  }
0xfe: {  	[tilespmem:s18], [sflag:$0x6] =	stream.linear.gather [hbm4b:s5+s3], $0x200, $0x200038;
	[tilespmem:$0x1F5C0] =	vst v63  }
0xff: {  	s4 =	sadd.s32 $0x80, s4;
	s5 =	sadd.s32 s10, s29  }
0x100: {  	[tilespmem:s16], [sflag:$0x6] =	stream.linear.gather [hbm4b:s5+s3], $0x200, $0x200038;
	[tilespmem:$0x1F5C0] =	vst v63  }
0x101: {  	_ =	swait.ge [sflag:s30], $0x200  }
0x102: {  	[sflag:s30] =	ssyncset.done $0x0  }
0x103: {  	[sflag:s30] =	ssyncadd.s32 $0xFFFFFE00  }
0x104: {  	_ =	swait.ge [sflag:s30], $0x200  }
0x105: {  	[sflag:s30] =	ssyncset.done $0x0  }
0x106: {  	[sflag:s30] =	ssyncadd.s32 $0xFFFFFE00  }
0x107: {  	_ =	swait.ge [sflag:s31], $0x2800  }
0x108: {  	[sflag:s31] =	ssyncset.done $0x0  }
0x109: {  	[sflag:s31] =	ssyncadd.s32 $0xFFFFD800  }
0x10a: {  	[spmem:s2] =	stream.indirect.scatter.add.f32 [tilespmem:s21], [sflag:$0x7], $0x80, s17, s20, $0x2000b8;
	[tilespmem:$0x1F5C0] =	vst v63  }
0x10b: {  	_ =	swait.ge [sflag:s0], $0x2800  }
0x10c: {  	[sflag:s0] =	ssyncset.done $0x0  }
0x10d: {  	[sflag:s0] =	ssyncadd.s32 $0xFFFFD800  }
0x10e: {  	[spmem:s2] =	stream.indirect.scatter.add.f32 [tilespmem:s23], [sflag:$0x8], $0x80, s26, s20, $0x2000b8;
	[tilespmem:$0x1F5C0] =	vst v63  }
0x10f: {  	_ =	swait.ge [sflag:s8], $0x2800  }
0x110: {  	[sflag:s8] =	ssyncset.done $0x0  }
0x111: {  	[sflag:s8] =	ssyncadd.s32 $0xFFFFD800  }
0x112: {  	[tilespmem:s21], [sflag:$0x1] =	stream.indirect.gather [hbm4b:s1+s20], $0x80, s18, s20, $0x2000b8;
	[tilespmem:$0x1F5C0] =	vst v63  }
0x113: {  	_ =	swait.ge [sflag:s9], $0x2800  }
0x114: {  	[sflag:s9] =	ssyncset.done $0x0  }
0x115: {  	s4 =	simm.s32 $0x500;
	[sflag:s9] =	ssyncadd.s32 $0xFFFFD800  }
0x116: {  	[spmem:s2] =	stream.indirect.scatter.add.f32 [tilespmem:s25], [sflag:$0x9], $0x80, s4, s20, $0x2000b8;
	[tilespmem:$0x1F5C0] =	vst v63  }
0x117: {  	_ =	swait.ge [sflag:s13], $0x2800  }
0x118: {  	[sflag:s13] =	ssyncset.done $0x0  }
0x119: {  	s7 =	simm.s32 $0x280;
	[sflag:s13] =	ssyncadd.s32 $0xFFFFD800  }
0x11a: {  	[tilespmem:s23], [sflag:$0x2] =	stream.indirect.gather [hbm4b:s1+s20], $0x80, s7, s20, $0x2000b8;
	[tilespmem:$0x1F5C0] =	vst v63  }
0x11b: {  	_ =	swait.ge [sflag:s15], $0x2800  }
0x11c: {  	[sflag:s15] =	ssyncset.done $0x0  }
0x11d: {  	s10 =	simm.s32 $0x580;
	[sflag:s15] =	ssyncadd.s32 $0xFFFFD800  }
0x11e: {  	[spmem:s2] =	stream.indirect.scatter.add.f32 [tilespmem:s28], [sflag:$0xA], $0x80, s10, s20, $0x2000b8;
	[tilespmem:$0x1F5C0] =	vst v63  }
0x11f: {  	_ =	swait.ge [sflag:s12], $0x2800  }
0x120: {  	[sflag:s12] =	ssyncset.done $0x0  }
0x121: {  	s14 =	simm.s32 $0x300;
	[sflag:s12] =	ssyncadd.s32 $0xFFFFD800  }
0x122: {  	[tilespmem:s25], [sflag:$0x3] =	stream.indirect.gather [hbm4b:s1+s20], $0x80, s14, s20, $0x2000b8;
	[tilespmem:$0x1F5C0] =	vst v63  }
0x123: {  	_ =	swait.ge [sflag:s11], $0x2800  }
0x124: {  	[sflag:s11] =	ssyncset.done $0x0  }
0x125: {  	s17 =	simm.s32 $0x380;
	[sflag:s11] =	ssyncadd.s32 $0xFFFFD800  }
0x126: {  	[tilespmem:s28], [sflag:$0x4] =	stream.indirect.gather [hbm4b:s1+s20], $0x80, s17, s20, $0x2000b8;
	[tilespmem:$0x1F5C0] =	vst v63  }
0x127: {  	_ =	swait.ge [sflag:s31], $0x2800  }
0x128: {  	[sflag:s31] =	ssyncset.done $0x0  }
0x129: {  	[sflag:s31] =	ssyncadd.s32 $0xFFFFD800  }
0x12a: {  	[spmem:s2] =	stream.indirect.scatter.add.f32 [tilespmem:s21], [sflag:$0x7], $0x80, s16, s20, $0x2000b8;
	[tilespmem:$0x1F5C0] =	vst v63  }
0x12b: {  	_ =	swait.ge [sflag:s0], $0x2800  }
0x12c: {  	[sflag:s0] =	ssyncset.done $0x0  }
0x12d: {  	s18 =	simm.s32 $0x680;
	[sflag:s0] =	ssyncadd.s32 $0xFFFFD800  }
0x12e: {  	[spmem:s2] =	stream.indirect.scatter.add.f32 [tilespmem:s23], [sflag:$0x8], $0x80, s18, s20, $0x2000b8;
	[tilespmem:$0x1F5C0] =	vst v63  }
0x12f: {  	_ =	swait.ge [sflag:s9], $0x2800  }
0x130: {  	[sflag:s9] =	ssyncset.done $0x0  }
0x131: {  	s22 =	simm.s32 $0x700;
	[sflag:s9] =	ssyncadd.s32 $0xFFFFD800  }
0x132: {  	[spmem:s2] =	stream.indirect.scatter.add.f32 [tilespmem:s25], [sflag:$0x9], $0x80, s22, s20, $0x2000b8;
	[tilespmem:$0x1F5C0] =	vst v63  }
0x133: {  	_ =	swait.ge [sflag:s15], $0x2800  }
0x134: {  	[sflag:s15] =	ssyncset.done $0x0  }
0x135: {  	s24 =	simm.s32 $0x780;
	[sflag:s15] =	ssyncadd.s32 $0xFFFFD800  }
0x136: {  	[spmem:s2] =	stream.indirect.scatter.add.f32 [tilespmem:s28], [sflag:$0xA], $0x80, s24, s20, $0x2000b8;
	[tilespmem:$0x1F5C0] =	vst v63  }
0x137: {  	_ =	swait.ge [sflag:s8], $0x2800  }
0x138: {  	[sflag:s8] =	ssyncset.done $0x0  }
0x139: {  	[sflag:s8] =	ssyncadd.s32 $0xFFFFD800  }
0x13a: {  	_ =	swait.ge [sflag:s13], $0x2800  }
0x13b: {  	[sflag:s13] =	ssyncset.done $0x0  }
0x13c: {  	[sflag:s13] =	ssyncadd.s32 $0xFFFFD800  }
0x13d: {  	_ =	swait.ge [sflag:s12], $0x2800  }
0x13e: {  	[sflag:s12] =	ssyncset.done $0x0  }
0x13f: {  	[sflag:s12] =	ssyncadd.s32 $0xFFFFD800  }
0x140: {  	_ =	swait.ge [sflag:s11], $0x2800  }
0x141: {  	[sflag:s11] =	ssyncset.done $0x0  }
0x142: {  	[sflag:s11] =	ssyncadd.s32 $0xFFFFD800  }
0x143: {  	[bflag:$0x0] =	sbarrier.arrive $0xFFFF  }
0x144: {  	_ =	strace $0x90000049  }
0x145: {  	s26 =	stileid.u32;
	_ =	strace $0x8000004A  }
0x146: {  	s4 =	sshll.u32 s26, $0x6;
	s7 =	rddreg [dreg:$0xf]  }
0x147: {  	s4 =	sor.u32 $0x1C0B, s4;
	s14 =	rddreg [dreg:$0x10];
	s29 =	sshrl.u32 s7, $0x3  }
0x148: {  	[hbm:s14], [sflag:s4] =	dma.local [spmem:s29], $0x280  }
0x149: {  	s5 =	rddreg [dreg:$0xd]  }
0x14a: {  	p0 =	sne.s32 s5, $0x1  }
.Ltmp6:
0x14b: {  	_ = 	snop;
	(pc) =	sbr.rel @!p0 .LBB2_11-.Ltmp6, $3  }
0x14c: {  	_ =	sdelay $0x1  }
0x14d: {  	s26 =	simm.s32 $0x500;
	s16 =	simm.s32 $0x280;
	s18 =	simm.s32 $0x600  }
0x14e: {  	s7 =	sadd.s32 $0x1400, s7;
	s10 =	sadd.s32 $0xFFFFFFFF, s5;
	s5 =	smov.u32 s14  }
.LBB2_10:
0x14f: {  	p1 =	sne.s32 s10, $0x1;
	s10 =	sadd.s32 $0xFFFFFFFF, s10  }
.Ltmp7:
0x150: {  	s14 =	sshrl.u32 s7, $0x3;
	s5 =	sadd.s32 $0x280, s5;
	(pc) =	sbr.rel @p1 .LBB2_10-.Ltmp7, $3  }
0x151: {  	[hbm:s5], [sflag:s4] =	dma.local [spmem:s14], $0x280  }
0x152: {  	_ =	sdelay $0x1  }
0x153: {  	s7 =	sadd.s32 $0x1400, s7  }
.LBB2_11:
.Ltmp8:
0x154: {  	(pc) =	sbr.rel @!p0 .LBB2_13-.Ltmp8, $4  }
0x155: {  	_ = 	snop  }
0x156: {  	_ =	swait.ge [sflag:s6], $0x280  }
0x157: {  	s22 =	simm.s32 $0x180;
	s4 =	rddreg [dreg:$0xd]  }
0x158: {  	s24 =	simm.s32 $0xA800;
	[sflag:s6] =	ssyncset.done $0x0;
	s4 =	sadd.s32 $0xFFFFFFFF, s4  }
.LBB2_12:
0x159: {  	p0 =	sne.s32 s4, $0x1;
	s4 =	sadd.s32 $0xFFFFFFFF, s4;
	[sflag:s6] =	ssyncadd.s32 $0xFFFFFD80  }
.Ltmp9:
0x15a: {  	(pc) =	sbr.rel @p0 .LBB2_12-.Ltmp9, $3  }
0x15b: {  	_ =	sdelay $0x1  }
0x15c: {  	_ =	swait.ge [sflag:s6], $0x280  }
0x15d: {  	[sflag:s6] =	ssyncset.done $0x0  }
.LBB2_13:
0x15e: {  	s5 =	rddreg [dreg:$0x11]  }
0x15f: {  	s4 =	rddreg [dreg:$0xe];
	s5 =	sadd.s32 $0x1, s5  }
0x160: {  	p0 =	sne.s32 s5, s4  }
.Ltmp10:
0x161: {  	_ = 	snop;
	(pc) =	sbr.rel @p0 .LBB2_1-.Ltmp10, $4  }
0x162: {  	_ = 	snop  }
0x163: {  	[sflag:s6] =	ssyncadd.s32 $0xFFFFFD80  }
0x164: {  	s7 =	simm.s32 $0x100;
	_ =	strace $0x9000004A  }
0x165: {  	s17 =	simm.s32 $0x400;
	s29 =	simm.s32 $0x200;
	s14 =	rddreg [dreg:$0x8]  }
0x166: {  	_ =	sfence.sel $0x180000  }
0x167: {  	[bflag:$0x0] =	sbarrier.arrive $0xFFFF  }
0x168: {  	_ =	strace $0x90000047  }
0x169: {  	s0 =	stileid.u32;
	[bflag:$0x2] =	sbarrier.arrive $0xFFFF  }
0x16a: {  	p0 =	sne.s32 s0, $0x0;
	s0 =	rddreg [dreg:$0x3]  }
0x16b: {  	s0 =	sadd.s32 @!p0 $0x100000, s0  }
0x16c: {  	[sflag:s0] =	ssyncadd.tile.s32 @!p0 $0x1;
	_ =	shalt  }
.Lfunc_end2:
_tile_overlayer_lowered:
.L_overlay_start_2:
0x16d: {  	(tag) =	ssettag $0x2  }
0x16e: {  	s0 =	rddreg [dreg:$0x0];
	s2 =	stileid.u32  }
0x16f: {  	s1 =	rddreg [dreg:$0x1];
	p0 =	sne.s32 s2, $0x0  }
0x170: {  	s3 =	rddreg [dreg:$0x2];
	[bflag:$0x3] =	sbarrier.arrive $0xFFFF;
	s2 =	simm.s32 @!p0 $0x1C0C  }
0x171: {  	[timem:s3], [sflag:s2] =	dma.local @!p0 [hbm:s0], s1  }
0x172: {  	s0 =	simm.s32 @!p0 $0xC  }
0x173: {  	_ =	swait.ge @!p0 [sflag:s0], s1  }
0x174: {  	s1 =	ssub.s32 @!p0 $0x0, s1;
	[sflag:s0] =	ssyncset.done @!p0 $0x0  }
0x175: {  	[sflag:s0] =	ssyncadd.s32 @!p0 s1  }
0x176: {  	[bflag:$0x3] =	sbarrier.arrive $0xFFFF  }
0x177: {  	_ =	shalt  }

</sc_bundles>
